<compile_context>
chip_gen: v7x
topology: tpu7x:2x2x1
jax: 0.10.2.dev20260603
libtpu: 0.0.44.dev20260713+nightly
codegen_flags: <defaults>
</compile_context>

<pallas_src>
import functools

import jax
import jax.numpy as jnp
from jax import lax
from jax.experimental import pallas as pl
from jax.experimental.pallas import tpu as pltpu
from jax.experimental.pallas import tpu_sc as plsc

NUM_CATEGORIES = 1000000
EMBEDDING_DIM = 64

NC = 2
NS = 16
NW = NC * NS

B_ROWS = 4096
B_COLS = 100
LANES = 16

BPW = B_ROWS // NW

def _gather(pairs, idx_t):
    mesh = plsc.VectorSubcoreMesh(
        core_axis_name="c", subcore_axis_name="s", num_cores=NC, num_subcores=NS
    )

    @functools.partial(
        pl.kernel,
        out_type=jax.ShapeDtypeStruct((B_COLS, EMBEDDING_DIM, B_ROWS),
                                      jnp.float32),
        mesh=mesh,
        scratch_types=[
            pltpu.VMEM((B_COLS, BPW), jnp.int32),
            pltpu.VMEM((B_COLS, BPW), jnp.int32),
            pltpu.VMEM((B_COLS, BPW), jnp.int32),
            pltpu.VMEM((BPW, 128), jnp.float32),
            pltpu.VMEM((BPW, 128), jnp.float32),
            pltpu.VMEM((EMBEDDING_DIM, BPW), jnp.float32),
            pltpu.VMEM((EMBEDDING_DIM, BPW), jnp.float32),
            pltpu.SemaphoreType.DMA,
            pltpu.SemaphoreType.DMA,
            pltpu.SemaphoreType.DMA,
            pltpu.SemaphoreType.DMA,
        ],
        compiler_params=pltpu.CompilerParams(needs_layout_passes=False),
    )
    def k(scr_hbm, idx_hbm, out_hbm, idx_v, q_v, h_v,
          r0v, r1v, o0v, o1v, gs0, gs1, os0, os1):
        wid = lax.axis_index("s") * NC + lax.axis_index("c")
        b0 = pl.multiple_of(wid * BPW, BPW)
        iota = lax.broadcasted_iota(jnp.int32, (LANES,), 0)
        rows_v = (r0v, r1v)
        out_v = (o0v, o1v)
        gsem = (gs0, gs1)
        osem = (os0, os1)
        jvec = [jb * LANES + iota for jb in range(BPW // LANES)]
        diak = [(iota + kk) & 15 for kk in range(LANES)]

        pltpu.sync_copy(idx_hbm.at[:, pl.ds(b0, BPW)], idx_v)

        def prep(c):
            for j in range(BPW // LANES):
                iv = idx_v[c, pl.ds(j * LANES, LANES)]
                q_v[c, pl.ds(j * LANES, LANES)] = iv >> 1
                h_v[c, pl.ds(j * LANES, LANES)] = (iv & 1) << 6
        pl.loop(0, B_COLS)(prep)

        def start_gather(c, par):
            pltpu.async_copy(scr_hbm.at[q_v.at[c]], rows_v[par], gsem[par])

        def wait_gather(c, par):
            pltpu.make_async_copy(scr_hbm.at[q_v.at[c]], rows_v[par],
                                  gsem[par]).wait()

        def start_out(c, par):
            pltpu.async_copy(out_v[par], out_hbm.at[c, :, pl.ds(b0, BPW)],
                             osem[par])

        def wait_out(c, par):
            pltpu.make_async_copy(out_v[par], out_hbm.at[c, :, pl.ds(b0, BPW)],
                                  osem[par]).wait()

        def transpose(c, par):
            def per_jb(jb):
                jvecd = iota + jb * LANES
                hvec = h_v[c, pl.ds(jb * LANES, LANES)]
                for dblk in range(EMBEDDING_DIM // LANES):
                    for kk in range(LANES):
                        dvec = diak[kk] + dblk * LANES
                        x = plsc.load_gather(rows_v[par], [jvecd, hvec + dvec])
                        plsc.store_scatter(out_v[par], [dvec, jvecd], x)
            pl.loop(0, BPW // LANES)(per_jb)

        start_gather(0, 0)

        def body(t):
            for par in (0, 1):
                c = t * 2 + par

                @pl.when(c + 1 < B_COLS)
                def _():
                    start_gather(c + 1, 1 - par)

                wait_gather(c, par)

                @pl.when(c >= 2)
                def _():
                    wait_out(c - 2, par)

                transpose(c, par)
                start_out(c, par)

        pl.loop(0, B_COLS // 2)(body)
        wait_out(B_COLS - 2, 0)
        wait_out(B_COLS - 1, 1)

    return k(pairs, idx_t)


def kernel(category_indices, embedding_weight):
    idx_t = category_indices.astype(jnp.int32).T
    pairs = embedding_weight.reshape(NUM_CATEGORIES // 2, 128)
    out_t = _gather(pairs, idx_t)
    return out_t.transpose(2, 0, 1)

# --- scband reference (transcript-rebuilt; emitter-appended) ---
"""Pipeline reference for scband-edge-embedder-8761733284459 (READ-ONLY COPY).

The authoritative reference and input builder live on the scoring server;
editing this copy changes nothing except your own understanding.
"""

import jax, jax.numpy as jnp
import numpy as np

NUM_CATEGORIES = 1000000
EMBEDDING_DIM = 64

def setup_inputs(seed: int = 0) -> dict:
    key = jax.random.key(seed)
    k1, k2 = jax.random.split(key)
    category_indices = jax.random.randint(k1, (4096, 100), 0, NUM_CATEGORIES, dtype=jnp.int64 if jax.config.jax_enable_x64 else jnp.int32)
    # nn.Embedding default init: N(0, 1)
    embedding_weight = jax.random.normal(k2, (NUM_CATEGORIES, EMBEDDING_DIM), dtype=jnp.float32)
    return {"category_indices": category_indices, "embedding_weight": embedding_weight}

def reference(category_indices, embedding_weight):
    # Faithful translation of nn.Embedding(num_categories, embedding_dim, max_norm=None)
    embeddings = jnp.take(embedding_weight, category_indices, axis=0)
    return embeddings

if __name__ == "__main__":
    import jax
    _d = setup_inputs()
    print(jax.jit(kernel)(*tuple(_d.values())))

</pallas_src>

<mosaic_0001>
#map = affine_map<(d0, d1) -> (0, 0)>
#map1 = affine_map<(d0, d1) -> (0, 0, 0)>
module attributes {stable_mosaic.version = 14 : i64} {
  func.func @k(%arg0: i32, %arg1: i32, %arg2: memref<500000x128xf32, #tpu.memory_space<hbm>>, %arg3: memref<100x4096xi32, #tpu.memory_space<hbm>>, %arg4: memref<100x64x4096xf32, #tpu.memory_space<hbm>>, %arg5: memref<100x128xi32, #tpu.memory_space<vmem>>, %arg6: memref<100x128xi32, #tpu.memory_space<vmem>>, %arg7: memref<100x128xi32, #tpu.memory_space<vmem>>, %arg8: memref<128x128xf32, #tpu.memory_space<vmem>>, %arg9: memref<128x128xf32, #tpu.memory_space<vmem>>, %arg10: memref<64x128xf32, #tpu.memory_space<vmem>>, %arg11: memref<64x128xf32, #tpu.memory_space<vmem>>, %arg12: memref<!tpu.dma_semaphore, #tpu.memory_space<semaphore_mem>>, %arg13: memref<!tpu.dma_semaphore, #tpu.memory_space<semaphore_mem>>, %arg14: memref<!tpu.dma_semaphore, #tpu.memory_space<semaphore_mem>>, %arg15: memref<!tpu.dma_semaphore, #tpu.memory_space<semaphore_mem>>) attributes {dimension_semantics = [#tpu.dimension_semantics<core_parallel>, #tpu.dimension_semantics<subcore_parallel>], iteration_bounds = array<i64: 2, 16>, scalar_prefetch = 0 : i64, scratch_operands = 11 : i64, tpu.core_type = #tpu.core_type<sc_vector_subcore>, window_params = [{transform_indices = #map}, {transform_indices = #map}, {transform_indices = #map1}]} {
    %mul3A = arith.constant 2 : i32
    %mul3A_0 = arith.muli %arg1, %mul3A : i32
    %add3A = arith.addi %mul3A_0, %arg0 : i32
    %mul3A_1 = arith.constant 128 : i32
    %mul3A_2 = arith.muli %add3A, %mul3A_1 : i32
    %multiple_of3A = tpu.assume_multiple %mul3A_2, 128 : i32
    %iota3A = tpu.iota {dimensions = array<i32: 0>} : vector<16xi32>
    %add3A_3 = arith.constant 0 : i32
    %add3A_4 = vector.broadcast %add3A_3 : i32 to vector<16xi32>
    %add3A_5 = arith.addi %add3A_4, %iota3A : vector<16xi32>
    %add3A_6 = arith.constant 16 : i32
    %add3A_7 = vector.broadcast %add3A_6 : i32 to vector<16xi32>
    %add3A_8 = arith.addi %add3A_7, %iota3A : vector<16xi32>
    %add3A_9 = arith.constant 32 : i32
    %add3A_10 = vector.broadcast %add3A_9 : i32 to vector<16xi32>
    %add3A_11 = arith.addi %add3A_10, %iota3A : vector<16xi32>
    %add3A_12 = arith.constant 48 : i32
    %add3A_13 = vector.broadcast %add3A_12 : i32 to vector<16xi32>
    %add3A_14 = arith.addi %add3A_13, %iota3A : vector<16xi32>
    %add3A_15 = arith.constant 64 : i32
    %add3A_16 = vector.broadcast %add3A_15 : i32 to vector<16xi32>
    %add3A_17 = arith.addi %add3A_16, %iota3A : vector<16xi32>
    %add3A_18 = arith.constant 80 : i32
    %add3A_19 = vector.broadcast %add3A_18 : i32 to vector<16xi32>
    %add3A_20 = arith.addi %add3A_19, %iota3A : vector<16xi32>
    %add3A_21 = arith.constant 96 : i32
    %add3A_22 = vector.broadcast %add3A_21 : i32 to vector<16xi32>
    %add3A_23 = arith.addi %add3A_22, %iota3A : vector<16xi32>
    %add3A_24 = arith.constant 112 : i32
    %add3A_25 = vector.broadcast %add3A_24 : i32 to vector<16xi32>
    %add3A_26 = arith.addi %add3A_25, %iota3A : vector<16xi32>
    %add3A_27 = arith.constant 0 : i32
    %add3A_28 = vector.broadcast %add3A_27 : i32 to vector<16xi32>
    %add3A_29 = arith.addi %iota3A, %add3A_28 : vector<16xi32>
    %and3A = arith.constant 15 : i32
    %and3A_30 = vector.broadcast %and3A : i32 to vector<16xi32>
    %and3A_31 = arith.andi %add3A_29, %and3A_30 : vector<16xi32>
    %add3A_32 = arith.constant 1 : i32
    %add3A_33 = vector.broadcast %add3A_32 : i32 to vector<16xi32>
    %add3A_34 = arith.addi %iota3A, %add3A_33 : vector<16xi32>
    %and3A_35 = arith.constant 15 : i32
    %and3A_36 = vector.broadcast %and3A_35 : i32 to vector<16xi32>
    %and3A_37 = arith.andi %add3A_34, %and3A_36 : vector<16xi32>
    %add3A_38 = arith.constant 2 : i32
    %add3A_39 = vector.broadcast %add3A_38 : i32 to vector<16xi32>
    %add3A_40 = arith.addi %iota3A, %add3A_39 : vector<16xi32>
    %and3A_41 = arith.constant 15 : i32
    %and3A_42 = vector.broadcast %and3A_41 : i32 to vector<16xi32>
    %and3A_43 = arith.andi %add3A_40, %and3A_42 : vector<16xi32>
    %add3A_44 = arith.constant 3 : i32
    %add3A_45 = vector.broadcast %add3A_44 : i32 to vector<16xi32>
    %add3A_46 = arith.addi %iota3A, %add3A_45 : vector<16xi32>
    %and3A_47 = arith.constant 15 : i32
    %and3A_48 = vector.broadcast %and3A_47 : i32 to vector<16xi32>
    %and3A_49 = arith.andi %add3A_46, %and3A_48 : vector<16xi32>
    %add3A_50 = arith.constant 4 : i32
    %add3A_51 = vector.broadcast %add3A_50 : i32 to vector<16xi32>
    %add3A_52 = arith.addi %iota3A, %add3A_51 : vector<16xi32>
    %and3A_53 = arith.constant 15 : i32
    %and3A_54 = vector.broadcast %and3A_53 : i32 to vector<16xi32>
    %and3A_55 = arith.andi %add3A_52, %and3A_54 : vector<16xi32>
    %add3A_56 = arith.constant 5 : i32
    %add3A_57 = vector.broadcast %add3A_56 : i32 to vector<16xi32>
    %add3A_58 = arith.addi %iota3A, %add3A_57 : vector<16xi32>
    %and3A_59 = arith.constant 15 : i32
    %and3A_60 = vector.broadcast %and3A_59 : i32 to vector<16xi32>
    %and3A_61 = arith.andi %add3A_58, %and3A_60 : vector<16xi32>
    %add3A_62 = arith.constant 6 : i32
    %add3A_63 = vector.broadcast %add3A_62 : i32 to vector<16xi32>
    %add3A_64 = arith.addi %iota3A, %add3A_63 : vector<16xi32>
    %and3A_65 = arith.constant 15 : i32
    %and3A_66 = vector.broadcast %and3A_65 : i32 to vector<16xi32>
    %and3A_67 = arith.andi %add3A_64, %and3A_66 : vector<16xi32>
    %add3A_68 = arith.constant 7 : i32
    %add3A_69 = vector.broadcast %add3A_68 : i32 to vector<16xi32>
    %add3A_70 = arith.addi %iota3A, %add3A_69 : vector<16xi32>
    %and3A_71 = arith.constant 15 : i32
    %and3A_72 = vector.broadcast %and3A_71 : i32 to vector<16xi32>
    %and3A_73 = arith.andi %add3A_70, %and3A_72 : vector<16xi32>
    %add3A_74 = arith.constant 8 : i32
    %add3A_75 = vector.broadcast %add3A_74 : i32 to vector<16xi32>
    %add3A_76 = arith.addi %iota3A, %add3A_75 : vector<16xi32>
    %and3A_77 = arith.constant 15 : i32
    %and3A_78 = vector.broadcast %and3A_77 : i32 to vector<16xi32>
    %and3A_79 = arith.andi %add3A_76, %and3A_78 : vector<16xi32>
    %add3A_80 = arith.constant 9 : i32
    %add3A_81 = vector.broadcast %add3A_80 : i32 to vector<16xi32>
    %add3A_82 = arith.addi %iota3A, %add3A_81 : vector<16xi32>
    %and3A_83 = arith.constant 15 : i32
    %and3A_84 = vector.broadcast %and3A_83 : i32 to vector<16xi32>
    %and3A_85 = arith.andi %add3A_82, %and3A_84 : vector<16xi32>
    %add3A_86 = arith.constant 10 : i32
    %add3A_87 = vector.broadcast %add3A_86 : i32 to vector<16xi32>
    %add3A_88 = arith.addi %iota3A, %add3A_87 : vector<16xi32>
    %and3A_89 = arith.constant 15 : i32
    %and3A_90 = vector.broadcast %and3A_89 : i32 to vector<16xi32>
    %and3A_91 = arith.andi %add3A_88, %and3A_90 : vector<16xi32>
    %add3A_92 = arith.constant 11 : i32
    %add3A_93 = vector.broadcast %add3A_92 : i32 to vector<16xi32>
    %add3A_94 = arith.addi %iota3A, %add3A_93 : vector<16xi32>
    %and3A_95 = arith.constant 15 : i32
    %and3A_96 = vector.broadcast %and3A_95 : i32 to vector<16xi32>
    %and3A_97 = arith.andi %add3A_94, %and3A_96 : vector<16xi32>
    %add3A_98 = arith.constant 12 : i32
    %add3A_99 = vector.broadcast %add3A_98 : i32 to vector<16xi32>
    %add3A_100 = arith.addi %iota3A, %add3A_99 : vector<16xi32>
    %and3A_101 = arith.constant 15 : i32
    %and3A_102 = vector.broadcast %and3A_101 : i32 to vector<16xi32>
    %and3A_103 = arith.andi %add3A_100, %and3A_102 : vector<16xi32>
    %add3A_104 = arith.constant 13 : i32
    %add3A_105 = vector.broadcast %add3A_104 : i32 to vector<16xi32>
    %add3A_106 = arith.addi %iota3A, %add3A_105 : vector<16xi32>
    %and3A_107 = arith.constant 15 : i32
    %and3A_108 = vector.broadcast %and3A_107 : i32 to vector<16xi32>
    %and3A_109 = arith.andi %add3A_106, %and3A_108 : vector<16xi32>
    %add3A_110 = arith.constant 14 : i32
    %add3A_111 = vector.broadcast %add3A_110 : i32 to vector<16xi32>
    %add3A_112 = arith.addi %iota3A, %add3A_111 : vector<16xi32>
    %and3A_113 = arith.constant 15 : i32
    %and3A_114 = vector.broadcast %and3A_113 : i32 to vector<16xi32>
    %and3A_115 = arith.andi %add3A_112, %and3A_114 : vector<16xi32>
    %add3A_116 = arith.constant 15 : i32
    %add3A_117 = vector.broadcast %add3A_116 : i32 to vector<16xi32>
    %add3A_118 = arith.addi %iota3A, %add3A_117 : vector<16xi32>
    %and3A_119 = arith.constant 15 : i32
    %and3A_120 = vector.broadcast %and3A_119 : i32 to vector<16xi32>
    %and3A_121 = arith.andi %add3A_118, %and3A_120 : vector<16xi32>
    "tpu.region"() ({
      %run_scoped3A = tpu.sem_alloc : memref<!tpu.dma_semaphore, #tpu.memory_space<semaphore_mem>>
      %dma_start3A_150 = arith.constant 0 : i32
      %dma_start3A_151 = tpu.memref_slice %arg3[%dma_start3A_150, %multiple_of3A] : memref<100x4096xi32, #tpu.memory_space<hbm>> -> memref<100x128xi32, #tpu.memory_space<hbm>>
      %dma_start3A_152 = arith.constant 0 : i32
      %dma_start3A_153 = tpu.memref_slice %arg3[%dma_start3A_152, %multiple_of3A] : memref<100x4096xi32, #tpu.memory_space<hbm>> -> memref<100x128xi32, #tpu.memory_space<hbm>>
      tpu.enqueue_dma source(%dma_start3A_153 : memref<100x128xi32, #tpu.memory_space<hbm>>) target(%arg5 : memref<100x128xi32, #tpu.memory_space<vmem>>) target_semaphore(%run_scoped3A : memref<!tpu.dma_semaphore, #tpu.memory_space<semaphore_mem>>)
      %dma_wait3A_154 = arith.constant 0 : i32
      %dma_wait3A_155 = tpu.memref_slice %arg3[%dma_wait3A_154, %multiple_of3A] : memref<100x4096xi32, #tpu.memory_space<hbm>> -> memref<100x128xi32, #tpu.memory_space<hbm>>
      %dma_wait3A_156 = arith.constant 0 : i32
      %dma_wait3A_157 = tpu.memref_slice %arg3[%dma_wait3A_156, %multiple_of3A] : memref<100x4096xi32, #tpu.memory_space<hbm>> -> memref<100x128xi32, #tpu.memory_space<hbm>>
      tpu.wait_dma2 semaphore(%run_scoped3A : memref<!tpu.dma_semaphore, #tpu.memory_space<semaphore_mem>>) src(%dma_wait3A_157 : memref<100x128xi32, #tpu.memory_space<hbm>>) dst(%arg5 : memref<100x128xi32, #tpu.memory_space<vmem>>)
      tpu.yield
    }) : () -> ()
    %scan3A = arith.constant 0 : i32
    %scan3A_122 = arith.constant 100 : i32
    %scan3A_123 = arith.addi %scan3A, %scan3A_122 : i32
    %scan3A_124 = arith.constant 1 : i32
    scf.for %scan3A_150 = %scan3A to %scan3A_123 step %scan3A_124  : i32 {
      %mul3A_151 = arith.constant 1 : i32
      %mul3A_152 = arith.muli %scan3A_150, %mul3A_151 : i32
      %add3A_153 = arith.constant 0 : i32
      %add3A_154 = arith.addi %add3A_153, %mul3A_152 : i32
      %get3A = arith.index_cast %add3A_154 : i32 to index
      %get3A_155 = arith.constant 0 : index
      %get3A_156 = tpu.vector_load %arg5[%get3A, %get3A_155] {strides = array<i32>} : memref<100x128xi32, #tpu.memory_space<vmem>>, vector<16xi32>,
      %shift_right_arithmetic3A = arith.constant 1 : i32
      %shift_right_arithmetic3A_157 = vector.broadcast %shift_right_arithmetic3A : i32 to vector<16xi32>
      %shift_right_arithmetic3A_158 = arith.shrsi %get3A_156, %shift_right_arithmetic3A_157 : vector<16xi32>
      %swap3A = arith.index_cast %add3A_154 : i32 to index
      %swap3A_159 = arith.constant 0 : index
      %swap3A_160 = tpu.vector_load %arg6[%swap3A, %swap3A_159] {strides = array<i32>} : memref<100x128xi32, #tpu.memory_space<vmem>>, vector<16xi32>,
      tpu.vector_store %arg6[%swap3A, %swap3A_159], %shift_right_arithmetic3A_158 {strides = array<i32>} : memref<100x128xi32, #tpu.memory_space<vmem>>, vector<16xi32>,
      %and3A_161 = arith.constant 1 : i32
      %and3A_162 = vector.broadcast %and3A_161 : i32 to vector<16xi32>
      %and3A_163 = arith.andi %get3A_156, %and3A_162 : vector<16xi32>
      %shift_left3A = arith.constant 6 : i32
      %shift_left3A_164 = vector.broadcast %shift_left3A : i32 to vector<16xi32>
      %shift_left3A_165 = arith.shli %and3A_163, %shift_left3A_164 : vector<16xi32>
      %swap3A_166 = arith.index_cast %add3A_154 : i32 to index
      %swap3A_167 = arith.constant 0 : index
      %swap3A_168 = tpu.vector_load %arg7[%swap3A_166, %swap3A_167] {strides = array<i32>} : memref<100x128xi32, #tpu.memory_space<vmem>>, vector<16xi32>,
      tpu.vector_store %arg7[%swap3A_166, %swap3A_167], %shift_left3A_165 {strides = array<i32>} : memref<100x128xi32, #tpu.memory_space<vmem>>, vector<16xi32>,
      %get3A_169 = arith.index_cast %add3A_154 : i32 to index
      %get3A_170 = arith.constant 16 : index
      %get3A_171 = tpu.vector_load %arg5[%get3A_169, %get3A_170] {strides = array<i32>} : memref<100x128xi32, #tpu.memory_space<vmem>>, vector<16xi32>,
      %shift_right_arithmetic3A_172 = arith.constant 1 : i32
      %shift_right_arithmetic3A_173 = vector.broadcast %shift_right_arithmetic3A_172 : i32 to vector<16xi32>
      %shift_right_arithmetic3A_174 = arith.shrsi %get3A_171, %shift_right_arithmetic3A_173 : vector<16xi32>
      %swap3A_175 = arith.index_cast %add3A_154 : i32 to index
      %swap3A_176 = arith.constant 16 : index
      %swap3A_177 = tpu.vector_load %arg6[%swap3A_175, %swap3A_176] {strides = array<i32>} : memref<100x128xi32, #tpu.memory_space<vmem>>, vector<16xi32>,
      tpu.vector_store %arg6[%swap3A_175, %swap3A_176], %shift_right_arithmetic3A_174 {strides = array<i32>} : memref<100x128xi32, #tpu.memory_space<vmem>>, vector<16xi32>,
      %and3A_178 = arith.constant 1 : i32
      %and3A_179 = vector.broadcast %and3A_178 : i32 to vector<16xi32>
      %and3A_180 = arith.andi %get3A_171, %and3A_179 : vector<16xi32>
      %shift_left3A_181 = arith.constant 6 : i32
      %shift_left3A_182 = vector.broadcast %shift_left3A_181 : i32 to vector<16xi32>
      %shift_left3A_183 = arith.shli %and3A_180, %shift_left3A_182 : vector<16xi32>
      %swap3A_184 = arith.index_cast %add3A_154 : i32 to index
      %swap3A_185 = arith.constant 16 : index
      %swap3A_186 = tpu.vector_load %arg7[%swap3A_184, %swap3A_185] {strides = array<i32>} : memref<100x128xi32, #tpu.memory_space<vmem>>, vector<16xi32>,
      tpu.vector_store %arg7[%swap3A_184, %swap3A_185], %shift_left3A_183 {strides = array<i32>} : memref<100x128xi32, #tpu.memory_space<vmem>>, vector<16xi32>,
      %get3A_187 = arith.index_cast %add3A_154 : i32 to index
      %get3A_188 = arith.constant 32 : index
      %get3A_189 = tpu.vector_load %arg5[%get3A_187, %get3A_188] {strides = array<i32>} : memref<100x128xi32, #tpu.memory_space<vmem>>, vector<16xi32>,
      %shift_right_arithmetic3A_190 = arith.constant 1 : i32
      %shift_right_arithmetic3A_191 = vector.broadcast %shift_right_arithmetic3A_190 : i32 to vector<16xi32>
      %shift_right_arithmetic3A_192 = arith.shrsi %get3A_189, %shift_right_arithmetic3A_191 : vector<16xi32>
      %swap3A_193 = arith.index_cast %add3A_154 : i32 to index
      %swap3A_194 = arith.constant 32 : index
      %swap3A_195 = tpu.vector_load %arg6[%swap3A_193, %swap3A_194] {strides = array<i32>} : memref<100x128xi32, #tpu.memory_space<vmem>>, vector<16xi32>,
      tpu.vector_store %arg6[%swap3A_193, %swap3A_194], %shift_right_arithmetic3A_192 {strides = array<i32>} : memref<100x128xi32, #tpu.memory_space<vmem>>, vector<16xi32>,
      %and3A_196 = arith.constant 1 : i32
      %and3A_197 = vector.broadcast %and3A_196 : i32 to vector<16xi32>
      %and3A_198 = arith.andi %get3A_189, %and3A_197 : vector<16xi32>
      %shift_left3A_199 = arith.constant 6 : i32
      %shift_left3A_200 = vector.broadcast %shift_left3A_199 : i32 to vector<16xi32>
      %shift_left3A_201 = arith.shli %and3A_198, %shift_left3A_200 : vector<16xi32>
      %swap3A_202 = arith.index_cast %add3A_154 : i32 to index
      %swap3A_203 = arith.constant 32 : index
      %swap3A_204 = tpu.vector_load %arg7[%swap3A_202, %swap3A_203] {strides = array<i32>} : memref<100x128xi32, #tpu.memory_space<vmem>>, vector<16xi32>,
      tpu.vector_store %arg7[%swap3A_202, %swap3A_203], %shift_left3A_201 {strides = array<i32>} : memref<100x128xi32, #tpu.memory_space<vmem>>, vector<16xi32>,
      %get3A_205 = arith.index_cast %add3A_154 : i32 to index
      %get3A_206 = arith.constant 48 : index
      %get3A_207 = tpu.vector_load %arg5[%get3A_205, %get3A_206] {strides = array<i32>} : memref<100x128xi32, #tpu.memory_space<vmem>>, vector<16xi32>,
      %shift_right_arithmetic3A_208 = arith.constant 1 : i32
      %shift_right_arithmetic3A_209 = vector.broadcast %shift_right_arithmetic3A_208 : i32 to vector<16xi32>
      %shift_right_arithmetic3A_210 = arith.shrsi %get3A_207, %shift_right_arithmetic3A_209 : vector<16xi32>
      %swap3A_211 = arith.index_cast %add3A_154 : i32 to index
      %swap3A_212 = arith.constant 48 : index
      %swap3A_213 = tpu.vector_load %arg6[%swap3A_211, %swap3A_212] {strides = array<i32>} : memref<100x128xi32, #tpu.memory_space<vmem>>, vector<16xi32>,
      tpu.vector_store %arg6[%swap3A_211, %swap3A_212], %shift_right_arithmetic3A_210 {strides = array<i32>} : memref<100x128xi32, #tpu.memory_space<vmem>>, vector<16xi32>,
      %and3A_214 = arith.constant 1 : i32
      %and3A_215 = vector.broadcast %and3A_214 : i32 to vector<16xi32>
      %and3A_216 = arith.andi %get3A_207, %and3A_215 : vector<16xi32>
      %shift_left3A_217 = arith.constant 6 : i32
      %shift_left3A_218 = vector.broadcast %shift_left3A_217 : i32 to vector<16xi32>
      %shift_left3A_219 = arith.shli %and3A_216, %shift_left3A_218 : vector<16xi32>
      %swap3A_220 = arith.index_cast %add3A_154 : i32 to index
      %swap3A_221 = arith.constant 48 : index
      %swap3A_222 = tpu.vector_load %arg7[%swap3A_220, %swap3A_221] {strides = array<i32>} : memref<100x128xi32, #tpu.memory_space<vmem>>, vector<16xi32>,
      tpu.vector_store %arg7[%swap3A_220, %swap3A_221], %shift_left3A_219 {strides = array<i32>} : memref<100x128xi32, #tpu.memory_space<vmem>>, vector<16xi32>,
      %get3A_223 = arith.index_cast %add3A_154 : i32 to index
      %get3A_224 = arith.constant 64 : index
      %get3A_225 = tpu.vector_load %arg5[%get3A_223, %get3A_224] {strides = array<i32>} : memref<100x128xi32, #tpu.memory_space<vmem>>, vector<16xi32>,
      %shift_right_arithmetic3A_226 = arith.constant 1 : i32
      %shift_right_arithmetic3A_227 = vector.broadcast %shift_right_arithmetic3A_226 : i32 to vector<16xi32>
      %shift_right_arithmetic3A_228 = arith.shrsi %get3A_225, %shift_right_arithmetic3A_227 : vector<16xi32>
      %swap3A_229 = arith.index_cast %add3A_154 : i32 to index
      %swap3A_230 = arith.constant 64 : index
      %swap3A_231 = tpu.vector_load %arg6[%swap3A_229, %swap3A_230] {strides = array<i32>} : memref<100x128xi32, #tpu.memory_space<vmem>>, vector<16xi32>,
      tpu.vector_store %arg6[%swap3A_229, %swap3A_230], %shift_right_arithmetic3A_228 {strides = array<i32>} : memref<100x128xi32, #tpu.memory_space<vmem>>, vector<16xi32>,
      %and3A_232 = arith.constant 1 : i32
      %and3A_233 = vector.broadcast %and3A_232 : i32 to vector<16xi32>
      %and3A_234 = arith.andi %get3A_225, %and3A_233 : vector<16xi32>
      %shift_left3A_235 = arith.constant 6 : i32
      %shift_left3A_236 = vector.broadcast %shift_left3A_235 : i32 to vector<16xi32>
      %shift_left3A_237 = arith.shli %and3A_234, %shift_left3A_236 : vector<16xi32>
      %swap3A_238 = arith.index_cast %add3A_154 : i32 to index
      %swap3A_239 = arith.constant 64 : index
      %swap3A_240 = tpu.vector_load %arg7[%swap3A_238, %swap3A_239] {strides = array<i32>} : memref<100x128xi32, #tpu.memory_space<vmem>>, vector<16xi32>,
      tpu.vector_store %arg7[%swap3A_238, %swap3A_239], %shift_left3A_237 {strides = array<i32>} : memref<100x128xi32, #tpu.memory_space<vmem>>, vector<16xi32>,
      %get3A_241 = arith.index_cast %add3A_154 : i32 to index
      %get3A_242 = arith.constant 80 : index
      %get3A_243 = tpu.vector_load %arg5[%get3A_241, %get3A_242] {strides = array<i32>} : memref<100x128xi32, #tpu.memory_space<vmem>>, vector<16xi32>,
      %shift_right_arithmetic3A_244 = arith.constant 1 : i32
      %shift_right_arithmetic3A_245 = vector.broadcast %shift_right_arithmetic3A_244 : i32 to vector<16xi32>
      %shift_right_arithmetic3A_246 = arith.shrsi %get3A_243, %shift_right_arithmetic3A_245 : vector<16xi32>
      %swap3A_247 = arith.index_cast %add3A_154 : i32 to index
      %swap3A_248 = arith.constant 80 : index
      %swap3A_249 = tpu.vector_load %arg6[%swap3A_247, %swap3A_248] {strides = array<i32>} : memref<100x128xi32, #tpu.memory_space<vmem>>, vector<16xi32>,
      tpu.vector_store %arg6[%swap3A_247, %swap3A_248], %shift_right_arithmetic3A_246 {strides = array<i32>} : memref<100x128xi32, #tpu.memory_space<vmem>>, vector<16xi32>,
      %and3A_250 = arith.constant 1 : i32
      %and3A_251 = vector.broadcast %and3A_250 : i32 to vector<16xi32>
      %and3A_252 = arith.andi %get3A_243, %and3A_251 : vector<16xi32>
      %shift_left3A_253 = arith.constant 6 : i32
      %shift_left3A_254 = vector.broadcast %shift_left3A_253 : i32 to vector<16xi32>
      %shift_left3A_255 = arith.shli %and3A_252, %shift_left3A_254 : vector<16xi32>
      %swap3A_256 = arith.index_cast %add3A_154 : i32 to index
      %swap3A_257 = arith.constant 80 : index
      %swap3A_258 = tpu.vector_load %arg7[%swap3A_256, %swap3A_257] {strides = array<i32>} : memref<100x128xi32, #tpu.memory_space<vmem>>, vector<16xi32>,
      tpu.vector_store %arg7[%swap3A_256, %swap3A_257], %shift_left3A_255 {strides = array<i32>} : memref<100x128xi32, #tpu.memory_space<vmem>>, vector<16xi32>,
      %get3A_259 = arith.index_cast %add3A_154 : i32 to index
      %get3A_260 = arith.constant 96 : index
      %get3A_261 = tpu.vector_load %arg5[%get3A_259, %get3A_260] {strides = array<i32>} : memref<100x128xi32, #tpu.memory_space<vmem>>, vector<16xi32>,
      %shift_right_arithmetic3A_262 = arith.constant 1 : i32
      %shift_right_arithmetic3A_263 = vector.broadcast %shift_right_arithmetic3A_262 : i32 to vector<16xi32>
      %shift_right_arithmetic3A_264 = arith.shrsi %get3A_261, %shift_right_arithmetic3A_263 : vector<16xi32>
      %swap3A_265 = arith.index_cast %add3A_154 : i32 to index
      %swap3A_266 = arith.constant 96 : index
      %swap3A_267 = tpu.vector_load %arg6[%swap3A_265, %swap3A_266] {strides = array<i32>} : memref<100x128xi32, #tpu.memory_space<vmem>>, vector<16xi32>,
      tpu.vector_store %arg6[%swap3A_265, %swap3A_266], %shift_right_arithmetic3A_264 {strides = array<i32>} : memref<100x128xi32, #tpu.memory_space<vmem>>, vector<16xi32>,
      %and3A_268 = arith.constant 1 : i32
      %and3A_269 = vector.broadcast %and3A_268 : i32 to vector<16xi32>
      %and3A_270 = arith.andi %get3A_261, %and3A_269 : vector<16xi32>
      %shift_left3A_271 = arith.constant 6 : i32
      %shift_left3A_272 = vector.broadcast %shift_left3A_271 : i32 to vector<16xi32>
      %shift_left3A_273 = arith.shli %and3A_270, %shift_left3A_272 : vector<16xi32>
      %swap3A_274 = arith.index_cast %add3A_154 : i32 to index
      %swap3A_275 = arith.constant 96 : index
      %swap3A_276 = tpu.vector_load %arg7[%swap3A_274, %swap3A_275] {strides = array<i32>} : memref<100x128xi32, #tpu.memory_space<vmem>>, vector<16xi32>,
      tpu.vector_store %arg7[%swap3A_274, %swap3A_275], %shift_left3A_273 {strides = array<i32>} : memref<100x128xi32, #tpu.memory_space<vmem>>, vector<16xi32>,
      %get3A_277 = arith.index_cast %add3A_154 : i32 to index
      %get3A_278 = arith.constant 112 : index
      %get3A_279 = tpu.vector_load %arg5[%get3A_277, %get3A_278] {strides = array<i32>} : memref<100x128xi32, #tpu.memory_space<vmem>>, vector<16xi32>,
      %shift_right_arithmetic3A_280 = arith.constant 1 : i32
      %shift_right_arithmetic3A_281 = vector.broadcast %shift_right_arithmetic3A_280 : i32 to vector<16xi32>
      %shift_right_arithmetic3A_282 = arith.shrsi %get3A_279, %shift_right_arithmetic3A_281 : vector<16xi32>
      %swap3A_283 = arith.index_cast %add3A_154 : i32 to index
      %swap3A_284 = arith.constant 112 : index
      %swap3A_285 = tpu.vector_load %arg6[%swap3A_283, %swap3A_284] {strides = array<i32>} : memref<100x128xi32, #tpu.memory_space<vmem>>, vector<16xi32>,
      tpu.vector_store %arg6[%swap3A_283, %swap3A_284], %shift_right_arithmetic3A_282 {strides = array<i32>} : memref<100x128xi32, #tpu.memory_space<vmem>>, vector<16xi32>,
      %and3A_286 = arith.constant 1 : i32
      %and3A_287 = vector.broadcast %and3A_286 : i32 to vector<16xi32>
      %and3A_288 = arith.andi %get3A_279, %and3A_287 : vector<16xi32>
      %shift_left3A_289 = arith.constant 6 : i32
      %shift_left3A_290 = vector.broadcast %shift_left3A_289 : i32 to vector<16xi32>
      %shift_left3A_291 = arith.shli %and3A_288, %shift_left3A_290 : vector<16xi32>
      %swap3A_292 = arith.index_cast %add3A_154 : i32 to index
      %swap3A_293 = arith.constant 112 : index
      %swap3A_294 = tpu.vector_load %arg7[%swap3A_292, %swap3A_293] {strides = array<i32>} : memref<100x128xi32, #tpu.memory_space<vmem>>, vector<16xi32>,
      tpu.vector_store %arg7[%swap3A_292, %swap3A_293], %shift_left3A_291 {strides = array<i32>} : memref<100x128xi32, #tpu.memory_space<vmem>>, vector<16xi32>,
    }
    %scan3A_125 = arith.constant 100 : i32
    %dma_start3A = arith.constant 0 : i32
    %dma_start3A_126 = arith.constant 0 : i32
    %dma_start3A_127 = tpu.memref_slice %arg6[%dma_start3A, %dma_start3A_126] : memref<100x128xi32, #tpu.memory_space<vmem>> -> memref<1x128xi32, #tpu.memory_space<vmem>>
    %dma_start3A_128 = tpu.memref_squeeze %dma_start3A_127 : memref<1x128xi32, #tpu.memory_space<vmem>> -> memref<128xi32, #tpu.memory_space<vmem>>
    %dma_start3A_129 = arith.constant 0 : i32
    %dma_start3A_130 = arith.constant 0 : i32
    %dma_start3A_131 = tpu.memref_slice %arg2[%dma_start3A_129, %dma_start3A_130] : memref<500000x128xf32, #tpu.memory_space<hbm>> -> memref<500000x128xf32, #tpu.memory_space<hbm>>
    tpu.enqueue_indirect_dma source(%dma_start3A_131 : memref<500000x128xf32, #tpu.memory_space<hbm>>) target(%arg8 : memref<128x128xf32, #tpu.memory_space<vmem>>) offsets(%dma_start3A_128 : memref<128xi32, #tpu.memory_space<vmem>>) semaphore(%arg12 : memref<!tpu.dma_semaphore, #tpu.memory_space<semaphore_mem>>)
    %scan3A_132 = arith.constant 0 : i32
    %scan3A_133 = arith.constant 50 : i32
    %scan3A_134 = arith.addi %scan3A_132, %scan3A_133 : i32
    %scan3A_135 = arith.constant 1 : i32
    scf.for %scan3A_150 = %scan3A_132 to %scan3A_134 step %scan3A_135  : i32 {
      %mul3A_151 = arith.constant 1 : i32
      %mul3A_152 = arith.muli %scan3A_150, %mul3A_151 : i32
      %add3A_153 = arith.constant 0 : i32
      %add3A_154 = arith.addi %add3A_153, %mul3A_152 : i32
      %mul3A_155 = arith.constant 2 : i32
      %mul3A_156 = arith.muli %add3A_154, %mul3A_155 : i32
      %add3A_157 = arith.constant 0 : i32
      %add3A_158 = arith.addi %mul3A_156, %add3A_157 : i32
      %add3A_159 = arith.constant 1 : i32
      %add3A_160 = arith.addi %add3A_158, %add3A_159 : i32
      %lt3A = arith.constant 100 : i32
      %lt3A_161 = arith.cmpi slt, %add3A_160, %lt3A : i32
      %convert_element_type3A = arith.extui %lt3A_161 : i1 to i32
      %cond3A = arith.constant 0 : i32
      %cond3A_162 = arith.cmpi ne, %convert_element_type3A, %cond3A : i32
      scf.if %cond3A_162 {
        %add3A_217 = arith.constant 1 : i32
        %add3A_218 = arith.addi %add3A_158, %add3A_217 : i32
        %dma_start3A_219 = arith.constant 0 : i32
        %dma_start3A_220 = tpu.memref_slice %arg6[%add3A_218, %dma_start3A_219] : memref<100x128xi32, #tpu.memory_space<vmem>> -> memref<1x128xi32, #tpu.memory_space<vmem>>
        %dma_start3A_221 = tpu.memref_squeeze %dma_start3A_220 : memref<1x128xi32, #tpu.memory_space<vmem>> -> memref<128xi32, #tpu.memory_space<vmem>>
        %dma_start3A_222 = arith.constant 0 : i32
        %dma_start3A_223 = arith.constant 0 : i32
        %dma_start3A_224 = tpu.memref_slice %arg2[%dma_start3A_222, %dma_start3A_223] : memref<500000x128xf32, #tpu.memory_space<hbm>> -> memref<500000x128xf32, #tpu.memory_space<hbm>>
        tpu.enqueue_indirect_dma source(%dma_start3A_224 : memref<500000x128xf32, #tpu.memory_space<hbm>>) target(%arg9 : memref<128x128xf32, #tpu.memory_space<vmem>>) offsets(%dma_start3A_221 : memref<128xi32, #tpu.memory_space<vmem>>) semaphore(%arg13 : memref<!tpu.dma_semaphore, #tpu.memory_space<semaphore_mem>>)
      } else {
      }
      %dma_wait3A_163 = arith.constant 0 : i32
      %dma_wait3A_164 = tpu.memref_slice %arg6[%add3A_158, %dma_wait3A_163] : memref<100x128xi32, #tpu.memory_space<vmem>> -> memref<1x128xi32, #tpu.memory_space<vmem>>
      %dma_wait3A_165 = tpu.memref_squeeze %dma_wait3A_164 : memref<1x128xi32, #tpu.memory_space<vmem>> -> memref<128xi32, #tpu.memory_space<vmem>>
      %dma_wait3A_166 = arith.constant 0 : i32
      %dma_wait3A_167 = arith.constant 0 : i32
      %dma_wait3A_168 = tpu.memref_slice %arg2[%dma_wait3A_166, %dma_wait3A_167] : memref<500000x128xf32, #tpu.memory_space<hbm>> -> memref<500000x128xf32, #tpu.memory_space<hbm>>
      tpu.wait_indirect_dma semaphore(%arg12 : memref<!tpu.dma_semaphore, #tpu.memory_space<semaphore_mem>>) src(%dma_wait3A_168 : memref<500000x128xf32, #tpu.memory_space<hbm>>) dst(%arg8 : memref<128x128xf32, #tpu.memory_space<vmem>>)
      %ge3A = arith.constant 2 : i32
      %ge3A_169 = arith.cmpi sge, %add3A_158, %ge3A : i32
      %convert_element_type3A_170 = arith.extui %ge3A_169 : i1 to i32
      %cond3A_171 = arith.constant 0 : i32
      %cond3A_172 = arith.cmpi ne, %convert_element_type3A_170, %cond3A_171 : i32
      scf.if %cond3A_172 {
        %sub3A = arith.constant 2 : i32
        %sub3A_217 = arith.subi %add3A_158, %sub3A : i32
        %dma_wait3A_218 = arith.constant 0 : i32
        %dma_wait3A_219 = tpu.memref_slice %arg4[%sub3A_217, %dma_wait3A_218, %multiple_of3A] : memref<100x64x4096xf32, #tpu.memory_space<hbm>> -> memref<1x64x128xf32, #tpu.memory_space<hbm>>
        %dma_wait3A_220 = tpu.memref_squeeze %dma_wait3A_219 : memref<1x64x128xf32, #tpu.memory_space<hbm>> -> memref<64x128xf32, #tpu.memory_space<hbm>>
        %dma_wait3A_221 = arith.constant 0 : i32
        %dma_wait3A_222 = tpu.memref_slice %arg4[%sub3A_217, %dma_wait3A_221, %multiple_of3A] : memref<100x64x4096xf32, #tpu.memory_space<hbm>> -> memref<1x64x128xf32, #tpu.memory_space<hbm>>
        %dma_wait3A_223 = tpu.memref_squeeze %dma_wait3A_222 : memref<1x64x128xf32, #tpu.memory_space<hbm>> -> memref<64x128xf32, #tpu.memory_space<hbm>>
        tpu.wait_dma2 semaphore(%arg14 : memref<!tpu.dma_semaphore, #tpu.memory_space<semaphore_mem>>) src(%arg10 : memref<64x128xf32, #tpu.memory_space<vmem>>) dst(%dma_wait3A_223 : memref<64x128xf32, #tpu.memory_space<hbm>>)
      } else {
      }
      %scan3A_173 = arith.constant 0 : i32
      %scan3A_174 = arith.constant 8 : i32
      %scan3A_175 = arith.addi %scan3A_173, %scan3A_174 : i32
      %scan3A_176 = arith.constant 1 : i32
      scf.for %scan3A_217 = %scan3A_173 to %scan3A_175 step %scan3A_176  : i32 {
        %mul3A_218 = arith.constant 1 : i32
        %mul3A_219 = arith.muli %scan3A_217, %mul3A_218 : i32
        %add3A_220 = arith.constant 0 : i32
        %add3A_221 = arith.addi %add3A_220, %mul3A_219 : i32
        %mul3A_222 = arith.constant 16 : i32
        %mul3A_223 = arith.muli %add3A_221, %mul3A_222 : i32
        %add3A_224 = vector.broadcast %mul3A_223 : i32 to vector<16xi32>
        %add3A_225 = arith.addi %iota3A, %add3A_224 : vector<16xi32>
        %mul3A_226 = arith.constant 16 : i32
        %mul3A_227 = arith.muli %add3A_221, %mul3A_226 : i32
        %get3A = arith.index_cast %add3A_158 : i32 to index
        %get3A_228 = arith.index_cast %mul3A_227 : i32 to index
        %get3A_229 = tpu.vector_load %arg7[%get3A, %get3A_228] {strides = array<i32>} : memref<100x128xi32, #tpu.memory_space<vmem>>, vector<16xi32>,
        %add3A_230 = arith.constant 0 : i32
        %add3A_231 = vector.broadcast %add3A_230 : i32 to vector<16xi32>
        %add3A_232 = arith.addi %and3A_31, %add3A_231 : vector<16xi32>
        %add3A_233 = arith.addi %get3A_229, %add3A_232 : vector<16xi32>
        %gather3A = tpu.vector_load_idx %arg8[%add3A_225, %add3A_233] : memref<128x128xf32, #tpu.memory_space<vmem>>[vector<16xi32>, vector<16xi32>], vector<16xf32>,
        tpu.vector_store_idx %arg10[%add3A_232, %add3A_225], %gather3A : memref<64x128xf32, #tpu.memory_space<vmem>>[vector<16xi32>, vector<16xi32>], vector<16xf32>,
        %add3A_234 = arith.constant 0 : i32
        %add3A_235 = vector.broadcast %add3A_234 : i32 to vector<16xi32>
        %add3A_236 = arith.addi %and3A_37, %add3A_235 : vector<16xi32>
        %add3A_237 = arith.addi %get3A_229, %add3A_236 : vector<16xi32>
        %gather3A_238 = tpu.vector_load_idx %arg8[%add3A_225, %add3A_237] : memref<128x128xf32, #tpu.memory_space<vmem>>[vector<16xi32>, vector<16xi32>], vector<16xf32>,
        tpu.vector_store_idx %arg10[%add3A_236, %add3A_225], %gather3A_238 : memref<64x128xf32, #tpu.memory_space<vmem>>[vector<16xi32>, vector<16xi32>], vector<16xf32>,
        %add3A_239 = arith.constant 0 : i32
        %add3A_240 = vector.broadcast %add3A_239 : i32 to vector<16xi32>
        %add3A_241 = arith.addi %and3A_43, %add3A_240 : vector<16xi32>
        %add3A_242 = arith.addi %get3A_229, %add3A_241 : vector<16xi32>
        %gather3A_243 = tpu.vector_load_idx %arg8[%add3A_225, %add3A_242] : memref<128x128xf32, #tpu.memory_space<vmem>>[vector<16xi32>, vector<16xi32>], vector<16xf32>,
        tpu.vector_store_idx %arg10[%add3A_241, %add3A_225], %gather3A_243 : memref<64x128xf32, #tpu.memory_space<vmem>>[vector<16xi32>, vector<16xi32>], vector<16xf32>,
        %add3A_244 = arith.constant 0 : i32
        %add3A_245 = vector.broadcast %add3A_244 : i32 to vector<16xi32>
        %add3A_246 = arith.addi %and3A_49, %add3A_245 : vector<16xi32>
        %add3A_247 = arith.addi %get3A_229, %add3A_246 : vector<16xi32>
        %gather3A_248 = tpu.vector_load_idx %arg8[%add3A_225, %add3A_247] : memref<128x128xf32, #tpu.memory_space<vmem>>[vector<16xi32>, vector<16xi32>], vector<16xf32>,
        tpu.vector_store_idx %arg10[%add3A_246, %add3A_225], %gather3A_248 : memref<64x128xf32, #tpu.memory_space<vmem>>[vector<16xi32>, vector<16xi32>], vector<16xf32>,
        %add3A_249 = arith.constant 0 : i32
        %add3A_250 = vector.broadcast %add3A_249 : i32 to vector<16xi32>
        %add3A_251 = arith.addi %and3A_55, %add3A_250 : vector<16xi32>
        %add3A_252 = arith.addi %get3A_229, %add3A_251 : vector<16xi32>
        %gather3A_253 = tpu.vector_load_idx %arg8[%add3A_225, %add3A_252] : memref<128x128xf32, #tpu.memory_space<vmem>>[vector<16xi32>, vector<16xi32>], vector<16xf32>,
        tpu.vector_store_idx %arg10[%add3A_251, %add3A_225], %gather3A_253 : memref<64x128xf32, #tpu.memory_space<vmem>>[vector<16xi32>, vector<16xi32>], vector<16xf32>,
        %add3A_254 = arith.constant 0 : i32
        %add3A_255 = vector.broadcast %add3A_254 : i32 to vector<16xi32>
        %add3A_256 = arith.addi %and3A_61, %add3A_255 : vector<16xi32>
        %add3A_257 = arith.addi %get3A_229, %add3A_256 : vector<16xi32>
        %gather3A_258 = tpu.vector_load_idx %arg8[%add3A_225, %add3A_257] : memref<128x128xf32, #tpu.memory_space<vmem>>[vector<16xi32>, vector<16xi32>], vector<16xf32>,
        tpu.vector_store_idx %arg10[%add3A_256, %add3A_225], %gather3A_258 : memref<64x128xf32, #tpu.memory_space<vmem>>[vector<16xi32>, vector<16xi32>], vector<16xf32>,
        %add3A_259 = arith.constant 0 : i32
        %add3A_260 = vector.broadcast %add3A_259 : i32 to vector<16xi32>
        %add3A_261 = arith.addi %and3A_67, %add3A_260 : vector<16xi32>
        %add3A_262 = arith.addi %get3A_229, %add3A_261 : vector<16xi32>
        %gather3A_263 = tpu.vector_load_idx %arg8[%add3A_225, %add3A_262] : memref<128x128xf32, #tpu.memory_space<vmem>>[vector<16xi32>, vector<16xi32>], vector<16xf32>,
        tpu.vector_store_idx %arg10[%add3A_261, %add3A_225], %gather3A_263 : memref<64x128xf32, #tpu.memory_space<vmem>>[vector<16xi32>, vector<16xi32>], vector<16xf32>,
        %add3A_264 = arith.constant 0 : i32
        %add3A_265 = vector.broadcast %add3A_264 : i32 to vector<16xi32>
        %add3A_266 = arith.addi %and3A_73, %add3A_265 : vector<16xi32>
        %add3A_267 = arith.addi %get3A_229, %add3A_266 : vector<16xi32>
        %gather3A_268 = tpu.vector_load_idx %arg8[%add3A_225, %add3A_267] : memref<128x128xf32, #tpu.memory_space<vmem>>[vector<16xi32>, vector<16xi32>], vector<16xf32>,
        tpu.vector_store_idx %arg10[%add3A_266, %add3A_225], %gather3A_268 : memref<64x128xf32, #tpu.memory_space<vmem>>[vector<16xi32>, vector<16xi32>], vector<16xf32>,
        %add3A_269 = arith.constant 0 : i32
        %add3A_270 = vector.broadcast %add3A_269 : i32 to vector<16xi32>
        %add3A_271 = arith.addi %and3A_79, %add3A_270 : vector<16xi32>
        %add3A_272 = arith.addi %get3A_229, %add3A_271 : vector<16xi32>
        %gather3A_273 = tpu.vector_load_idx %arg8[%add3A_225, %add3A_272] : memref<128x128xf32, #tpu.memory_space<vmem>>[vector<16xi32>, vector<16xi32>], vector<16xf32>,
        tpu.vector_store_idx %arg10[%add3A_271, %add3A_225], %gather3A_273 : memref<64x128xf32, #tpu.memory_space<vmem>>[vector<16xi32>, vector<16xi32>], vector<16xf32>,
        %add3A_274 = arith.constant 0 : i32
        %add3A_275 = vector.broadcast %add3A_274 : i32 to vector<16xi32>
        %add3A_276 = arith.addi %and3A_85, %add3A_275 : vector<16xi32>
        %add3A_277 = arith.addi %get3A_229, %add3A_276 : vector<16xi32>
        %gather3A_278 = tpu.vector_load_idx %arg8[%add3A_225, %add3A_277] : memref<128x128xf32, #tpu.memory_space<vmem>>[vector<16xi32>, vector<16xi32>], vector<16xf32>,
        tpu.vector_store_idx %arg10[%add3A_276, %add3A_225], %gather3A_278 : memref<64x128xf32, #tpu.memory_space<vmem>>[vector<16xi32>, vector<16xi32>], vector<16xf32>,
        %add3A_279 = arith.constant 0 : i32
        %add3A_280 = vector.broadcast %add3A_279 : i32 to vector<16xi32>
        %add3A_281 = arith.addi %and3A_91, %add3A_280 : vector<16xi32>
        %add3A_282 = arith.addi %get3A_229, %add3A_281 : vector<16xi32>
        %gather3A_283 = tpu.vector_load_idx %arg8[%add3A_225, %add3A_282] : memref<128x128xf32, #tpu.memory_space<vmem>>[vector<16xi32>, vector<16xi32>], vector<16xf32>,
        tpu.vector_store_idx %arg10[%add3A_281, %add3A_225], %gather3A_283 : memref<64x128xf32, #tpu.memory_space<vmem>>[vector<16xi32>, vector<16xi32>], vector<16xf32>,
        %add3A_284 = arith.constant 0 : i32
        %add3A_285 = vector.broadcast %add3A_284 : i32 to vector<16xi32>
        %add3A_286 = arith.addi %and3A_97, %add3A_285 : vector<16xi32>
        %add3A_287 = arith.addi %get3A_229, %add3A_286 : vector<16xi32>
        %gather3A_288 = tpu.vector_load_idx %arg8[%add3A_225, %add3A_287] : memref<128x128xf32, #tpu.memory_space<vmem>>[vector<16xi32>, vector<16xi32>], vector<16xf32>,
        tpu.vector_store_idx %arg10[%add3A_286, %add3A_225], %gather3A_288 : memref<64x128xf32, #tpu.memory_space<vmem>>[vector<16xi32>, vector<16xi32>], vector<16xf32>,
        %add3A_289 = arith.constant 0 : i32
        %add3A_290 = vector.broadcast %add3A_289 : i32 to vector<16xi32>
        %add3A_291 = arith.addi %and3A_103, %add3A_290 : vector<16xi32>
        %add3A_292 = arith.addi %get3A_229, %add3A_291 : vector<16xi32>
        %gather3A_293 = tpu.vector_load_idx %arg8[%add3A_225, %add3A_292] : memref<128x128xf32, #tpu.memory_space<vmem>>[vector<16xi32>, vector<16xi32>], vector<16xf32>,
        tpu.vector_store_idx %arg10[%add3A_291, %add3A_225], %gather3A_293 : memref<64x128xf32, #tpu.memory_space<vmem>>[vector<16xi32>, vector<16xi32>], vector<16xf32>,
        %add3A_294 = arith.constant 0 : i32
        %add3A_295 = vector.broadcast %add3A_294 : i32 to vector<16xi32>
        %add3A_296 = arith.addi %and3A_109, %add3A_295 : vector<16xi32>
        %add3A_297 = arith.addi %get3A_229, %add3A_296 : vector<16xi32>
        %gather3A_298 = tpu.vector_load_idx %arg8[%add3A_225, %add3A_297] : memref<128x128xf32, #tpu.memory_space<vmem>>[vector<16xi32>, vector<16xi32>], vector<16xf32>,
        tpu.vector_store_idx %arg10[%add3A_296, %add3A_225], %gather3A_298 : memref<64x128xf32, #tpu.memory_space<vmem>>[vector<16xi32>, vector<16xi32>], vector<16xf32>,
        %add3A_299 = arith.constant 0 : i32
        %add3A_300 = vector.broadcast %add3A_299 : i32 to vector<16xi32>
        %add3A_301 = arith.addi %and3A_115, %add3A_300 : vector<16xi32>
        %add3A_302 = arith.addi %get3A_229, %add3A_301 : vector<16xi32>
        %gather3A_303 = tpu.vector_load_idx %arg8[%add3A_225, %add3A_302] : memref<128x128xf32, #tpu.memory_space<vmem>>[vector<16xi32>, vector<16xi32>], vector<16xf32>,
        tpu.vector_store_idx %arg10[%add3A_301, %add3A_225], %gather3A_303 : memref<64x128xf32, #tpu.memory_space<vmem>>[vector<16xi32>, vector<16xi32>], vector<16xf32>,
        %add3A_304 = arith.constant 0 : i32
        %add3A_305 = vector.broadcast %add3A_304 : i32 to vector<16xi32>
        %add3A_306 = arith.addi %and3A_121, %add3A_305 : vector<16xi32>
        %add3A_307 = arith.addi %get3A_229, %add3A_306 : vector<16xi32>
        %gather3A_308 = tpu.vector_load_idx %arg8[%add3A_225, %add3A_307] : memref<128x128xf32, #tpu.memory_space<vmem>>[vector<16xi32>, vector<16xi32>], vector<16xf32>,
        tpu.vector_store_idx %arg10[%add3A_306, %add3A_225], %gather3A_308 : memref<64x128xf32, #tpu.memory_space<vmem>>[vector<16xi32>, vector<16xi32>], vector<16xf32>,
        %add3A_309 = arith.constant 16 : i32
        %add3A_310 = vector.broadcast %add3A_309 : i32 to vector<16xi32>
        %add3A_311 = arith.addi %and3A_31, %add3A_310 : vector<16xi32>
        %add3A_312 = arith.addi %get3A_229, %add3A_311 : vector<16xi32>
        %gather3A_313 = tpu.vector_load_idx %arg8[%add3A_225, %add3A_312] : memref<128x128xf32, #tpu.memory_space<vmem>>[vector<16xi32>, vector<16xi32>], vector<16xf32>,
        tpu.vector_store_idx %arg10[%add3A_311, %add3A_225], %gather3A_313 : memref<64x128xf32, #tpu.memory_space<vmem>>[vector<16xi32>, vector<16xi32>], vector<16xf32>,
        %add3A_314 = arith.constant 16 : i32
        %add3A_315 = vector.broadcast %add3A_314 : i32 to vector<16xi32>
        %add3A_316 = arith.addi %and3A_37, %add3A_315 : vector<16xi32>
        %add3A_317 = arith.addi %get3A_229, %add3A_316 : vector<16xi32>
        %gather3A_318 = tpu.vector_load_idx %arg8[%add3A_225, %add3A_317] : memref<128x128xf32, #tpu.memory_space<vmem>>[vector<16xi32>, vector<16xi32>], vector<16xf32>,
        tpu.vector_store_idx %arg10[%add3A_316, %add3A_225], %gather3A_318 : memref<64x128xf32, #tpu.memory_space<vmem>>[vector<16xi32>, vector<16xi32>], vector<16xf32>,
        %add3A_319 = arith.constant 16 : i32
        %add3A_320 = vector.broadcast %add3A_319 : i32 to vector<16xi32>
        %add3A_321 = arith.addi %and3A_43, %add3A_320 : vector<16xi32>
        %add3A_322 = arith.addi %get3A_229, %add3A_321 : vector<16xi32>
        %gather3A_323 = tpu.vector_load_idx %arg8[%add3A_225, %add3A_322] : memref<128x128xf32, #tpu.memory_space<vmem>>[vector<16xi32>, vector<16xi32>], vector<16xf32>,
        tpu.vector_store_idx %arg10[%add3A_321, %add3A_225], %gather3A_323 : memref<64x128xf32, #tpu.memory_space<vmem>>[vector<16xi32>, vector<16xi32>], vector<16xf32>,
        %add3A_324 = arith.constant 16 : i32
        %add3A_325 = vector.broadcast %add3A_324 : i32 to vector<16xi32>
        %add3A_326 = arith.addi %and3A_49, %add3A_325 : vector<16xi32>
        %add3A_327 = arith.addi %get3A_229, %add3A_326 : vector<16xi32>
        %gather3A_328 = tpu.vector_load_idx %arg8[%add3A_225, %add3A_327] : memref<128x128xf32, #tpu.memory_space<vmem>>[vector<16xi32>, vector<16xi32>], vector<16xf32>,
        tpu.vector_store_idx %arg10[%add3A_326, %add3A_225], %gather3A_328 : memref<64x128xf32, #tpu.memory_space<vmem>>[vector<16xi32>, vector<16xi32>], vector<16xf32>,
        %add3A_329 = arith.constant 16 : i32
        %add3A_330 = vector.broadcast %add3A_329 : i32 to vector<16xi32>
        %add3A_331 = arith.addi %and3A_55, %add3A_330 : vector<16xi32>
        %add3A_332 = arith.addi %get3A_229, %add3A_331 : vector<16xi32>
        %gather3A_333 = tpu.vector_load_idx %arg8[%add3A_225, %add3A_332] : memref<128x128xf32, #tpu.memory_space<vmem>>[vector<16xi32>, vector<16xi32>], vector<16xf32>,
        tpu.vector_store_idx %arg10[%add3A_331, %add3A_225], %gather3A_333 : memref<64x128xf32, #tpu.memory_space<vmem>>[vector<16xi32>, vector<16xi32>], vector<16xf32>,
        %add3A_334 = arith.constant 16 : i32
        %add3A_335 = vector.broadcast %add3A_334 : i32 to vector<16xi32>
        %add3A_336 = arith.addi %and3A_61, %add3A_335 : vector<16xi32>
        %add3A_337 = arith.addi %get3A_229, %add3A_336 : vector<16xi32>
        %gather3A_338 = tpu.vector_load_idx %arg8[%add3A_225, %add3A_337] : memref<128x128xf32, #tpu.memory_space<vmem>>[vector<16xi32>, vector<16xi32>], vector<16xf32>,
        tpu.vector_store_idx %arg10[%add3A_336, %add3A_225], %gather3A_338 : memref<64x128xf32, #tpu.memory_space<vmem>>[vector<16xi32>, vector<16xi32>], vector<16xf32>,
        %add3A_339 = arith.constant 16 : i32
        %add3A_340 = vector.broadcast %add3A_339 : i32 to vector<16xi32>
        %add3A_341 = arith.addi %and3A_67, %add3A_340 : vector<16xi32>
        %add3A_342 = arith.addi %get3A_229, %add3A_341 : vector<16xi32>
        %gather3A_343 = tpu.vector_load_idx %arg8[%add3A_225, %add3A_342] : memref<128x128xf32, #tpu.memory_space<vmem>>[vector<16xi32>, vector<16xi32>], vector<16xf32>,
        tpu.vector_store_idx %arg10[%add3A_341, %add3A_225], %gather3A_343 : memref<64x128xf32, #tpu.memory_space<vmem>>[vector<16xi32>, vector<16xi32>], vector<16xf32>,
        %add3A_344 = arith.constant 16 : i32
        %add3A_345 = vector.broadcast %add3A_344 : i32 to vector<16xi32>
        %add3A_346 = arith.addi %and3A_73, %add3A_345 : vector<16xi32>
        %add3A_347 = arith.addi %get3A_229, %add3A_346 : vector<16xi32>
        %gather3A_348 = tpu.vector_load_idx %arg8[%add3A_225, %add3A_347] : memref<128x128xf32, #tpu.memory_space<vmem>>[vector<16xi32>, vector<16xi32>], vector<16xf32>,
        tpu.vector_store_idx %arg10[%add3A_346, %add3A_225], %gather3A_348 : memref<64x128xf32, #tpu.memory_space<vmem>>[vector<16xi32>, vector<16xi32>], vector<16xf32>,
        %add3A_349 = arith.constant 16 : i32
        %add3A_350 = vector.broadcast %add3A_349 : i32 to vector<16xi32>
        %add3A_351 = arith.addi %and3A_79, %add3A_350 : vector<16xi32>
        %add3A_352 = arith.addi %get3A_229, %add3A_351 : vector<16xi32>
        %gather3A_353 = tpu.vector_load_idx %arg8[%add3A_225, %add3A_352] : memref<128x128xf32, #tpu.memory_space<vmem>>[vector<16xi32>, vector<16xi32>], vector<16xf32>,
        tpu.vector_store_idx %arg10[%add3A_351, %add3A_225], %gather3A_353 : memref<64x128xf32, #tpu.memory_space<vmem>>[vector<16xi32>, vector<16xi32>], vector<16xf32>,
        %add3A_354 = arith.constant 16 : i32
        %add3A_355 = vector.broadcast %add3A_354 : i32 to vector<16xi32>
        %add3A_356 = arith.addi %and3A_85, %add3A_355 : vector<16xi32>
        %add3A_357 = arith.addi %get3A_229, %add3A_356 : vector<16xi32>
        %gather3A_358 = tpu.vector_load_idx %arg8[%add3A_225, %add3A_357] : memref<128x128xf32, #tpu.memory_space<vmem>>[vector<16xi32>, vector<16xi32>], vector<16xf32>,
        tpu.vector_store_idx %arg10[%add3A_356, %add3A_225], %gather3A_358 : memref<64x128xf32, #tpu.memory_space<vmem>>[vector<16xi32>, vector<16xi32>], vector<16xf32>,
        %add3A_359 = arith.constant 16 : i32
        %add3A_360 = vector.broadcast %add3A_359 : i32 to vector<16xi32>
        %add3A_361 = arith.addi %and3A_91, %add3A_360 : vector<16xi32>
        %add3A_362 = arith.addi %get3A_229, %add3A_361 : vector<16xi32>
        %gather3A_363 = tpu.vector_load_idx %arg8[%add3A_225, %add3A_362] : memref<128x128xf32, #tpu.memory_space<vmem>>[vector<16xi32>, vector<16xi32>], vector<16xf32>,
        tpu.vector_store_idx %arg10[%add3A_361, %add3A_225], %gather3A_363 : memref<64x128xf32, #tpu.memory_space<vmem>>[vector<16xi32>, vector<16xi32>], vector<16xf32>,
        %add3A_364 = arith.constant 16 : i32
        %add3A_365 = vector.broadcast %add3A_364 : i32 to vector<16xi32>
        %add3A_366 = arith.addi %and3A_97, %add3A_365 : vector<16xi32>
        %add3A_367 = arith.addi %get3A_229, %add3A_366 : vector<16xi32>
        %gather3A_368 = tpu.vector_load_idx %arg8[%add3A_225, %add3A_367] : memref<128x128xf32, #tpu.memory_space<vmem>>[vector<16xi32>, vector<16xi32>], vector<16xf32>,
        tpu.vector_store_idx %arg10[%add3A_366, %add3A_225], %gather3A_368 : memref<64x128xf32, #tpu.memory_space<vmem>>[vector<16xi32>, vector<16xi32>], vector<16xf32>,
        %add3A_369 = arith.constant 16 : i32
        %add3A_370 = vector.broadcast %add3A_369 : i32 to vector<16xi32>
        %add3A_371 = arith.addi %and3A_103, %add3A_370 : vector<16xi32>
        %add3A_372 = arith.addi %get3A_229, %add3A_371 : vector<16xi32>
        %gather3A_373 = tpu.vector_load_idx %arg8[%add3A_225, %add3A_372] : memref<128x128xf32, #tpu.memory_space<vmem>>[vector<16xi32>, vector<16xi32>], vector<16xf32>,
        tpu.vector_store_idx %arg10[%add3A_371, %add3A_225], %gather3A_373 : memref<64x128xf32, #tpu.memory_space<vmem>>[vector<16xi32>, vector<16xi32>], vector<16xf32>,
        %add3A_374 = arith.constant 16 : i32
        %add3A_375 = vector.broadcast %add3A_374 : i32 to vector<16xi32>
        %add3A_376 = arith.addi %and3A_109, %add3A_375 : vector<16xi32>
        %add3A_377 = arith.addi %get3A_229, %add3A_376 : vector<16xi32>
        %gather3A_378 = tpu.vector_load_idx %arg8[%add3A_225, %add3A_377] : memref<128x128xf32, #tpu.memory_space<vmem>>[vector<16xi32>, vector<16xi32>], vector<16xf32>,
        tpu.vector_store_idx %arg10[%add3A_376, %add3A_225], %gather3A_378 : memref<64x128xf32, #tpu.memory_space<vmem>>[vector<16xi32>, vector<16xi32>], vector<16xf32>,
        %add3A_379 = arith.constant 16 : i32
        %add3A_380 = vector.broadcast %add3A_379 : i32 to vector<16xi32>
        %add3A_381 = arith.addi %and3A_115, %add3A_380 : vector<16xi32>
        %add3A_382 = arith.addi %get3A_229, %add3A_381 : vector<16xi32>
        %gather3A_383 = tpu.vector_load_idx %arg8[%add3A_225, %add3A_382] : memref<128x128xf32, #tpu.memory_space<vmem>>[vector<16xi32>, vector<16xi32>], vector<16xf32>,
        tpu.vector_store_idx %arg10[%add3A_381, %add3A_225], %gather3A_383 : memref<64x128xf32, #tpu.memory_space<vmem>>[vector<16xi32>, vector<16xi32>], vector<16xf32>,
        %add3A_384 = arith.constant 16 : i32
        %add3A_385 = vector.broadcast %add3A_384 : i32 to vector<16xi32>
        %add3A_386 = arith.addi %and3A_121, %add3A_385 : vector<16xi32>
        %add3A_387 = arith.addi %get3A_229, %add3A_386 : vector<16xi32>
        %gather3A_388 = tpu.vector_load_idx %arg8[%add3A_225, %add3A_387] : memref<128x128xf32, #tpu.memory_space<vmem>>[vector<16xi32>, vector<16xi32>], vector<16xf32>,
        tpu.vector_store_idx %arg10[%add3A_386, %add3A_225], %gather3A_388 : memref<64x128xf32, #tpu.memory_space<vmem>>[vector<16xi32>, vector<16xi32>], vector<16xf32>,
        %add3A_389 = arith.constant 32 : i32
        %add3A_390 = vector.broadcast %add3A_389 : i32 to vector<16xi32>
        %add3A_391 = arith.addi %and3A_31, %add3A_390 : vector<16xi32>
        %add3A_392 = arith.addi %get3A_229, %add3A_391 : vector<16xi32>
        %gather3A_393 = tpu.vector_load_idx %arg8[%add3A_225, %add3A_392] : memref<128x128xf32, #tpu.memory_space<vmem>>[vector<16xi32>, vector<16xi32>], vector<16xf32>,
        tpu.vector_store_idx %arg10[%add3A_391, %add3A_225], %gather3A_393 : memref<64x128xf32, #tpu.memory_space<vmem>>[vector<16xi32>, vector<16xi32>], vector<16xf32>,
        %add3A_394 = arith.constant 32 : i32
        %add3A_395 = vector.broadcast %add3A_394 : i32 to vector<16xi32>
        %add3A_396 = arith.addi %and3A_37, %add3A_395 : vector<16xi32>
        %add3A_397 = arith.addi %get3A_229, %add3A_396 : vector<16xi32>
        %gather3A_398 = tpu.vector_load_idx %arg8[%add3A_225, %add3A_397] : memref<128x128xf32, #tpu.memory_space<vmem>>[vector<16xi32>, vector<16xi32>], vector<16xf32>,
        tpu.vector_store_idx %arg10[%add3A_396, %add3A_225], %gather3A_398 : memref<64x128xf32, #tpu.memory_space<vmem>>[vector<16xi32>, vector<16xi32>], vector<16xf32>,
        %add3A_399 = arith.constant 32 : i32
        %add3A_400 = vector.broadcast %add3A_399 : i32 to vector<16xi32>
        %add3A_401 = arith.addi %and3A_43, %add3A_400 : vector<16xi32>
        %add3A_402 = arith.addi %get3A_229, %add3A_401 : vector<16xi32>
        %gather3A_403 = tpu.vector_load_idx %arg8[%add3A_225, %add3A_402] : memref<128x128xf32, #tpu.memory_space<vmem>>[vector<16xi32>, vector<16xi32>], vector<16xf32>,
        tpu.vector_store_idx %arg10[%add3A_401, %add3A_225], %gather3A_403 : memref<64x128xf32, #tpu.memory_space<vmem>>[vector<16xi32>, vector<16xi32>], vector<16xf32>,
        %add3A_404 = arith.constant 32 : i32
        %add3A_405 = vector.broadcast %add3A_404 : i32 to vector<16xi32>
        %add3A_406 = arith.addi %and3A_49, %add3A_405 : vector<16xi32>
        %add3A_407 = arith.addi %get3A_229, %add3A_406 : vector<16xi32>
        %gather3A_408 = tpu.vector_load_idx %arg8[%add3A_225, %add3A_407] : memref<128x128xf32, #tpu.memory_space<vmem>>[vector<16xi32>, vector<16xi32>], vector<16xf32>,
        tpu.vector_store_idx %arg10[%add3A_406, %add3A_225], %gather3A_408 : memref<64x128xf32, #tpu.memory_space<vmem>>[vector<16xi32>, vector<16xi32>], vector<16xf32>,
        %add3A_409 = arith.constant 32 : i32
        %add3A_410 = vector.broadcast %add3A_409 : i32 to vector<16xi32>
        %add3A_411 = arith.addi %and3A_55, %add3A_410 : vector<16xi32>
        %add3A_412 = arith.addi %get3A_229, %add3A_411 : vector<16xi32>
        %gather3A_413 = tpu.vector_load_idx %arg8[%add3A_225, %add3A_412] : memref<128x128xf32, #tpu.memory_space<vmem>>[vector<16xi32>, vector<16xi32>], vector<16xf32>,
        tpu.vector_store_idx %arg10[%add3A_411, %add3A_225], %gather3A_413 : memref<64x128xf32, #tpu.memory_space<vmem>>[vector<16xi32>, vector<16xi32>], vector<16xf32>,
        %add3A_414 = arith.constant 32 : i32
        %add3A_415 = vector.broadcast %add3A_414 : i32 to vector<16xi32>
        %add3A_416 = arith.addi %and3A_61, %add3A_415 : vector<16xi32>
        %add3A_417 = arith.addi %get3A_229, %add3A_416 : vector<16xi32>
        %gather3A_418 = tpu.vector_load_idx %arg8[%add3A_225, %add3A_417] : memref<128x128xf32, #tpu.memory_space<vmem>>[vector<16xi32>, vector<16xi32>], vector<16xf32>,
        tpu.vector_store_idx %arg10[%add3A_416, %add3A_225], %gather3A_418 : memref<64x128xf32, #tpu.memory_space<vmem>>[vector<16xi32>, vector<16xi32>], vector<16xf32>,
        %add3A_419 = arith.constant 32 : i32
        %add3A_420 = vector.broadcast %add3A_419 : i32 to vector<16xi32>
        %add3A_421 = arith.addi %and3A_67, %add3A_420 : vector<16xi32>
        %add3A_422 = arith.addi %get3A_229, %add3A_421 : vector<16xi32>
        %gather3A_423 = tpu.vector_load_idx %arg8[%add3A_225, %add3A_422] : memref<128x128xf32, #tpu.memory_space<vmem>>[vector<16xi32>, vector<16xi32>], vector<16xf32>,
        tpu.vector_store_idx %arg10[%add3A_421, %add3A_225], %gather3A_423 : memref<64x128xf32, #tpu.memory_space<vmem>>[vector<16xi32>, vector<16xi32>], vector<16xf32>,
        %add3A_424 = arith.constant 32 : i32
        %add3A_425 = vector.broadcast %add3A_424 : i32 to vector<16xi32>
        %add3A_426 = arith.addi %and3A_73, %add3A_425 : vector<16xi32>
        %add3A_427 = arith.addi %get3A_229, %add3A_426 : vector<16xi32>
        %gather3A_428 = tpu.vector_load_idx %arg8[%add3A_225, %add3A_427] : memref<128x128xf32, #tpu.memory_space<vmem>>[vector<16xi32>, vector<16xi32>], vector<16xf32>,
        tpu.vector_store_idx %arg10[%add3A_426, %add3A_225], %gather3A_428 : memref<64x128xf32, #tpu.memory_space<vmem>>[vector<16xi32>, vector<16xi32>], vector<16xf32>,
        %add3A_429 = arith.constant 32 : i32
        %add3A_430 = vector.broadcast %add3A_429 : i32 to vector<16xi32>
        %add3A_431 = arith.addi %and3A_79, %add3A_430 : vector<16xi32>
        %add3A_432 = arith.addi %get3A_229, %add3A_431 : vector<16xi32>
        %gather3A_433 = tpu.vector_load_idx %arg8[%add3A_225, %add3A_432] : memref<128x128xf32, #tpu.memory_space<vmem>>[vector<16xi32>, vector<16xi32>], vector<16xf32>,
        tpu.vector_store_idx %arg10[%add3A_431, %add3A_225], %gather3A_433 : memref<64x128xf32, #tpu.memory_space<vmem>>[vector<16xi32>, vector<16xi32>], vector<16xf32>,
        %add3A_434 = arith.constant 32 : i32
        %add3A_435 = vector.broadcast %add3A_434 : i32 to vector<16xi32>
        %add3A_436 = arith.addi %and3A_85, %add3A_435 : vector<16xi32>
        %add3A_437 = arith.addi %get3A_229, %add3A_436 : vector<16xi32>
        %gather3A_438 = tpu.vector_load_idx %arg8[%add3A_225, %add3A_437] : memref<128x128xf32, #tpu.memory_space<vmem>>[vector<16xi32>, vector<16xi32>], vector<16xf32>,
        tpu.vector_store_idx %arg10[%add3A_436, %add3A_225], %gather3A_438 : memref<64x128xf32, #tpu.memory_space<vmem>>[vector<16xi32>, vector<16xi32>], vector<16xf32>,
        %add3A_439 = arith.constant 32 : i32
        %add3A_440 = vector.broadcast %add3A_439 : i32 to vector<16xi32>
        %add3A_441 = arith.addi %and3A_91, %add3A_440 : vector<16xi32>
        %add3A_442 = arith.addi %get3A_229, %add3A_441 : vector<16xi32>
        %gather3A_443 = tpu.vector_load_idx %arg8[%add3A_225, %add3A_442] : memref<128x128xf32, #tpu.memory_space<vmem>>[vector<16xi32>, vector<16xi32>], vector<16xf32>,
        tpu.vector_store_idx %arg10[%add3A_441, %add3A_225], %gather3A_443 : memref<64x128xf32, #tpu.memory_space<vmem>>[vector<16xi32>, vector<16xi32>], vector<16xf32>,
        %add3A_444 = arith.constant 32 : i32
        %add3A_445 = vector.broadcast %add3A_444 : i32 to vector<16xi32>
        %add3A_446 = arith.addi %and3A_97, %add3A_445 : vector<16xi32>
        %add3A_447 = arith.addi %get3A_229, %add3A_446 : vector<16xi32>
        %gather3A_448 = tpu.vector_load_idx %arg8[%add3A_225, %add3A_447] : memref<128x128xf32, #tpu.memory_space<vmem>>[vector<16xi32>, vector<16xi32>], vector<16xf32>,
        tpu.vector_store_idx %arg10[%add3A_446, %add3A_225], %gather3A_448 : memref<64x128xf32, #tpu.memory_space<vmem>>[vector<16xi32>, vector<16xi32>], vector<16xf32>,
        %add3A_449 = arith.constant 32 : i32
        %add3A_450 = vector.broadcast %add3A_449 : i32 to vector<16xi32>
        %add3A_451 = arith.addi %and3A_103, %add3A_450 : vector<16xi32>
        %add3A_452 = arith.addi %get3A_229, %add3A_451 : vector<16xi32>
        %gather3A_453 = tpu.vector_load_idx %arg8[%add3A_225, %add3A_452] : memref<128x128xf32, #tpu.memory_space<vmem>>[vector<16xi32>, vector<16xi32>], vector<16xf32>,
        tpu.vector_store_idx %arg10[%add3A_451, %add3A_225], %gather3A_453 : memref<64x128xf32, #tpu.memory_space<vmem>>[vector<16xi32>, vector<16xi32>], vector<16xf32>,
        %add3A_454 = arith.constant 32 : i32
        %add3A_455 = vector.broadcast %add3A_454 : i32 to vector<16xi32>
        %add3A_456 = arith.addi %and3A_109, %add3A_455 : vector<16xi32>
        %add3A_457 = arith.addi %get3A_229, %add3A_456 : vector<16xi32>
        %gather3A_458 = tpu.vector_load_idx %arg8[%add3A_225, %add3A_457] : memref<128x128xf32, #tpu.memory_space<vmem>>[vector<16xi32>, vector<16xi32>], vector<16xf32>,
        tpu.vector_store_idx %arg10[%add3A_456, %add3A_225], %gather3A_458 : memref<64x128xf32, #tpu.memory_space<vmem>>[vector<16xi32>, vector<16xi32>], vector<16xf32>,
        %add3A_459 = arith.constant 32 : i32
        %add3A_460 = vector.broadcast %add3A_459 : i32 to vector<16xi32>
        %add3A_461 = arith.addi %and3A_115, %add3A_460 : vector<16xi32>
        %add3A_462 = arith.addi %get3A_229, %add3A_461 : vector<16xi32>
        %gather3A_463 = tpu.vector_load_idx %arg8[%add3A_225, %add3A_462] : memref<128x128xf32, #tpu.memory_space<vmem>>[vector<16xi32>, vector<16xi32>], vector<16xf32>,
        tpu.vector_store_idx %arg10[%add3A_461, %add3A_225], %gather3A_463 : memref<64x128xf32, #tpu.memory_space<vmem>>[vector<16xi32>, vector<16xi32>], vector<16xf32>,
        %add3A_464 = arith.constant 32 : i32
        %add3A_465 = vector.broadcast %add3A_464 : i32 to vector<16xi32>
        %add3A_466 = arith.addi %and3A_121, %add3A_465 : vector<16xi32>
        %add3A_467 = arith.addi %get3A_229, %add3A_466 : vector<16xi32>
        %gather3A_468 = tpu.vector_load_idx %arg8[%add3A_225, %add3A_467] : memref<128x128xf32, #tpu.memory_space<vmem>>[vector<16xi32>, vector<16xi32>], vector<16xf32>,
        tpu.vector_store_idx %arg10[%add3A_466, %add3A_225], %gather3A_468 : memref<64x128xf32, #tpu.memory_space<vmem>>[vector<16xi32>, vector<16xi32>], vector<16xf32>,
        %add3A_469 = arith.constant 48 : i32
        %add3A_470 = vector.broadcast %add3A_469 : i32 to vector<16xi32>
        %add3A_471 = arith.addi %and3A_31, %add3A_470 : vector<16xi32>
        %add3A_472 = arith.addi %get3A_229, %add3A_471 : vector<16xi32>
        %gather3A_473 = tpu.vector_load_idx %arg8[%add3A_225, %add3A_472] : memref<128x128xf32, #tpu.memory_space<vmem>>[vector<16xi32>, vector<16xi32>], vector<16xf32>,
        tpu.vector_store_idx %arg10[%add3A_471, %add3A_225], %gather3A_473 : memref<64x128xf32, #tpu.memory_space<vmem>>[vector<16xi32>, vector<16xi32>], vector<16xf32>,
        %add3A_474 = arith.constant 48 : i32
        %add3A_475 = vector.broadcast %add3A_474 : i32 to vector<16xi32>
        %add3A_476 = arith.addi %and3A_37, %add3A_475 : vector<16xi32>
        %add3A_477 = arith.addi %get3A_229, %add3A_476 : vector<16xi32>
        %gather3A_478 = tpu.vector_load_idx %arg8[%add3A_225, %add3A_477] : memref<128x128xf32, #tpu.memory_space<vmem>>[vector<16xi32>, vector<16xi32>], vector<16xf32>,
        tpu.vector_store_idx %arg10[%add3A_476, %add3A_225], %gather3A_478 : memref<64x128xf32, #tpu.memory_space<vmem>>[vector<16xi32>, vector<16xi32>], vector<16xf32>,
        %add3A_479 = arith.constant 48 : i32
        %add3A_480 = vector.broadcast %add3A_479 : i32 to vector<16xi32>
        %add3A_481 = arith.addi %and3A_43, %add3A_480 : vector<16xi32>
        %add3A_482 = arith.addi %get3A_229, %add3A_481 : vector<16xi32>
        %gather3A_483 = tpu.vector_load_idx %arg8[%add3A_225, %add3A_482] : memref<128x128xf32, #tpu.memory_space<vmem>>[vector<16xi32>, vector<16xi32>], vector<16xf32>,
        tpu.vector_store_idx %arg10[%add3A_481, %add3A_225], %gather3A_483 : memref<64x128xf32, #tpu.memory_space<vmem>>[vector<16xi32>, vector<16xi32>], vector<16xf32>,
        %add3A_484 = arith.constant 48 : i32
        %add3A_485 = vector.broadcast %add3A_484 : i32 to vector<16xi32>
        %add3A_486 = arith.addi %and3A_49, %add3A_485 : vector<16xi32>
        %add3A_487 = arith.addi %get3A_229, %add3A_486 : vector<16xi32>
        %gather3A_488 = tpu.vector_load_idx %arg8[%add3A_225, %add3A_487] : memref<128x128xf32, #tpu.memory_space<vmem>>[vector<16xi32>, vector<16xi32>], vector<16xf32>,
        tpu.vector_store_idx %arg10[%add3A_486, %add3A_225], %gather3A_488 : memref<64x128xf32, #tpu.memory_space<vmem>>[vector<16xi32>, vector<16xi32>], vector<16xf32>,
        %add3A_489 = arith.constant 48 : i32
        %add3A_490 = vector.broadcast %add3A_489 : i32 to vector<16xi32>
        %add3A_491 = arith.addi %and3A_55, %add3A_490 : vector<16xi32>
        %add3A_492 = arith.addi %get3A_229, %add3A_491 : vector<16xi32>
        %gather3A_493 = tpu.vector_load_idx %arg8[%add3A_225, %add3A_492] : memref<128x128xf32, #tpu.memory_space<vmem>>[vector<16xi32>, vector<16xi32>], vector<16xf32>,
        tpu.vector_store_idx %arg10[%add3A_491, %add3A_225], %gather3A_493 : memref<64x128xf32, #tpu.memory_space<vmem>>[vector<16xi32>, vector<16xi32>], vector<16xf32>,
        %add3A_494 = arith.constant 48 : i32
        %add3A_495 = vector.broadcast %add3A_494 : i32 to vector<16xi32>
        %add3A_496 = arith.addi %and3A_61, %add3A_495 : vector<16xi32>
        %add3A_497 = arith.addi %get3A_229, %add3A_496 : vector<16xi32>
        %gather3A_498 = tpu.vector_load_idx %arg8[%add3A_225, %add3A_497] : memref<128x128xf32, #tpu.memory_space<vmem>>[vector<16xi32>, vector<16xi32>], vector<16xf32>,
        tpu.vector_store_idx %arg10[%add3A_496, %add3A_225], %gather3A_498 : memref<64x128xf32, #tpu.memory_space<vmem>>[vector<16xi32>, vector<16xi32>], vector<16xf32>,
        %add3A_499 = arith.constant 48 : i32
        %add3A_500 = vector.broadcast %add3A_499 : i32 to vector<16xi32>
        %add3A_501 = arith.addi %and3A_67, %add3A_500 : vector<16xi32>
        %add3A_502 = arith.addi %get3A_229, %add3A_501 : vector<16xi32>
        %gather3A_503 = tpu.vector_load_idx %arg8[%add3A_225, %add3A_502] : memref<128x128xf32, #tpu.memory_space<vmem>>[vector<16xi32>, vector<16xi32>], vector<16xf32>,
        tpu.vector_store_idx %arg10[%add3A_501, %add3A_225], %gather3A_503 : memref<64x128xf32, #tpu.memory_space<vmem>>[vector<16xi32>, vector<16xi32>], vector<16xf32>,
        %add3A_504 = arith.constant 48 : i32
        %add3A_505 = vector.broadcast %add3A_504 : i32 to vector<16xi32>
        %add3A_506 = arith.addi %and3A_73, %add3A_505 : vector<16xi32>
        %add3A_507 = arith.addi %get3A_229, %add3A_506 : vector<16xi32>
        %gather3A_508 = tpu.vector_load_idx %arg8[%add3A_225, %add3A_507] : memref<128x128xf32, #tpu.memory_space<vmem>>[vector<16xi32>, vector<16xi32>], vector<16xf32>,
        tpu.vector_store_idx %arg10[%add3A_506, %add3A_225], %gather3A_508 : memref<64x128xf32, #tpu.memory_space<vmem>>[vector<16xi32>, vector<16xi32>], vector<16xf32>,
        %add3A_509 = arith.constant 48 : i32
        %add3A_510 = vector.broadcast %add3A_509 : i32 to vector<16xi32>
        %add3A_511 = arith.addi %and3A_79, %add3A_510 : vector<16xi32>
        %add3A_512 = arith.addi %get3A_229, %add3A_511 : vector<16xi32>
        %gather3A_513 = tpu.vector_load_idx %arg8[%add3A_225, %add3A_512] : memref<128x128xf32, #tpu.memory_space<vmem>>[vector<16xi32>, vector<16xi32>], vector<16xf32>,
        tpu.vector_store_idx %arg10[%add3A_511, %add3A_225], %gather3A_513 : memref<64x128xf32, #tpu.memory_space<vmem>>[vector<16xi32>, vector<16xi32>], vector<16xf32>,
        %add3A_514 = arith.constant 48 : i32
        %add3A_515 = vector.broadcast %add3A_514 : i32 to vector<16xi32>
        %add3A_516 = arith.addi %and3A_85, %add3A_515 : vector<16xi32>
        %add3A_517 = arith.addi %get3A_229, %add3A_516 : vector<16xi32>
        %gather3A_518 = tpu.vector_load_idx %arg8[%add3A_225, %add3A_517] : memref<128x128xf32, #tpu.memory_space<vmem>>[vector<16xi32>, vector<16xi32>], vector<16xf32>,
        tpu.vector_store_idx %arg10[%add3A_516, %add3A_225], %gather3A_518 : memref<64x128xf32, #tpu.memory_space<vmem>>[vector<16xi32>, vector<16xi32>], vector<16xf32>,
        %add3A_519 = arith.constant 48 : i32
        %add3A_520 = vector.broadcast %add3A_519 : i32 to vector<16xi32>
        %add3A_521 = arith.addi %and3A_91, %add3A_520 : vector<16xi32>
        %add3A_522 = arith.addi %get3A_229, %add3A_521 : vector<16xi32>
        %gather3A_523 = tpu.vector_load_idx %arg8[%add3A_225, %add3A_522] : memref<128x128xf32, #tpu.memory_space<vmem>>[vector<16xi32>, vector<16xi32>], vector<16xf32>,
        tpu.vector_store_idx %arg10[%add3A_521, %add3A_225], %gather3A_523 : memref<64x128xf32, #tpu.memory_space<vmem>>[vector<16xi32>, vector<16xi32>], vector<16xf32>,
        %add3A_524 = arith.constant 48 : i32
        %add3A_525 = vector.broadcast %add3A_524 : i32 to vector<16xi32>
        %add3A_526 = arith.addi %and3A_97, %add3A_525 : vector<16xi32>
        %add3A_527 = arith.addi %get3A_229, %add3A_526 : vector<16xi32>
        %gather3A_528 = tpu.vector_load_idx %arg8[%add3A_225, %add3A_527] : memref<128x128xf32, #tpu.memory_space<vmem>>[vector<16xi32>, vector<16xi32>], vector<16xf32>,
        tpu.vector_store_idx %arg10[%add3A_526, %add3A_225], %gather3A_528 : memref<64x128xf32, #tpu.memory_space<vmem>>[vector<16xi32>, vector<16xi32>], vector<16xf32>,
        %add3A_529 = arith.constant 48 : i32
        %add3A_530 = vector.broadcast %add3A_529 : i32 to vector<16xi32>
        %add3A_531 = arith.addi %and3A_103, %add3A_530 : vector<16xi32>
        %add3A_532 = arith.addi %get3A_229, %add3A_531 : vector<16xi32>
        %gather3A_533 = tpu.vector_load_idx %arg8[%add3A_225, %add3A_532] : memref<128x128xf32, #tpu.memory_space<vmem>>[vector<16xi32>, vector<16xi32>], vector<16xf32>,
        tpu.vector_store_idx %arg10[%add3A_531, %add3A_225], %gather3A_533 : memref<64x128xf32, #tpu.memory_space<vmem>>[vector<16xi32>, vector<16xi32>], vector<16xf32>,
        %add3A_534 = arith.constant 48 : i32
        %add3A_535 = vector.broadcast %add3A_534 : i32 to vector<16xi32>
        %add3A_536 = arith.addi %and3A_109, %add3A_535 : vector<16xi32>
        %add3A_537 = arith.addi %get3A_229, %add3A_536 : vector<16xi32>
        %gather3A_538 = tpu.vector_load_idx %arg8[%add3A_225, %add3A_537] : memref<128x128xf32, #tpu.memory_space<vmem>>[vector<16xi32>, vector<16xi32>], vector<16xf32>,
        tpu.vector_store_idx %arg10[%add3A_536, %add3A_225], %gather3A_538 : memref<64x128xf32, #tpu.memory_space<vmem>>[vector<16xi32>, vector<16xi32>], vector<16xf32>,
        %add3A_539 = arith.constant 48 : i32
        %add3A_540 = vector.broadcast %add3A_539 : i32 to vector<16xi32>
        %add3A_541 = arith.addi %and3A_115, %add3A_540 : vector<16xi32>
        %add3A_542 = arith.addi %get3A_229, %add3A_541 : vector<16xi32>
        %gather3A_543 = tpu.vector_load_idx %arg8[%add3A_225, %add3A_542] : memref<128x128xf32, #tpu.memory_space<vmem>>[vector<16xi32>, vector<16xi32>], vector<16xf32>,
        tpu.vector_store_idx %arg10[%add3A_541, %add3A_225], %gather3A_543 : memref<64x128xf32, #tpu.memory_space<vmem>>[vector<16xi32>, vector<16xi32>], vector<16xf32>,
        %add3A_544 = arith.constant 48 : i32
        %add3A_545 = vector.broadcast %add3A_544 : i32 to vector<16xi32>
        %add3A_546 = arith.addi %and3A_121, %add3A_545 : vector<16xi32>
        %add3A_547 = arith.addi %get3A_229, %add3A_546 : vector<16xi32>
        %gather3A_548 = tpu.vector_load_idx %arg8[%add3A_225, %add3A_547] : memref<128x128xf32, #tpu.memory_space<vmem>>[vector<16xi32>, vector<16xi32>], vector<16xf32>,
        tpu.vector_store_idx %arg10[%add3A_546, %add3A_225], %gather3A_548 : memref<64x128xf32, #tpu.memory_space<vmem>>[vector<16xi32>, vector<16xi32>], vector<16xf32>,
      }
      %scan3A_177 = arith.constant 8 : i32
      %dma_start3A_178 = arith.constant 0 : i32
      %dma_start3A_179 = tpu.memref_slice %arg4[%add3A_158, %dma_start3A_178, %multiple_of3A] : memref<100x64x4096xf32, #tpu.memory_space<hbm>> -> memref<1x64x128xf32, #tpu.memory_space<hbm>>
      %dma_start3A_180 = tpu.memref_squeeze %dma_start3A_179 : memref<1x64x128xf32, #tpu.memory_space<hbm>> -> memref<64x128xf32, #tpu.memory_space<hbm>>
      %dma_start3A_181 = arith.constant 0 : i32
      %dma_start3A_182 = tpu.memref_slice %arg4[%add3A_158, %dma_start3A_181, %multiple_of3A] : memref<100x64x4096xf32, #tpu.memory_space<hbm>> -> memref<1x64x128xf32, #tpu.memory_space<hbm>>
      %dma_start3A_183 = tpu.memref_squeeze %dma_start3A_182 : memref<1x64x128xf32, #tpu.memory_space<hbm>> -> memref<64x128xf32, #tpu.memory_space<hbm>>
      tpu.enqueue_dma source(%arg10 : memref<64x128xf32, #tpu.memory_space<vmem>>) target(%dma_start3A_183 : memref<64x128xf32, #tpu.memory_space<hbm>>) target_semaphore(%arg14 : memref<!tpu.dma_semaphore, #tpu.memory_space<semaphore_mem>>)
      %mul3A_184 = arith.constant 2 : i32
      %mul3A_185 = arith.muli %add3A_154, %mul3A_184 : i32
      %add3A_186 = arith.constant 1 : i32
      %add3A_187 = arith.addi %mul3A_185, %add3A_186 : i32
      %add3A_188 = arith.constant 1 : i32
      %add3A_189 = arith.addi %add3A_187, %add3A_188 : i32
      %lt3A_190 = arith.constant 100 : i32
      %lt3A_191 = arith.cmpi slt, %add3A_189, %lt3A_190 : i32
      %convert_element_type3A_192 = arith.extui %lt3A_191 : i1 to i32
      %cond3A_193 = arith.constant 0 : i32
      %cond3A_194 = arith.cmpi ne, %convert_element_type3A_192, %cond3A_193 : i32
      scf.if %cond3A_194 {
        %add3A_217 = arith.constant 1 : i32
        %add3A_218 = arith.addi %add3A_187, %add3A_217 : i32
        %dma_start3A_219 = arith.constant 0 : i32
        %dma_start3A_220 = tpu.memref_slice %arg6[%add3A_218, %dma_start3A_219] : memref<100x128xi32, #tpu.memory_space<vmem>> -> memref<1x128xi32, #tpu.memory_space<vmem>>
        %dma_start3A_221 = tpu.memref_squeeze %dma_start3A_220 : memref<1x128xi32, #tpu.memory_space<vmem>> -> memref<128xi32, #tpu.memory_space<vmem>>
        %dma_start3A_222 = arith.constant 0 : i32
        %dma_start3A_223 = arith.constant 0 : i32
        %dma_start3A_224 = tpu.memref_slice %arg2[%dma_start3A_222, %dma_start3A_223] : memref<500000x128xf32, #tpu.memory_space<hbm>> -> memref<500000x128xf32, #tpu.memory_space<hbm>>
        tpu.enqueue_indirect_dma source(%dma_start3A_224 : memref<500000x128xf32, #tpu.memory_space<hbm>>) target(%arg8 : memref<128x128xf32, #tpu.memory_space<vmem>>) offsets(%dma_start3A_221 : memref<128xi32, #tpu.memory_space<vmem>>) semaphore(%arg12 : memref<!tpu.dma_semaphore, #tpu.memory_space<semaphore_mem>>)
      } else {
      }
      %dma_wait3A_195 = arith.constant 0 : i32
      %dma_wait3A_196 = tpu.memref_slice %arg6[%add3A_187, %dma_wait3A_195] : memref<100x128xi32, #tpu.memory_space<vmem>> -> memref<1x128xi32, #tpu.memory_space<vmem>>
      %dma_wait3A_197 = tpu.memref_squeeze %dma_wait3A_196 : memref<1x128xi32, #tpu.memory_space<vmem>> -> memref<128xi32, #tpu.memory_space<vmem>>
      %dma_wait3A_198 = arith.constant 0 : i32
      %dma_wait3A_199 = arith.constant 0 : i32
      %dma_wait3A_200 = tpu.memref_slice %arg2[%dma_wait3A_198, %dma_wait3A_199] : memref<500000x128xf32, #tpu.memory_space<hbm>> -> memref<500000x128xf32, #tpu.memory_space<hbm>>
      tpu.wait_indirect_dma semaphore(%arg13 : memref<!tpu.dma_semaphore, #tpu.memory_space<semaphore_mem>>) src(%dma_wait3A_200 : memref<500000x128xf32, #tpu.memory_space<hbm>>) dst(%arg9 : memref<128x128xf32, #tpu.memory_space<vmem>>)
      %ge3A_201 = arith.constant 2 : i32
      %ge3A_202 = arith.cmpi sge, %add3A_187, %ge3A_201 : i32
      %convert_element_type3A_203 = arith.extui %ge3A_202 : i1 to i32
      %cond3A_204 = arith.constant 0 : i32
      %cond3A_205 = arith.cmpi ne, %convert_element_type3A_203, %cond3A_204 : i32
      scf.if %cond3A_205 {
        %sub3A = arith.constant 2 : i32
        %sub3A_217 = arith.subi %add3A_187, %sub3A : i32
        %dma_wait3A_218 = arith.constant 0 : i32
        %dma_wait3A_219 = tpu.memref_slice %arg4[%sub3A_217, %dma_wait3A_218, %multiple_of3A] : memref<100x64x4096xf32, #tpu.memory_space<hbm>> -> memref<1x64x128xf32, #tpu.memory_space<hbm>>
        %dma_wait3A_220 = tpu.memref_squeeze %dma_wait3A_219 : memref<1x64x128xf32, #tpu.memory_space<hbm>> -> memref<64x128xf32, #tpu.memory_space<hbm>>
        %dma_wait3A_221 = arith.constant 0 : i32
        %dma_wait3A_222 = tpu.memref_slice %arg4[%sub3A_217, %dma_wait3A_221, %multiple_of3A] : memref<100x64x4096xf32, #tpu.memory_space<hbm>> -> memref<1x64x128xf32, #tpu.memory_space<hbm>>
        %dma_wait3A_223 = tpu.memref_squeeze %dma_wait3A_222 : memref<1x64x128xf32, #tpu.memory_space<hbm>> -> memref<64x128xf32, #tpu.memory_space<hbm>>
        tpu.wait_dma2 semaphore(%arg15 : memref<!tpu.dma_semaphore, #tpu.memory_space<semaphore_mem>>) src(%arg11 : memref<64x128xf32, #tpu.memory_space<vmem>>) dst(%dma_wait3A_223 : memref<64x128xf32, #tpu.memory_space<hbm>>)
      } else {
      }
      %scan3A_206 = arith.constant 0 : i32
      %scan3A_207 = arith.constant 8 : i32
      %scan3A_208 = arith.addi %scan3A_206, %scan3A_207 : i32
      %scan3A_209 = arith.constant 1 : i32
      scf.for %scan3A_217 = %scan3A_206 to %scan3A_208 step %scan3A_209  : i32 {
        %mul3A_218 = arith.constant 1 : i32
        %mul3A_219 = arith.muli %scan3A_217, %mul3A_218 : i32
        %add3A_220 = arith.constant 0 : i32
        %add3A_221 = arith.addi %add3A_220, %mul3A_219 : i32
        %mul3A_222 = arith.constant 16 : i32
        %mul3A_223 = arith.muli %add3A_221, %mul3A_222 : i32
        %add3A_224 = vector.broadcast %mul3A_223 : i32 to vector<16xi32>
        %add3A_225 = arith.addi %iota3A, %add3A_224 : vector<16xi32>
        %mul3A_226 = arith.constant 16 : i32
        %mul3A_227 = arith.muli %add3A_221, %mul3A_226 : i32
        %get3A = arith.index_cast %add3A_187 : i32 to index
        %get3A_228 = arith.index_cast %mul3A_227 : i32 to index
        %get3A_229 = tpu.vector_load %arg7[%get3A, %get3A_228] {strides = array<i32>} : memref<100x128xi32, #tpu.memory_space<vmem>>, vector<16xi32>,
        %add3A_230 = arith.constant 0 : i32
        %add3A_231 = vector.broadcast %add3A_230 : i32 to vector<16xi32>
        %add3A_232 = arith.addi %and3A_31, %add3A_231 : vector<16xi32>
        %add3A_233 = arith.addi %get3A_229, %add3A_232 : vector<16xi32>
        %gather3A = tpu.vector_load_idx %arg9[%add3A_225, %add3A_233] : memref<128x128xf32, #tpu.memory_space<vmem>>[vector<16xi32>, vector<16xi32>], vector<16xf32>,
        tpu.vector_store_idx %arg11[%add3A_232, %add3A_225], %gather3A : memref<64x128xf32, #tpu.memory_space<vmem>>[vector<16xi32>, vector<16xi32>], vector<16xf32>,
        %add3A_234 = arith.constant 0 : i32
        %add3A_235 = vector.broadcast %add3A_234 : i32 to vector<16xi32>
        %add3A_236 = arith.addi %and3A_37, %add3A_235 : vector<16xi32>
        %add3A_237 = arith.addi %get3A_229, %add3A_236 : vector<16xi32>
        %gather3A_238 = tpu.vector_load_idx %arg9[%add3A_225, %add3A_237] : memref<128x128xf32, #tpu.memory_space<vmem>>[vector<16xi32>, vector<16xi32>], vector<16xf32>,
        tpu.vector_store_idx %arg11[%add3A_236, %add3A_225], %gather3A_238 : memref<64x128xf32, #tpu.memory_space<vmem>>[vector<16xi32>, vector<16xi32>], vector<16xf32>,
        %add3A_239 = arith.constant 0 : i32
        %add3A_240 = vector.broadcast %add3A_239 : i32 to vector<16xi32>
        %add3A_241 = arith.addi %and3A_43, %add3A_240 : vector<16xi32>
        %add3A_242 = arith.addi %get3A_229, %add3A_241 : vector<16xi32>
        %gather3A_243 = tpu.vector_load_idx %arg9[%add3A_225, %add3A_242] : memref<128x128xf32, #tpu.memory_space<vmem>>[vector<16xi32>, vector<16xi32>], vector<16xf32>,
        tpu.vector_store_idx %arg11[%add3A_241, %add3A_225], %gather3A_243 : memref<64x128xf32, #tpu.memory_space<vmem>>[vector<16xi32>, vector<16xi32>], vector<16xf32>,
        %add3A_244 = arith.constant 0 : i32
        %add3A_245 = vector.broadcast %add3A_244 : i32 to vector<16xi32>
        %add3A_246 = arith.addi %and3A_49, %add3A_245 : vector<16xi32>
        %add3A_247 = arith.addi %get3A_229, %add3A_246 : vector<16xi32>
        %gather3A_248 = tpu.vector_load_idx %arg9[%add3A_225, %add3A_247] : memref<128x128xf32, #tpu.memory_space<vmem>>[vector<16xi32>, vector<16xi32>], vector<16xf32>,
        tpu.vector_store_idx %arg11[%add3A_246, %add3A_225], %gather3A_248 : memref<64x128xf32, #tpu.memory_space<vmem>>[vector<16xi32>, vector<16xi32>], vector<16xf32>,
        %add3A_249 = arith.constant 0 : i32
        %add3A_250 = vector.broadcast %add3A_249 : i32 to vector<16xi32>
        %add3A_251 = arith.addi %and3A_55, %add3A_250 : vector<16xi32>
        %add3A_252 = arith.addi %get3A_229, %add3A_251 : vector<16xi32>
        %gather3A_253 = tpu.vector_load_idx %arg9[%add3A_225, %add3A_252] : memref<128x128xf32, #tpu.memory_space<vmem>>[vector<16xi32>, vector<16xi32>], vector<16xf32>,
        tpu.vector_store_idx %arg11[%add3A_251, %add3A_225], %gather3A_253 : memref<64x128xf32, #tpu.memory_space<vmem>>[vector<16xi32>, vector<16xi32>], vector<16xf32>,
        %add3A_254 = arith.constant 0 : i32
        %add3A_255 = vector.broadcast %add3A_254 : i32 to vector<16xi32>
        %add3A_256 = arith.addi %and3A_61, %add3A_255 : vector<16xi32>
        %add3A_257 = arith.addi %get3A_229, %add3A_256 : vector<16xi32>
        %gather3A_258 = tpu.vector_load_idx %arg9[%add3A_225, %add3A_257] : memref<128x128xf32, #tpu.memory_space<vmem>>[vector<16xi32>, vector<16xi32>], vector<16xf32>,
        tpu.vector_store_idx %arg11[%add3A_256, %add3A_225], %gather3A_258 : memref<64x128xf32, #tpu.memory_space<vmem>>[vector<16xi32>, vector<16xi32>], vector<16xf32>,
        %add3A_259 = arith.constant 0 : i32
        %add3A_260 = vector.broadcast %add3A_259 : i32 to vector<16xi32>
        %add3A_261 = arith.addi %and3A_67, %add3A_260 : vector<16xi32>
        %add3A_262 = arith.addi %get3A_229, %add3A_261 : vector<16xi32>
        %gather3A_263 = tpu.vector_load_idx %arg9[%add3A_225, %add3A_262] : memref<128x128xf32, #tpu.memory_space<vmem>>[vector<16xi32>, vector<16xi32>], vector<16xf32>,
        tpu.vector_store_idx %arg11[%add3A_261, %add3A_225], %gather3A_263 : memref<64x128xf32, #tpu.memory_space<vmem>>[vector<16xi32>, vector<16xi32>], vector<16xf32>,
        %add3A_264 = arith.constant 0 : i32
        %add3A_265 = vector.broadcast %add3A_264 : i32 to vector<16xi32>
        %add3A_266 = arith.addi %and3A_73, %add3A_265 : vector<16xi32>
        %add3A_267 = arith.addi %get3A_229, %add3A_266 : vector<16xi32>
        %gather3A_268 = tpu.vector_load_idx %arg9[%add3A_225, %add3A_267] : memref<128x128xf32, #tpu.memory_space<vmem>>[vector<16xi32>, vector<16xi32>], vector<16xf32>,
        tpu.vector_store_idx %arg11[%add3A_266, %add3A_225], %gather3A_268 : memref<64x128xf32, #tpu.memory_space<vmem>>[vector<16xi32>, vector<16xi32>], vector<16xf32>,
        %add3A_269 = arith.constant 0 : i32
        %add3A_270 = vector.broadcast %add3A_269 : i32 to vector<16xi32>
        %add3A_271 = arith.addi %and3A_79, %add3A_270 : vector<16xi32>
        %add3A_272 = arith.addi %get3A_229, %add3A_271 : vector<16xi32>
        %gather3A_273 = tpu.vector_load_idx %arg9[%add3A_225, %add3A_272] : memref<128x128xf32, #tpu.memory_space<vmem>>[vector<16xi32>, vector<16xi32>], vector<16xf32>,
        tpu.vector_store_idx %arg11[%add3A_271, %add3A_225], %gather3A_273 : memref<64x128xf32, #tpu.memory_space<vmem>>[vector<16xi32>, vector<16xi32>], vector<16xf32>,
        %add3A_274 = arith.constant 0 : i32
        %add3A_275 = vector.broadcast %add3A_274 : i32 to vector<16xi32>
        %add3A_276 = arith.addi %and3A_85, %add3A_275 : vector<16xi32>
        %add3A_277 = arith.addi %get3A_229, %add3A_276 : vector<16xi32>
        %gather3A_278 = tpu.vector_load_idx %arg9[%add3A_225, %add3A_277] : memref<128x128xf32, #tpu.memory_space<vmem>>[vector<16xi32>, vector<16xi32>], vector<16xf32>,
        tpu.vector_store_idx %arg11[%add3A_276, %add3A_225], %gather3A_278 : memref<64x128xf32, #tpu.memory_space<vmem>>[vector<16xi32>, vector<16xi32>], vector<16xf32>,
        %add3A_279 = arith.constant 0 : i32
        %add3A_280 = vector.broadcast %add3A_279 : i32 to vector<16xi32>
        %add3A_281 = arith.addi %and3A_91, %add3A_280 : vector<16xi32>
        %add3A_282 = arith.addi %get3A_229, %add3A_281 : vector<16xi32>
        %gather3A_283 = tpu.vector_load_idx %arg9[%add3A_225, %add3A_282] : memref<128x128xf32, #tpu.memory_space<vmem>>[vector<16xi32>, vector<16xi32>], vector<16xf32>,
        tpu.vector_store_idx %arg11[%add3A_281, %add3A_225], %gather3A_283 : memref<64x128xf32, #tpu.memory_space<vmem>>[vector<16xi32>, vector<16xi32>], vector<16xf32>,
        %add3A_284 = arith.constant 0 : i32
        %add3A_285 = vector.broadcast %add3A_284 : i32 to vector<16xi32>
        %add3A_286 = arith.addi %and3A_97, %add3A_285 : vector<16xi32>
        %add3A_287 = arith.addi %get3A_229, %add3A_286 : vector<16xi32>
        %gather3A_288 = tpu.vector_load_idx %arg9[%add3A_225, %add3A_287] : memref<128x128xf32, #tpu.memory_space<vmem>>[vector<16xi32>, vector<16xi32>], vector<16xf32>,
        tpu.vector_store_idx %arg11[%add3A_286, %add3A_225], %gather3A_288 : memref<64x128xf32, #tpu.memory_space<vmem>>[vector<16xi32>, vector<16xi32>], vector<16xf32>,
        %add3A_289 = arith.constant 0 : i32
        %add3A_290 = vector.broadcast %add3A_289 : i32 to vector<16xi32>
        %add3A_291 = arith.addi %and3A_103, %add3A_290 : vector<16xi32>
        %add3A_292 = arith.addi %get3A_229, %add3A_291 : vector<16xi32>
        %gather3A_293 = tpu.vector_load_idx %arg9[%add3A_225, %add3A_292] : memref<128x128xf32, #tpu.memory_space<vmem>>[vector<16xi32>, vector<16xi32>], vector<16xf32>,
        tpu.vector_store_idx %arg11[%add3A_291, %add3A_225], %gather3A_293 : memref<64x128xf32, #tpu.memory_space<vmem>>[vector<16xi32>, vector<16xi32>], vector<16xf32>,
        %add3A_294 = arith.constant 0 : i32
        %add3A_295 = vector.broadcast %add3A_294 : i32 to vector<16xi32>
        %add3A_296 = arith.addi %and3A_109, %add3A_295 : vector<16xi32>
        %add3A_297 = arith.addi %get3A_229, %add3A_296 : vector<16xi32>
        %gather3A_298 = tpu.vector_load_idx %arg9[%add3A_225, %add3A_297] : memref<128x128xf32, #tpu.memory_space<vmem>>[vector<16xi32>, vector<16xi32>], vector<16xf32>,
        tpu.vector_store_idx %arg11[%add3A_296, %add3A_225], %gather3A_298 : memref<64x128xf32, #tpu.memory_space<vmem>>[vector<16xi32>, vector<16xi32>], vector<16xf32>,
        %add3A_299 = arith.constant 0 : i32
        %add3A_300 = vector.broadcast %add3A_299 : i32 to vector<16xi32>
        %add3A_301 = arith.addi %and3A_115, %add3A_300 : vector<16xi32>
        %add3A_302 = arith.addi %get3A_229, %add3A_301 : vector<16xi32>
        %gather3A_303 = tpu.vector_load_idx %arg9[%add3A_225, %add3A_302] : memref<128x128xf32, #tpu.memory_space<vmem>>[vector<16xi32>, vector<16xi32>], vector<16xf32>,
        tpu.vector_store_idx %arg11[%add3A_301, %add3A_225], %gather3A_303 : memref<64x128xf32, #tpu.memory_space<vmem>>[vector<16xi32>, vector<16xi32>], vector<16xf32>,
        %add3A_304 = arith.constant 0 : i32
        %add3A_305 = vector.broadcast %add3A_304 : i32 to vector<16xi32>
        %add3A_306 = arith.addi %and3A_121, %add3A_305 : vector<16xi32>
        %add3A_307 = arith.addi %get3A_229, %add3A_306 : vector<16xi32>
        %gather3A_308 = tpu.vector_load_idx %arg9[%add3A_225, %add3A_307] : memref<128x128xf32, #tpu.memory_space<vmem>>[vector<16xi32>, vector<16xi32>], vector<16xf32>,
        tpu.vector_store_idx %arg11[%add3A_306, %add3A_225], %gather3A_308 : memref<64x128xf32, #tpu.memory_space<vmem>>[vector<16xi32>, vector<16xi32>], vector<16xf32>,
        %add3A_309 = arith.constant 16 : i32
        %add3A_310 = vector.broadcast %add3A_309 : i32 to vector<16xi32>
        %add3A_311 = arith.addi %and3A_31, %add3A_310 : vector<16xi32>
        %add3A_312 = arith.addi %get3A_229, %add3A_311 : vector<16xi32>
        %gather3A_313 = tpu.vector_load_idx %arg9[%add3A_225, %add3A_312] : memref<128x128xf32, #tpu.memory_space<vmem>>[vector<16xi32>, vector<16xi32>], vector<16xf32>,
        tpu.vector_store_idx %arg11[%add3A_311, %add3A_225], %gather3A_313 : memref<64x128xf32, #tpu.memory_space<vmem>>[vector<16xi32>, vector<16xi32>], vector<16xf32>,
        %add3A_314 = arith.constant 16 : i32
        %add3A_315 = vector.broadcast %add3A_314 : i32 to vector<16xi32>
        %add3A_316 = arith.addi %and3A_37, %add3A_315 : vector<16xi32>
        %add3A_317 = arith.addi %get3A_229, %add3A_316 : vector<16xi32>
        %gather3A_318 = tpu.vector_load_idx %arg9[%add3A_225, %add3A_317] : memref<128x128xf32, #tpu.memory_space<vmem>>[vector<16xi32>, vector<16xi32>], vector<16xf32>,
        tpu.vector_store_idx %arg11[%add3A_316, %add3A_225], %gather3A_318 : memref<64x128xf32, #tpu.memory_space<vmem>>[vector<16xi32>, vector<16xi32>], vector<16xf32>,
        %add3A_319 = arith.constant 16 : i32
        %add3A_320 = vector.broadcast %add3A_319 : i32 to vector<16xi32>
        %add3A_321 = arith.addi %and3A_43, %add3A_320 : vector<16xi32>
        %add3A_322 = arith.addi %get3A_229, %add3A_321 : vector<16xi32>
        %gather3A_323 = tpu.vector_load_idx %arg9[%add3A_225, %add3A_322] : memref<128x128xf32, #tpu.memory_space<vmem>>[vector<16xi32>, vector<16xi32>], vector<16xf32>,
        tpu.vector_store_idx %arg11[%add3A_321, %add3A_225], %gather3A_323 : memref<64x128xf32, #tpu.memory_space<vmem>>[vector<16xi32>, vector<16xi32>], vector<16xf32>,
        %add3A_324 = arith.constant 16 : i32
        %add3A_325 = vector.broadcast %add3A_324 : i32 to vector<16xi32>
        %add3A_326 = arith.addi %and3A_49, %add3A_325 : vector<16xi32>
        %add3A_327 = arith.addi %get3A_229, %add3A_326 : vector<16xi32>
        %gather3A_328 = tpu.vector_load_idx %arg9[%add3A_225, %add3A_327] : memref<128x128xf32, #tpu.memory_space<vmem>>[vector<16xi32>, vector<16xi32>], vector<16xf32>,
        tpu.vector_store_idx %arg11[%add3A_326, %add3A_225], %gather3A_328 : memref<64x128xf32, #tpu.memory_space<vmem>>[vector<16xi32>, vector<16xi32>], vector<16xf32>,
        %add3A_329 = arith.constant 16 : i32
        %add3A_330 = vector.broadcast %add3A_329 : i32 to vector<16xi32>
        %add3A_331 = arith.addi %and3A_55, %add3A_330 : vector<16xi32>
        %add3A_332 = arith.addi %get3A_229, %add3A_331 : vector<16xi32>
        %gather3A_333 = tpu.vector_load_idx %arg9[%add3A_225, %add3A_332] : memref<128x128xf32, #tpu.memory_space<vmem>>[vector<16xi32>, vector<16xi32>], vector<16xf32>,
        tpu.vector_store_idx %arg11[%add3A_331, %add3A_225], %gather3A_333 : memref<64x128xf32, #tpu.memory_space<vmem>>[vector<16xi32>, vector<16xi32>], vector<16xf32>,
        %add3A_334 = arith.constant 16 : i32
        %add3A_335 = vector.broadcast %add3A_334 : i32 to vector<16xi32>
        %add3A_336 = arith.addi %and3A_61, %add3A_335 : vector<16xi32>
        %add3A_337 = arith.addi %get3A_229, %add3A_336 : vector<16xi32>
        %gather3A_338 = tpu.vector_load_idx %arg9[%add3A_225, %add3A_337] : memref<128x128xf32, #tpu.memory_space<vmem>>[vector<16xi32>, vector<16xi32>], vector<16xf32>,
        tpu.vector_store_idx %arg11[%add3A_336, %add3A_225], %gather3A_338 : memref<64x128xf32, #tpu.memory_space<vmem>>[vector<16xi32>, vector<16xi32>], vector<16xf32>,
        %add3A_339 = arith.constant 16 : i32
        %add3A_340 = vector.broadcast %add3A_339 : i32 to vector<16xi32>
        %add3A_341 = arith.addi %and3A_67, %add3A_340 : vector<16xi32>
        %add3A_342 = arith.addi %get3A_229, %add3A_341 : vector<16xi32>
        %gather3A_343 = tpu.vector_load_idx %arg9[%add3A_225, %add3A_342] : memref<128x128xf32, #tpu.memory_space<vmem>>[vector<16xi32>, vector<16xi32>], vector<16xf32>,
        tpu.vector_store_idx %arg11[%add3A_341, %add3A_225], %gather3A_343 : memref<64x128xf32, #tpu.memory_space<vmem>>[vector<16xi32>, vector<16xi32>], vector<16xf32>,
        %add3A_344 = arith.constant 16 : i32
        %add3A_345 = vector.broadcast %add3A_344 : i32 to vector<16xi32>
        %add3A_346 = arith.addi %and3A_73, %add3A_345 : vector<16xi32>
        %add3A_347 = arith.addi %get3A_229, %add3A_346 : vector<16xi32>
        %gather3A_348 = tpu.vector_load_idx %arg9[%add3A_225, %add3A_347] : memref<128x128xf32, #tpu.memory_space<vmem>>[vector<16xi32>, vector<16xi32>], vector<16xf32>,
        tpu.vector_store_idx %arg11[%add3A_346, %add3A_225], %gather3A_348 : memref<64x128xf32, #tpu.memory_space<vmem>>[vector<16xi32>, vector<16xi32>], vector<16xf32>,
        %add3A_349 = arith.constant 16 : i32
        %add3A_350 = vector.broadcast %add3A_349 : i32 to vector<16xi32>
        %add3A_351 = arith.addi %and3A_79, %add3A_350 : vector<16xi32>
        %add3A_352 = arith.addi %get3A_229, %add3A_351 : vector<16xi32>
        %gather3A_353 = tpu.vector_load_idx %arg9[%add3A_225, %add3A_352] : memref<128x128xf32, #tpu.memory_space<vmem>>[vector<16xi32>, vector<16xi32>], vector<16xf32>,
        tpu.vector_store_idx %arg11[%add3A_351, %add3A_225], %gather3A_353 : memref<64x128xf32, #tpu.memory_space<vmem>>[vector<16xi32>, vector<16xi32>], vector<16xf32>,
        %add3A_354 = arith.constant 16 : i32
        %add3A_355 = vector.broadcast %add3A_354 : i32 to vector<16xi32>
        %add3A_356 = arith.addi %and3A_85, %add3A_355 : vector<16xi32>
        %add3A_357 = arith.addi %get3A_229, %add3A_356 : vector<16xi32>
        %gather3A_358 = tpu.vector_load_idx %arg9[%add3A_225, %add3A_357] : memref<128x128xf32, #tpu.memory_space<vmem>>[vector<16xi32>, vector<16xi32>], vector<16xf32>,
        tpu.vector_store_idx %arg11[%add3A_356, %add3A_225], %gather3A_358 : memref<64x128xf32, #tpu.memory_space<vmem>>[vector<16xi32>, vector<16xi32>], vector<16xf32>,
        %add3A_359 = arith.constant 16 : i32
        %add3A_360 = vector.broadcast %add3A_359 : i32 to vector<16xi32>
        %add3A_361 = arith.addi %and3A_91, %add3A_360 : vector<16xi32>
        %add3A_362 = arith.addi %get3A_229, %add3A_361 : vector<16xi32>
        %gather3A_363 = tpu.vector_load_idx %arg9[%add3A_225, %add3A_362] : memref<128x128xf32, #tpu.memory_space<vmem>>[vector<16xi32>, vector<16xi32>], vector<16xf32>,
        tpu.vector_store_idx %arg11[%add3A_361, %add3A_225], %gather3A_363 : memref<64x128xf32, #tpu.memory_space<vmem>>[vector<16xi32>, vector<16xi32>], vector<16xf32>,
        %add3A_364 = arith.constant 16 : i32
        %add3A_365 = vector.broadcast %add3A_364 : i32 to vector<16xi32>
        %add3A_366 = arith.addi %and3A_97, %add3A_365 : vector<16xi32>
        %add3A_367 = arith.addi %get3A_229, %add3A_366 : vector<16xi32>
        %gather3A_368 = tpu.vector_load_idx %arg9[%add3A_225, %add3A_367] : memref<128x128xf32, #tpu.memory_space<vmem>>[vector<16xi32>, vector<16xi32>], vector<16xf32>,
        tpu.vector_store_idx %arg11[%add3A_366, %add3A_225], %gather3A_368 : memref<64x128xf32, #tpu.memory_space<vmem>>[vector<16xi32>, vector<16xi32>], vector<16xf32>,
        %add3A_369 = arith.constant 16 : i32
        %add3A_370 = vector.broadcast %add3A_369 : i32 to vector<16xi32>
        %add3A_371 = arith.addi %and3A_103, %add3A_370 : vector<16xi32>
        %add3A_372 = arith.addi %get3A_229, %add3A_371 : vector<16xi32>
        %gather3A_373 = tpu.vector_load_idx %arg9[%add3A_225, %add3A_372] : memref<128x128xf32, #tpu.memory_space<vmem>>[vector<16xi32>, vector<16xi32>], vector<16xf32>,
        tpu.vector_store_idx %arg11[%add3A_371, %add3A_225], %gather3A_373 : memref<64x128xf32, #tpu.memory_space<vmem>>[vector<16xi32>, vector<16xi32>], vector<16xf32>,
        %add3A_374 = arith.constant 16 : i32
        %add3A_375 = vector.broadcast %add3A_374 : i32 to vector<16xi32>
        %add3A_376 = arith.addi %and3A_109, %add3A_375 : vector<16xi32>
        %add3A_377 = arith.addi %get3A_229, %add3A_376 : vector<16xi32>
        %gather3A_378 = tpu.vector_load_idx %arg9[%add3A_225, %add3A_377] : memref<128x128xf32, #tpu.memory_space<vmem>>[vector<16xi32>, vector<16xi32>], vector<16xf32>,
        tpu.vector_store_idx %arg11[%add3A_376, %add3A_225], %gather3A_378 : memref<64x128xf32, #tpu.memory_space<vmem>>[vector<16xi32>, vector<16xi32>], vector<16xf32>,
        %add3A_379 = arith.constant 16 : i32
        %add3A_380 = vector.broadcast %add3A_379 : i32 to vector<16xi32>
        %add3A_381 = arith.addi %and3A_115, %add3A_380 : vector<16xi32>
        %add3A_382 = arith.addi %get3A_229, %add3A_381 : vector<16xi32>
        %gather3A_383 = tpu.vector_load_idx %arg9[%add3A_225, %add3A_382] : memref<128x128xf32, #tpu.memory_space<vmem>>[vector<16xi32>, vector<16xi32>], vector<16xf32>,
        tpu.vector_store_idx %arg11[%add3A_381, %add3A_225], %gather3A_383 : memref<64x128xf32, #tpu.memory_space<vmem>>[vector<16xi32>, vector<16xi32>], vector<16xf32>,
        %add3A_384 = arith.constant 16 : i32
        %add3A_385 = vector.broadcast %add3A_384 : i32 to vector<16xi32>
        %add3A_386 = arith.addi %and3A_121, %add3A_385 : vector<16xi32>
        %add3A_387 = arith.addi %get3A_229, %add3A_386 : vector<16xi32>
        %gather3A_388 = tpu.vector_load_idx %arg9[%add3A_225, %add3A_387] : memref<128x128xf32, #tpu.memory_space<vmem>>[vector<16xi32>, vector<16xi32>], vector<16xf32>,
        tpu.vector_store_idx %arg11[%add3A_386, %add3A_225], %gather3A_388 : memref<64x128xf32, #tpu.memory_space<vmem>>[vector<16xi32>, vector<16xi32>], vector<16xf32>,
        %add3A_389 = arith.constant 32 : i32
        %add3A_390 = vector.broadcast %add3A_389 : i32 to vector<16xi32>
        %add3A_391 = arith.addi %and3A_31, %add3A_390 : vector<16xi32>
        %add3A_392 = arith.addi %get3A_229, %add3A_391 : vector<16xi32>
        %gather3A_393 = tpu.vector_load_idx %arg9[%add3A_225, %add3A_392] : memref<128x128xf32, #tpu.memory_space<vmem>>[vector<16xi32>, vector<16xi32>], vector<16xf32>,
        tpu.vector_store_idx %arg11[%add3A_391, %add3A_225], %gather3A_393 : memref<64x128xf32, #tpu.memory_space<vmem>>[vector<16xi32>, vector<16xi32>], vector<16xf32>,
        %add3A_394 = arith.constant 32 : i32
        %add3A_395 = vector.broadcast %add3A_394 : i32 to vector<16xi32>
        %add3A_396 = arith.addi %and3A_37, %add3A_395 : vector<16xi32>
        %add3A_397 = arith.addi %get3A_229, %add3A_396 : vector<16xi32>
        %gather3A_398 = tpu.vector_load_idx %arg9[%add3A_225, %add3A_397] : memref<128x128xf32, #tpu.memory_space<vmem>>[vector<16xi32>, vector<16xi32>], vector<16xf32>,
        tpu.vector_store_idx %arg11[%add3A_396, %add3A_225], %gather3A_398 : memref<64x128xf32, #tpu.memory_space<vmem>>[vector<16xi32>, vector<16xi32>], vector<16xf32>,
        %add3A_399 = arith.constant 32 : i32
        %add3A_400 = vector.broadcast %add3A_399 : i32 to vector<16xi32>
        %add3A_401 = arith.addi %and3A_43, %add3A_400 : vector<16xi32>
        %add3A_402 = arith.addi %get3A_229, %add3A_401 : vector<16xi32>
        %gather3A_403 = tpu.vector_load_idx %arg9[%add3A_225, %add3A_402] : memref<128x128xf32, #tpu.memory_space<vmem>>[vector<16xi32>, vector<16xi32>], vector<16xf32>,
        tpu.vector_store_idx %arg11[%add3A_401, %add3A_225], %gather3A_403 : memref<64x128xf32, #tpu.memory_space<vmem>>[vector<16xi32>, vector<16xi32>], vector<16xf32>,
        %add3A_404 = arith.constant 32 : i32
        %add3A_405 = vector.broadcast %add3A_404 : i32 to vector<16xi32>
        %add3A_406 = arith.addi %and3A_49, %add3A_405 : vector<16xi32>
        %add3A_407 = arith.addi %get3A_229, %add3A_406 : vector<16xi32>
        %gather3A_408 = tpu.vector_load_idx %arg9[%add3A_225, %add3A_407] : memref<128x128xf32, #tpu.memory_space<vmem>>[vector<16xi32>, vector<16xi32>], vector<16xf32>,
        tpu.vector_store_idx %arg11[%add3A_406, %add3A_225], %gather3A_408 : memref<64x128xf32, #tpu.memory_space<vmem>>[vector<16xi32>, vector<16xi32>], vector<16xf32>,
        %add3A_409 = arith.constant 32 : i32
        %add3A_410 = vector.broadcast %add3A_409 : i32 to vector<16xi32>
        %add3A_411 = arith.addi %and3A_55, %add3A_410 : vector<16xi32>
        %add3A_412 = arith.addi %get3A_229, %add3A_411 : vector<16xi32>
        %gather3A_413 = tpu.vector_load_idx %arg9[%add3A_225, %add3A_412] : memref<128x128xf32, #tpu.memory_space<vmem>>[vector<16xi32>, vector<16xi32>], vector<16xf32>,
        tpu.vector_store_idx %arg11[%add3A_411, %add3A_225], %gather3A_413 : memref<64x128xf32, #tpu.memory_space<vmem>>[vector<16xi32>, vector<16xi32>], vector<16xf32>,
        %add3A_414 = arith.constant 32 : i32
        %add3A_415 = vector.broadcast %add3A_414 : i32 to vector<16xi32>
        %add3A_416 = arith.addi %and3A_61, %add3A_415 : vector<16xi32>
        %add3A_417 = arith.addi %get3A_229, %add3A_416 : vector<16xi32>
        %gather3A_418 = tpu.vector_load_idx %arg9[%add3A_225, %add3A_417] : memref<128x128xf32, #tpu.memory_space<vmem>>[vector<16xi32>, vector<16xi32>], vector<16xf32>,
        tpu.vector_store_idx %arg11[%add3A_416, %add3A_225], %gather3A_418 : memref<64x128xf32, #tpu.memory_space<vmem>>[vector<16xi32>, vector<16xi32>], vector<16xf32>,
        %add3A_419 = arith.constant 32 : i32
        %add3A_420 = vector.broadcast %add3A_419 : i32 to vector<16xi32>
        %add3A_421 = arith.addi %and3A_67, %add3A_420 : vector<16xi32>
        %add3A_422 = arith.addi %get3A_229, %add3A_421 : vector<16xi32>
        %gather3A_423 = tpu.vector_load_idx %arg9[%add3A_225, %add3A_422] : memref<128x128xf32, #tpu.memory_space<vmem>>[vector<16xi32>, vector<16xi32>], vector<16xf32>,
        tpu.vector_store_idx %arg11[%add3A_421, %add3A_225], %gather3A_423 : memref<64x128xf32, #tpu.memory_space<vmem>>[vector<16xi32>, vector<16xi32>], vector<16xf32>,
        %add3A_424 = arith.constant 32 : i32
        %add3A_425 = vector.broadcast %add3A_424 : i32 to vector<16xi32>
        %add3A_426 = arith.addi %and3A_73, %add3A_425 : vector<16xi32>
        %add3A_427 = arith.addi %get3A_229, %add3A_426 : vector<16xi32>
        %gather3A_428 = tpu.vector_load_idx %arg9[%add3A_225, %add3A_427] : memref<128x128xf32, #tpu.memory_space<vmem>>[vector<16xi32>, vector<16xi32>], vector<16xf32>,
        tpu.vector_store_idx %arg11[%add3A_426, %add3A_225], %gather3A_428 : memref<64x128xf32, #tpu.memory_space<vmem>>[vector<16xi32>, vector<16xi32>], vector<16xf32>,
        %add3A_429 = arith.constant 32 : i32
        %add3A_430 = vector.broadcast %add3A_429 : i32 to vector<16xi32>
        %add3A_431 = arith.addi %and3A_79, %add3A_430 : vector<16xi32>
        %add3A_432 = arith.addi %get3A_229, %add3A_431 : vector<16xi32>
        %gather3A_433 = tpu.vector_load_idx %arg9[%add3A_225, %add3A_432] : memref<128x128xf32, #tpu.memory_space<vmem>>[vector<16xi32>, vector<16xi32>], vector<16xf32>,
        tpu.vector_store_idx %arg11[%add3A_431, %add3A_225], %gather3A_433 : memref<64x128xf32, #tpu.memory_space<vmem>>[vector<16xi32>, vector<16xi32>], vector<16xf32>,
        %add3A_434 = arith.constant 32 : i32
        %add3A_435 = vector.broadcast %add3A_434 : i32 to vector<16xi32>
        %add3A_436 = arith.addi %and3A_85, %add3A_435 : vector<16xi32>
        %add3A_437 = arith.addi %get3A_229, %add3A_436 : vector<16xi32>
        %gather3A_438 = tpu.vector_load_idx %arg9[%add3A_225, %add3A_437] : memref<128x128xf32, #tpu.memory_space<vmem>>[vector<16xi32>, vector<16xi32>], vector<16xf32>,
        tpu.vector_store_idx %arg11[%add3A_436, %add3A_225], %gather3A_438 : memref<64x128xf32, #tpu.memory_space<vmem>>[vector<16xi32>, vector<16xi32>], vector<16xf32>,
        %add3A_439 = arith.constant 32 : i32
        %add3A_440 = vector.broadcast %add3A_439 : i32 to vector<16xi32>
        %add3A_441 = arith.addi %and3A_91, %add3A_440 : vector<16xi32>
        %add3A_442 = arith.addi %get3A_229, %add3A_441 : vector<16xi32>
        %gather3A_443 = tpu.vector_load_idx %arg9[%add3A_225, %add3A_442] : memref<128x128xf32, #tpu.memory_space<vmem>>[vector<16xi32>, vector<16xi32>], vector<16xf32>,
        tpu.vector_store_idx %arg11[%add3A_441, %add3A_225], %gather3A_443 : memref<64x128xf32, #tpu.memory_space<vmem>>[vector<16xi32>, vector<16xi32>], vector<16xf32>,
        %add3A_444 = arith.constant 32 : i32
        %add3A_445 = vector.broadcast %add3A_444 : i32 to vector<16xi32>
        %add3A_446 = arith.addi %and3A_97, %add3A_445 : vector<16xi32>
        %add3A_447 = arith.addi %get3A_229, %add3A_446 : vector<16xi32>
        %gather3A_448 = tpu.vector_load_idx %arg9[%add3A_225, %add3A_447] : memref<128x128xf32, #tpu.memory_space<vmem>>[vector<16xi32>, vector<16xi32>], vector<16xf32>,
        tpu.vector_store_idx %arg11[%add3A_446, %add3A_225], %gather3A_448 : memref<64x128xf32, #tpu.memory_space<vmem>>[vector<16xi32>, vector<16xi32>], vector<16xf32>,
        %add3A_449 = arith.constant 32 : i32
        %add3A_450 = vector.broadcast %add3A_449 : i32 to vector<16xi32>
        %add3A_451 = arith.addi %and3A_103, %add3A_450 : vector<16xi32>
        %add3A_452 = arith.addi %get3A_229, %add3A_451 : vector<16xi32>
        %gather3A_453 = tpu.vector_load_idx %arg9[%add3A_225, %add3A_452] : memref<128x128xf32, #tpu.memory_space<vmem>>[vector<16xi32>, vector<16xi32>], vector<16xf32>,
        tpu.vector_store_idx %arg11[%add3A_451, %add3A_225], %gather3A_453 : memref<64x128xf32, #tpu.memory_space<vmem>>[vector<16xi32>, vector<16xi32>], vector<16xf32>,
        %add3A_454 = arith.constant 32 : i32
        %add3A_455 = vector.broadcast %add3A_454 : i32 to vector<16xi32>
        %add3A_456 = arith.addi %and3A_109, %add3A_455 : vector<16xi32>
        %add3A_457 = arith.addi %get3A_229, %add3A_456 : vector<16xi32>
        %gather3A_458 = tpu.vector_load_idx %arg9[%add3A_225, %add3A_457] : memref<128x128xf32, #tpu.memory_space<vmem>>[vector<16xi32>, vector<16xi32>], vector<16xf32>,
        tpu.vector_store_idx %arg11[%add3A_456, %add3A_225], %gather3A_458 : memref<64x128xf32, #tpu.memory_space<vmem>>[vector<16xi32>, vector<16xi32>], vector<16xf32>,
        %add3A_459 = arith.constant 32 : i32
        %add3A_460 = vector.broadcast %add3A_459 : i32 to vector<16xi32>
        %add3A_461 = arith.addi %and3A_115, %add3A_460 : vector<16xi32>
        %add3A_462 = arith.addi %get3A_229, %add3A_461 : vector<16xi32>
        %gather3A_463 = tpu.vector_load_idx %arg9[%add3A_225, %add3A_462] : memref<128x128xf32, #tpu.memory_space<vmem>>[vector<16xi32>, vector<16xi32>], vector<16xf32>,
        tpu.vector_store_idx %arg11[%add3A_461, %add3A_225], %gather3A_463 : memref<64x128xf32, #tpu.memory_space<vmem>>[vector<16xi32>, vector<16xi32>], vector<16xf32>,
        %add3A_464 = arith.constant 32 : i32
        %add3A_465 = vector.broadcast %add3A_464 : i32 to vector<16xi32>
        %add3A_466 = arith.addi %and3A_121, %add3A_465 : vector<16xi32>
        %add3A_467 = arith.addi %get3A_229, %add3A_466 : vector<16xi32>
        %gather3A_468 = tpu.vector_load_idx %arg9[%add3A_225, %add3A_467] : memref<128x128xf32, #tpu.memory_space<vmem>>[vector<16xi32>, vector<16xi32>], vector<16xf32>,
        tpu.vector_store_idx %arg11[%add3A_466, %add3A_225], %gather3A_468 : memref<64x128xf32, #tpu.memory_space<vmem>>[vector<16xi32>, vector<16xi32>], vector<16xf32>,
        %add3A_469 = arith.constant 48 : i32
        %add3A_470 = vector.broadcast %add3A_469 : i32 to vector<16xi32>
        %add3A_471 = arith.addi %and3A_31, %add3A_470 : vector<16xi32>
        %add3A_472 = arith.addi %get3A_229, %add3A_471 : vector<16xi32>
        %gather3A_473 = tpu.vector_load_idx %arg9[%add3A_225, %add3A_472] : memref<128x128xf32, #tpu.memory_space<vmem>>[vector<16xi32>, vector<16xi32>], vector<16xf32>,
        tpu.vector_store_idx %arg11[%add3A_471, %add3A_225], %gather3A_473 : memref<64x128xf32, #tpu.memory_space<vmem>>[vector<16xi32>, vector<16xi32>], vector<16xf32>,
        %add3A_474 = arith.constant 48 : i32
        %add3A_475 = vector.broadcast %add3A_474 : i32 to vector<16xi32>
        %add3A_476 = arith.addi %and3A_37, %add3A_475 : vector<16xi32>
        %add3A_477 = arith.addi %get3A_229, %add3A_476 : vector<16xi32>
        %gather3A_478 = tpu.vector_load_idx %arg9[%add3A_225, %add3A_477] : memref<128x128xf32, #tpu.memory_space<vmem>>[vector<16xi32>, vector<16xi32>], vector<16xf32>,
        tpu.vector_store_idx %arg11[%add3A_476, %add3A_225], %gather3A_478 : memref<64x128xf32, #tpu.memory_space<vmem>>[vector<16xi32>, vector<16xi32>], vector<16xf32>,
        %add3A_479 = arith.constant 48 : i32
        %add3A_480 = vector.broadcast %add3A_479 : i32 to vector<16xi32>
        %add3A_481 = arith.addi %and3A_43, %add3A_480 : vector<16xi32>
        %add3A_482 = arith.addi %get3A_229, %add3A_481 : vector<16xi32>
        %gather3A_483 = tpu.vector_load_idx %arg9[%add3A_225, %add3A_482] : memref<128x128xf32, #tpu.memory_space<vmem>>[vector<16xi32>, vector<16xi32>], vector<16xf32>,
        tpu.vector_store_idx %arg11[%add3A_481, %add3A_225], %gather3A_483 : memref<64x128xf32, #tpu.memory_space<vmem>>[vector<16xi32>, vector<16xi32>], vector<16xf32>,
        %add3A_484 = arith.constant 48 : i32
        %add3A_485 = vector.broadcast %add3A_484 : i32 to vector<16xi32>
        %add3A_486 = arith.addi %and3A_49, %add3A_485 : vector<16xi32>
        %add3A_487 = arith.addi %get3A_229, %add3A_486 : vector<16xi32>
        %gather3A_488 = tpu.vector_load_idx %arg9[%add3A_225, %add3A_487] : memref<128x128xf32, #tpu.memory_space<vmem>>[vector<16xi32>, vector<16xi32>], vector<16xf32>,
        tpu.vector_store_idx %arg11[%add3A_486, %add3A_225], %gather3A_488 : memref<64x128xf32, #tpu.memory_space<vmem>>[vector<16xi32>, vector<16xi32>], vector<16xf32>,
        %add3A_489 = arith.constant 48 : i32
        %add3A_490 = vector.broadcast %add3A_489 : i32 to vector<16xi32>
        %add3A_491 = arith.addi %and3A_55, %add3A_490 : vector<16xi32>
        %add3A_492 = arith.addi %get3A_229, %add3A_491 : vector<16xi32>
        %gather3A_493 = tpu.vector_load_idx %arg9[%add3A_225, %add3A_492] : memref<128x128xf32, #tpu.memory_space<vmem>>[vector<16xi32>, vector<16xi32>], vector<16xf32>,
        tpu.vector_store_idx %arg11[%add3A_491, %add3A_225], %gather3A_493 : memref<64x128xf32, #tpu.memory_space<vmem>>[vector<16xi32>, vector<16xi32>], vector<16xf32>,
        %add3A_494 = arith.constant 48 : i32
        %add3A_495 = vector.broadcast %add3A_494 : i32 to vector<16xi32>
        %add3A_496 = arith.addi %and3A_61, %add3A_495 : vector<16xi32>
        %add3A_497 = arith.addi %get3A_229, %add3A_496 : vector<16xi32>
        %gather3A_498 = tpu.vector_load_idx %arg9[%add3A_225, %add3A_497] : memref<128x128xf32, #tpu.memory_space<vmem>>[vector<16xi32>, vector<16xi32>], vector<16xf32>,
        tpu.vector_store_idx %arg11[%add3A_496, %add3A_225], %gather3A_498 : memref<64x128xf32, #tpu.memory_space<vmem>>[vector<16xi32>, vector<16xi32>], vector<16xf32>,
        %add3A_499 = arith.constant 48 : i32
        %add3A_500 = vector.broadcast %add3A_499 : i32 to vector<16xi32>
        %add3A_501 = arith.addi %and3A_67, %add3A_500 : vector<16xi32>
        %add3A_502 = arith.addi %get3A_229, %add3A_501 : vector<16xi32>
        %gather3A_503 = tpu.vector_load_idx %arg9[%add3A_225, %add3A_502] : memref<128x128xf32, #tpu.memory_space<vmem>>[vector<16xi32>, vector<16xi32>], vector<16xf32>,
        tpu.vector_store_idx %arg11[%add3A_501, %add3A_225], %gather3A_503 : memref<64x128xf32, #tpu.memory_space<vmem>>[vector<16xi32>, vector<16xi32>], vector<16xf32>,
        %add3A_504 = arith.constant 48 : i32
        %add3A_505 = vector.broadcast %add3A_504 : i32 to vector<16xi32>
        %add3A_506 = arith.addi %and3A_73, %add3A_505 : vector<16xi32>
        %add3A_507 = arith.addi %get3A_229, %add3A_506 : vector<16xi32>
        %gather3A_508 = tpu.vector_load_idx %arg9[%add3A_225, %add3A_507] : memref<128x128xf32, #tpu.memory_space<vmem>>[vector<16xi32>, vector<16xi32>], vector<16xf32>,
        tpu.vector_store_idx %arg11[%add3A_506, %add3A_225], %gather3A_508 : memref<64x128xf32, #tpu.memory_space<vmem>>[vector<16xi32>, vector<16xi32>], vector<16xf32>,
        %add3A_509 = arith.constant 48 : i32
        %add3A_510 = vector.broadcast %add3A_509 : i32 to vector<16xi32>
        %add3A_511 = arith.addi %and3A_79, %add3A_510 : vector<16xi32>
        %add3A_512 = arith.addi %get3A_229, %add3A_511 : vector<16xi32>
        %gather3A_513 = tpu.vector_load_idx %arg9[%add3A_225, %add3A_512] : memref<128x128xf32, #tpu.memory_space<vmem>>[vector<16xi32>, vector<16xi32>], vector<16xf32>,
        tpu.vector_store_idx %arg11[%add3A_511, %add3A_225], %gather3A_513 : memref<64x128xf32, #tpu.memory_space<vmem>>[vector<16xi32>, vector<16xi32>], vector<16xf32>,
        %add3A_514 = arith.constant 48 : i32
        %add3A_515 = vector.broadcast %add3A_514 : i32 to vector<16xi32>
        %add3A_516 = arith.addi %and3A_85, %add3A_515 : vector<16xi32>
        %add3A_517 = arith.addi %get3A_229, %add3A_516 : vector<16xi32>
        %gather3A_518 = tpu.vector_load_idx %arg9[%add3A_225, %add3A_517] : memref<128x128xf32, #tpu.memory_space<vmem>>[vector<16xi32>, vector<16xi32>], vector<16xf32>,
        tpu.vector_store_idx %arg11[%add3A_516, %add3A_225], %gather3A_518 : memref<64x128xf32, #tpu.memory_space<vmem>>[vector<16xi32>, vector<16xi32>], vector<16xf32>,
        %add3A_519 = arith.constant 48 : i32
        %add3A_520 = vector.broadcast %add3A_519 : i32 to vector<16xi32>
        %add3A_521 = arith.addi %and3A_91, %add3A_520 : vector<16xi32>
        %add3A_522 = arith.addi %get3A_229, %add3A_521 : vector<16xi32>
        %gather3A_523 = tpu.vector_load_idx %arg9[%add3A_225, %add3A_522] : memref<128x128xf32, #tpu.memory_space<vmem>>[vector<16xi32>, vector<16xi32>], vector<16xf32>,
        tpu.vector_store_idx %arg11[%add3A_521, %add3A_225], %gather3A_523 : memref<64x128xf32, #tpu.memory_space<vmem>>[vector<16xi32>, vector<16xi32>], vector<16xf32>,
        %add3A_524 = arith.constant 48 : i32
        %add3A_525 = vector.broadcast %add3A_524 : i32 to vector<16xi32>
        %add3A_526 = arith.addi %and3A_97, %add3A_525 : vector<16xi32>
        %add3A_527 = arith.addi %get3A_229, %add3A_526 : vector<16xi32>
        %gather3A_528 = tpu.vector_load_idx %arg9[%add3A_225, %add3A_527] : memref<128x128xf32, #tpu.memory_space<vmem>>[vector<16xi32>, vector<16xi32>], vector<16xf32>,
        tpu.vector_store_idx %arg11[%add3A_526, %add3A_225], %gather3A_528 : memref<64x128xf32, #tpu.memory_space<vmem>>[vector<16xi32>, vector<16xi32>], vector<16xf32>,
        %add3A_529 = arith.constant 48 : i32
        %add3A_530 = vector.broadcast %add3A_529 : i32 to vector<16xi32>
        %add3A_531 = arith.addi %and3A_103, %add3A_530 : vector<16xi32>
        %add3A_532 = arith.addi %get3A_229, %add3A_531 : vector<16xi32>
        %gather3A_533 = tpu.vector_load_idx %arg9[%add3A_225, %add3A_532] : memref<128x128xf32, #tpu.memory_space<vmem>>[vector<16xi32>, vector<16xi32>], vector<16xf32>,
        tpu.vector_store_idx %arg11[%add3A_531, %add3A_225], %gather3A_533 : memref<64x128xf32, #tpu.memory_space<vmem>>[vector<16xi32>, vector<16xi32>], vector<16xf32>,
        %add3A_534 = arith.constant 48 : i32
        %add3A_535 = vector.broadcast %add3A_534 : i32 to vector<16xi32>
        %add3A_536 = arith.addi %and3A_109, %add3A_535 : vector<16xi32>
        %add3A_537 = arith.addi %get3A_229, %add3A_536 : vector<16xi32>
        %gather3A_538 = tpu.vector_load_idx %arg9[%add3A_225, %add3A_537] : memref<128x128xf32, #tpu.memory_space<vmem>>[vector<16xi32>, vector<16xi32>], vector<16xf32>,
        tpu.vector_store_idx %arg11[%add3A_536, %add3A_225], %gather3A_538 : memref<64x128xf32, #tpu.memory_space<vmem>>[vector<16xi32>, vector<16xi32>], vector<16xf32>,
        %add3A_539 = arith.constant 48 : i32
        %add3A_540 = vector.broadcast %add3A_539 : i32 to vector<16xi32>
        %add3A_541 = arith.addi %and3A_115, %add3A_540 : vector<16xi32>
        %add3A_542 = arith.addi %get3A_229, %add3A_541 : vector<16xi32>
        %gather3A_543 = tpu.vector_load_idx %arg9[%add3A_225, %add3A_542] : memref<128x128xf32, #tpu.memory_space<vmem>>[vector<16xi32>, vector<16xi32>], vector<16xf32>,
        tpu.vector_store_idx %arg11[%add3A_541, %add3A_225], %gather3A_543 : memref<64x128xf32, #tpu.memory_space<vmem>>[vector<16xi32>, vector<16xi32>], vector<16xf32>,
        %add3A_544 = arith.constant 48 : i32
        %add3A_545 = vector.broadcast %add3A_544 : i32 to vector<16xi32>
        %add3A_546 = arith.addi %and3A_121, %add3A_545 : vector<16xi32>
        %add3A_547 = arith.addi %get3A_229, %add3A_546 : vector<16xi32>
        %gather3A_548 = tpu.vector_load_idx %arg9[%add3A_225, %add3A_547] : memref<128x128xf32, #tpu.memory_space<vmem>>[vector<16xi32>, vector<16xi32>], vector<16xf32>,
        tpu.vector_store_idx %arg11[%add3A_546, %add3A_225], %gather3A_548 : memref<64x128xf32, #tpu.memory_space<vmem>>[vector<16xi32>, vector<16xi32>], vector<16xf32>,
      }
      %scan3A_210 = arith.constant 8 : i32
      %dma_start3A_211 = arith.constant 0 : i32
      %dma_start3A_212 = tpu.memref_slice %arg4[%add3A_187, %dma_start3A_211, %multiple_of3A] : memref<100x64x4096xf32, #tpu.memory_space<hbm>> -> memref<1x64x128xf32, #tpu.memory_space<hbm>>
      %dma_start3A_213 = tpu.memref_squeeze %dma_start3A_212 : memref<1x64x128xf32, #tpu.memory_space<hbm>> -> memref<64x128xf32, #tpu.memory_space<hbm>>
      %dma_start3A_214 = arith.constant 0 : i32
      %dma_start3A_215 = tpu.memref_slice %arg4[%add3A_187, %dma_start3A_214, %multiple_of3A] : memref<100x64x4096xf32, #tpu.memory_space<hbm>> -> memref<1x64x128xf32, #tpu.memory_space<hbm>>
      %dma_start3A_216 = tpu.memref_squeeze %dma_start3A_215 : memref<1x64x128xf32, #tpu.memory_space<hbm>> -> memref<64x128xf32, #tpu.memory_space<hbm>>
      tpu.enqueue_dma source(%arg11 : memref<64x128xf32, #tpu.memory_space<vmem>>) target(%dma_start3A_216 : memref<64x128xf32, #tpu.memory_space<hbm>>) target_semaphore(%arg15 : memref<!tpu.dma_semaphore, #tpu.memory_space<semaphore_mem>>)
    }
    %scan3A_136 = arith.constant 50 : i32
    %dma_wait3A = arith.constant 98 : i32
    %dma_wait3A_137 = arith.constant 0 : i32
    %dma_wait3A_138 = tpu.memref_slice %arg4[%dma_wait3A, %dma_wait3A_137, %multiple_of3A] : memref<100x64x4096xf32, #tpu.memory_space<hbm>> -> memref<1x64x128xf32, #tpu.memory_space<hbm>>
    %dma_wait3A_139 = tpu.memref_squeeze %dma_wait3A_138 : memref<1x64x128xf32, #tpu.memory_space<hbm>> -> memref<64x128xf32, #tpu.memory_space<hbm>>
    %dma_wait3A_140 = arith.constant 0 : i32
    %dma_wait3A_141 = tpu.memref_slice %arg4[%dma_wait3A, %dma_wait3A_140, %multiple_of3A] : memref<100x64x4096xf32, #tpu.memory_space<hbm>> -> memref<1x64x128xf32, #tpu.memory_space<hbm>>
    %dma_wait3A_142 = tpu.memref_squeeze %dma_wait3A_141 : memref<1x64x128xf32, #tpu.memory_space<hbm>> -> memref<64x128xf32, #tpu.memory_space<hbm>>
    tpu.wait_dma2 semaphore(%arg14 : memref<!tpu.dma_semaphore, #tpu.memory_space<semaphore_mem>>) src(%arg10 : memref<64x128xf32, #tpu.memory_space<vmem>>) dst(%dma_wait3A_142 : memref<64x128xf32, #tpu.memory_space<hbm>>)
    %dma_wait3A_143 = arith.constant 99 : i32
    %dma_wait3A_144 = arith.constant 0 : i32
    %dma_wait3A_145 = tpu.memref_slice %arg4[%dma_wait3A_143, %dma_wait3A_144, %multiple_of3A] : memref<100x64x4096xf32, #tpu.memory_space<hbm>> -> memref<1x64x128xf32, #tpu.memory_space<hbm>>
    %dma_wait3A_146 = tpu.memref_squeeze %dma_wait3A_145 : memref<1x64x128xf32, #tpu.memory_space<hbm>> -> memref<64x128xf32, #tpu.memory_space<hbm>>
    %dma_wait3A_147 = arith.constant 0 : i32
    %dma_wait3A_148 = tpu.memref_slice %arg4[%dma_wait3A_143, %dma_wait3A_147, %multiple_of3A] : memref<100x64x4096xf32, #tpu.memory_space<hbm>> -> memref<1x64x128xf32, #tpu.memory_space<hbm>>
    %dma_wait3A_149 = tpu.memref_squeeze %dma_wait3A_148 : memref<1x64x128xf32, #tpu.memory_space<hbm>> -> memref<64x128xf32, #tpu.memory_space<hbm>>
    tpu.wait_dma2 semaphore(%arg15 : memref<!tpu.dma_semaphore, #tpu.memory_space<semaphore_mem>>) src(%arg11 : memref<64x128xf32, #tpu.memory_space<vmem>>) dst(%dma_wait3A_149 : memref<64x128xf32, #tpu.memory_space<hbm>>)
    return
  }
}

</mosaic_0001>

<sc_bundles>
// kernel: kernel.3.cloned.1.call-start
scs
__scs_entry_jumppad:
0x0: {  	(pc) =	sbr.rel $0x88, $3  }
0x1: {  	(tag) =	ssettag $0x0;
	lr =	simm.s32 $0x1  }
0x2: {  	[smem:$0x3F9F] =	sst lr;
	_ =	strace $0xD0000000  }
0x3: {  	_ = 	snop  }
0x4: {  	_ = 	snop  }
0x5: {  	_ = 	snop  }
0x6: {  	_ = 	snop  }
0x7: {  	_ = 	snop  }
__scs_overlays_trampoline_lowered:
0x8: {  	[smem:$0x3FAE] =	sst s0  }
0x9: {  	[smem:$0x3FAF] =	sst s1  }
0xa: {  	[smem:$0x3FB0] =	sst s2  }
0xb: {  	[smem:$0x3FB1] =	sst s3  }
0xc: {  	[smem:$0x3FB2] =	sst s4  }
0xd: {  	[smem:$0x3FB3] =	sst s5  }
0xe: {  	[smem:$0x3FB4] =	sst s6  }
0xf: {  	[smem:$0x3FB5] =	sst s7  }
0x10: {  	[smem:$0x3FB6] =	sst s8  }
0x11: {  	[smem:$0x3FB7] =	sst s9;
	s0 =	simm.s32 @!p0 $0x0  }
0x12: {  	s1 =	sld [smem:$0x3F9D];
	s0 =	simm.s32 @p0 $0x1  }
0x13: {  	[smem:$0x3FB8] =	sst s0;
	s0 =	simm.s32 @!p1 $0x0  }
0x14: {  	s2 =	sld [smem:$0x3F9C];
	s0 =	simm.s32 @p1 $0x1  }
0x15: {  	[smem:$0x3FB9] =	sst s0;
	s0 =	simm.s32 @!p2 $0x0  }
0x16: {  	s3 =	sld [smem:$0x3FDB];
	s0 =	simm.s32 @p2 $0x1  }
0x17: {  	s4 =	simm.s32 $0x1BF5;
	[smem:$0x3FBB] =	sst s0  }
0x18: {  	s0 =	sld [smem:$0x3F9E];
	_ =	swait.ge [sflag:s4], $0x0  }
0x19: {  	s7 =	sld [smem:$0x3F9F]  }
0x1a: {  	s8 =	sadd.s32 $0xFFFFE003, lr  }
0x1b: {  	s9 =	sadd.s32 $0xFFFFFEF7, lr;
	s5 =	simm.s32 $0xFFFFFFFF;
	p2 =	slt.u32 s8, $0xFFFFF086  }
0x1c: {  	p1 =	slt.u32 s9, $0xF7A;
	s5 =	simm.s32 @!p2 $0x0  }
0x1d: {  	s5 =	simm.s32 @p1 $0x1;
	p0 =	seq.s32 s7, s2  }
0x1e: {  	s7 =	smul.u32 @!p0 $0xF7A, s2;
	p2 =	seq.s32 @!p0 s5, $0x0  }
0x1f: {  	s9 =	smul.u32 $0xF7A, s1;
	s8 =	simm.s32 @!p0 $0x1BF5;
	p2 =	por !p2, p0  }
0x20: {  	[sflag:s8] =	ssyncset.s32 @!p0 $0xFFFFF086;
	s6 =	sadd.s32 @!p0 s3, s7;
	s7 =	simm.s32 @!p0 $0x108  }
0x21: {  	s3 =	sadd.s32 s3, s9;
	s6 =	sadd.s32 @!p0 $0x88, s6;
	s7 =	simm.s32 @p2 $0x1082  }
0x22: {  	[simem:s7], [sflag:s8] =	dma.local @!p0 [hbm:s6], $0xF7A  }
0x23: {  	s9 =	sor.u32 $0xD0000000, s2;
	s6 =	simm.s32 $0x108;
	_ =	swait.ge @!p0 [sflag:s8], $0x0  }
0x24: {  	s3 =	sadd.s32 $0x88, s3;
	s6 =	simm.s32 @!p1 $0x1082;
	[sflag:s4] =	ssyncset.s32 $0xFFFFF086  }
0x25: {  	[simem:s6], [sflag:s4] =	dma.local [hbm:s3], $0xF7A  }
0x26: {  	[smem:$0x3F9F] =	sst s1;
	(tag) =	ssettag s2;
	_ =	strace s9  }
0x27: {  	s1 =	sld [smem:$0x3FAF]  }
0x28: {  	s2 =	sld [smem:$0x3FB0]  }
0x29: {  	s4 =	sld [smem:$0x3FB2]  }
0x2a: {  	p0 =	seq.s32 s5, $0x0;
	s5 =	sld [smem:$0x3FB3]  }
0x2b: {  	s6 =	sld [smem:$0x3FB4]  }
0x2c: {  	s7 =	sld [smem:$0x3FB5]  }
0x2d: {  	s3 =	simm.s32 $0x108;
	s8 =	sld [smem:$0x3FB6]  }
0x2e: {  	s3 =	simm.s32 @!p0 $0x1082;
	s9 =	sld [smem:$0x3FB7]  }
0x2f: {  	lr =	sadd.s32 s0, s3;
	s0 =	sld [smem:$0x3FAE]  }
0x30: {  	s3 =	sld [smem:$0x3FB1]  }
0x31: {  	[smem:$0x3FBA] =	sst s10  }
0x32: {  	s10 =	sld [smem:$0x3FB8];
	_ =	sdelay $0x3  }
0x33: {  	p0 =	seq.s32 s10, $0x1;
	s10 =	sld [smem:$0x3FBA];
	_ =	sdelay $0x3  }
0x34: {  	[smem:$0x3FBA] =	sst s10  }
0x35: {  	s10 =	sld [smem:$0x3FB9];
	_ =	sdelay $0x3  }
0x36: {  	p1 =	seq.s32 s10, $0x1;
	s10 =	sld [smem:$0x3FBA];
	_ =	sdelay $0x3  }
0x37: {  	[smem:$0x3FBA] =	sst s10  }
0x38: {  	s10 =	sld [smem:$0x3FBB]  }
0x39: {  	_ = 	snop;
	(pc) =	sbr.ind lr, $3  }
0x3a: {  	_ = 	snop  }
0x3b: {  	_ = 	snop  }
0x3c: {  	p2 =	seq.s32 s10, $0x1;
	s10 =	sld [smem:$0x3FBA]  }
0x3d: {  	_ =	shalt  }
0x3e: {  	_ =	shalt  }
0x3f: {  	_ =	shalt  }
0x40: {  	_ =	shalt  }
0x41: {  	_ =	shalt  }
0x42: {  	_ =	shalt  }
0x43: {  	_ =	shalt  }
0x44: {  	_ =	shalt  }
0x45: {  	_ =	shalt  }
0x46: {  	_ =	shalt  }
0x47: {  	_ =	shalt  }
0x48: {  	_ =	shalt  }
0x49: {  	_ =	shalt  }
0x4a: {  	_ =	shalt  }
0x4b: {  	_ =	shalt  }
0x4c: {  	_ =	shalt  }
0x4d: {  	_ =	shalt  }
0x4e: {  	_ =	shalt  }
0x4f: {  	_ =	shalt  }
0x50: {  	_ =	shalt  }
0x51: {  	_ =	shalt  }
0x52: {  	_ =	shalt  }
0x53: {  	_ =	shalt  }
0x54: {  	_ =	shalt  }
0x55: {  	_ =	shalt  }
0x56: {  	_ =	shalt  }
0x57: {  	_ =	shalt  }
0x58: {  	_ =	shalt  }
0x59: {  	_ =	shalt  }
0x5a: {  	_ =	shalt  }
0x5b: {  	_ =	shalt  }
0x5c: {  	_ =	shalt  }
0x5d: {  	_ =	shalt  }
0x5e: {  	_ =	shalt  }
0x5f: {  	_ =	shalt  }
0x60: {  	_ =	shalt  }
0x61: {  	_ =	shalt  }
0x62: {  	_ =	shalt  }
0x63: {  	_ =	shalt  }
0x64: {  	_ =	shalt  }
0x65: {  	_ =	shalt  }
0x66: {  	_ =	shalt  }
0x67: {  	_ =	shalt  }
0x68: {  	_ =	shalt  }
0x69: {  	_ =	shalt  }
0x6a: {  	_ =	shalt  }
0x6b: {  	_ =	shalt  }
0x6c: {  	_ =	shalt  }
0x6d: {  	_ =	shalt  }
0x6e: {  	_ =	shalt  }
0x6f: {  	_ =	shalt  }
0x70: {  	_ =	shalt  }
0x71: {  	_ =	shalt  }
0x72: {  	_ =	shalt  }
0x73: {  	_ =	shalt  }
0x74: {  	_ =	shalt  }
0x75: {  	_ =	shalt  }
0x76: {  	_ =	shalt  }
0x77: {  	_ =	shalt  }
0x78: {  	_ =	shalt  }
0x79: {  	_ =	shalt  }
0x7a: {  	_ =	shalt  }
0x7b: {  	_ =	shalt  }
0x7c: {  	_ =	shalt  }
0x7d: {  	_ =	shalt  }
0x7e: {  	_ =	shalt  }
0x7f: {  	_ =	shalt  }
0x80: {  	_ =	shalt  }
0x81: {  	_ =	shalt  }
0x82: {  	_ =	shalt  }
0x83: {  	_ =	shalt  }
0x84: {  	_ =	shalt  }
0x85: {  	_ =	shalt  }
0x86: {  	_ =	shalt  }
0x87: {  	_ =	shalt  }
.Lfunc_end0:
.L_simem_size_0:
called_computation_lowered:
.L_overlay_start_0:
0x88: {  	s2 =	sld [smem:$0x3FD9]  }
0x89: {  	s3 =	sld [smem:$0x3FFE];
	_ =	sdelay $0x1  }
0x8a: {  	s1 =	srdreg.scid  }
0x8b: {  	s0 =	sand.u32 $0x1, s1  }
0x8c: {  	s17 =	sshll.u32 s0, $0xA;
	s2 =	sadd.s32 s3, s2  }
0x8d: {  	s2 =	sadd.s32 s2, s17  }
0x8e: {  	[smem:$0x3FC6] =	sst s2  }
0x8f: {  	_ = 	snop  }
0x90: {  	s2 =	sld [smem:$0x3FC9]  }
0x91: {  	s18 =	sld [smem:$0x3FD0];
	(tm) =	ssettm $0x1  }
0x92: {  	s4 =	sld [smem:$0x3FFB];
	_ =	sdelay $0x3  }
0x93: {  	_ =	strace s4  }
0x94: {  	s4 =	sld [smem:$0x3FFC];
	_ =	sdelay $0x3  }
0x95: {  	_ =	strace s4  }
0x96: {  	s4 =	sld [smem:$0x3FFD];
	_ =	sdelay $0x3  }
0x97: {  	_ =	strace s4  }
0x98: {  	_ =	strace $0x8FFFFFFF  }
0x99: {  	s19 =	sld [smem:$0x3FDB];
	_ =	sdelay $0x1  }
0x9a: {  	s5 =	simm.s32 $_scs_section_size  }
0x9b: {  	s6 =	simm.s32 $_size__tile_overlayer_lowered;
	s7 =	simm.s32 $_tile_overlayer_lowered  }
0x9c: {  	s22 =	simm.s32 $0x1BFF;
	s21 =	sshll.u32 s7, $0x1;
	s4 =	sadd.s32 s5, s19  }
0x9d: {  	s8 =	simm.s32 $0x0;
	s20 =	sshll.u32 s6, $0x1;
	s6 =	sadd.s32 s21, s4  }
0x9e: {  	[timem:s8], [sflag:s22] =	dma.local [hbm:s6], s20  }
0x9f: {  	_ =	swait.ge [sflag:s22], s20  }
0xa0: {  	s5 =	ssub.s32 $0x0, s20;
	[sflag:s22] =	ssyncset.done $0x0  }
0xa1: {  	[sflag:s22] =	ssyncadd.s32 s5;
	_ =	sdelay $0x1  }
0xa2: {  	s23 =	simm.s32 $0x1B8B  }
0xa3: {  	_ =	swait.ge [sflag:s23], $0x1  }
0xa4: {  	[sflag:s23] =	ssyncset.done $0x0  }
0xa5: {  	s25 =	simm.s32 $0x1B8E;
	s24 =	sld [smem:$0x3FFE];
	[sflag:s23] =	ssyncadd.s32 $0xFFFFFFFF  }
0xa6: {  	s26 =	simm.s32 $execute0_lowered;
	[smem:$0x3FD2] =	sst s25  }
0xa7: {  	s6 =	sshll.u32 s26, $0x1;
	_ =	strace $0x80000046;
	[dreg:$0x1] =	wrdreg $0xFFFFFFFF  }
0xa8: {  	s28 =	simm.s32 $_size_execute0_lowered;
	s4 =	sadd.s32 s4, s6;
	[dreg:$0x0] =	wrdreg $0x0  }
0xa9: {  	s6 =	sshll.u32 s28, $0x1;
	[dreg:$0x2] =	wrdreg s4  }
0xaa: {  	[dreg:$0x3] =	wrdreg s6  }
0xab: {  	[dreg:$0x4] =	wrdreg $0xC0  }
0xac: {  	_ =	task [dreg:s8], $0x5FFFF  }
0xad: {  	[dreg:$0x1] =	wrdreg $0xFFFFFFFF  }
0xae: {  	[dreg:$0x0] =	wrdreg $0x60  }
0xaf: {  	[dreg:$0x2] =	wrdreg s24  }
0xb0: {  	[dreg:$0x3] =	wrdreg s2  }
0xb1: {  	[dreg:$0x4] =	wrdreg s18  }
0xb2: {  	[dreg:$0x5] =	wrdreg $0x9  }
0xb3: {  	_ =	task.clear_ibuf [dreg:s8], $0x6FFFF;
	_ =	strace $0x90000046  }
0xb4: {  	s29 =	simm.s32 $0x9;
	_ =	strace $0x80000048  }
0xb5: {  	_ =	swait.ge [sflag:s29], $0x1  }
0xb6: {  	[sflag:s29] =	ssyncadd.s32 $0xFFFFFFFF  }
0xb7: {  	_ =	strace $0x90000048  }
0xb8: {  	_ =	sfence  }
0xb9: {  	s30 =	sld [smem:$0x0];
	_ =	sdelay $0x2  }
0xba: {  	s31 =	sshll.u32 s1, $0xD;
	s1 =	sshrl.u32 s1, $0x2  }
0xbb: {  	s3 =	sand.u32 $0x4000, s31;
	s1 =	sadd.s32 s1, s30  }
0xbc: {  	s0 =	sor.u32 s3, s0;
	s1 =	sshll.u32 s1, $0x11  }
0xbd: {  	s0 =	sor.u32 s1, s0  }
0xbe: {  	s0 =	sadd.s32 $0x8F2B, s0  }
0xbf: {  	[sflag:s0] =	ssyncadd.remote.s32 $0x1  }
0xc0: {  	_ =	sfence.sel $0xFFFF  }
0xc1: {  	[dreg:$0x0] =	wrdreg $0xFFFFFFFF;
	(pc) =	sbr.abs _section_cstart, $3  }
0xc2: {  	[dreg:$0x1] =	wrdreg $0xFFFFFFFF  }
0xc3: {  	_ =	task.clear_ibuf [dreg:s8], $0x2FFFF;
	_ =	strace $0x9FFFFFFF  }
0xc4: {  	(tm) =	ssettm $0x7FFFFFFF  }
0xc5: {  	_ =	shalt  }
tec
execute0_lowered:
.L_overlay_start_1:
0x0: {  	(tag) =	ssettag $0x1  }
0x1: {  	v0 =	vimm.s32 $0xFEDCBA9;
	v1 =	vimm.s32 $0x87654321  }
0x2: {  	vm14 =	vcmask $0x300;
	v2 =	vimm.s32 $0xF;
	vm13 =	vcmask $0x704  }
0x3: {  	vm12 =	vcmask $0xB08;
	vm11 =	vcmask $0xF0C;
	vm10 =	vcmask $0x1310  }
0x4: {  	vm9 =	vcmask $0x1714;
	vm8 =	vcmask $0x1B18;
	vm7 =	vcmask $0x1F1C  }
0x5: {  	vm5 =	vcmask $0x2320;
	v46 =	vimm.s32 $0x8F;
	vm6 =	vcmask $0x2724  }
0x6: {  	vm4 =	vcmask $0x2B28;
	vm2 =	vcmask $0x2F2C;
	vm3 =	vcmask $0x3330  }
0x7: {  	vm1 =	vcmask $0x3734;
	vm0 =	vcmask $0x3B38;
	v47 =	vimm.s32 $0x10FEDCBA  }
0x8: {  	v4 =	vimm.s32 $0x98765432;
	v5 =	vimm.s32 $0x10F;
	v50 =	vimm.s32 $0x210FEDCB  }
0x9: {  	v51 =	vimm.s32 $0xA9876543;
	v20 =	vimm.s32 $0x18F;
	v21 =	vimm.s32 $0x30F  }
0xa: {  	v22 =	vimm.s32 $0x543210FE;
	v23 =	vimm.s32 $0xDCBA9876;
	v14 =	vimm.s32 $0x6543210F  }
0xb: {  	v15 =	vimm.s32 $0xEDCBA987;
	v28 =	vimm.s32 $0x38F;
	v31 =	vimm.s32 $0x76543210  }
0xc: {  	v32 =	vimm.s32 $0x40F;
	v33 =	vimm.s32 $0xFEDCBA98;
	v35 =	vimm.s32 $0x48F  }
0xd: {  	v41 =	vimm.s32 $0x50F;
	v44 =	vimm.s32 $0x58F;
	v2 =	vsel vm14, $0x80, v2  }
0xe: {  	v0 =	vunpack.c.l.s4.s8 v0;
	v1 =	vunpack.c.l.s4.s8 v1;
	v2 =	vsel vm13, $0x101, v2  }
0xf: {  	v4 =	vunpack.c.l.s4.s8 v4;
	v49 =	vsel vm14, $0x180, v5;
	v2 =	vsel vm12, $0x182, v2  }
0x10: {  	v0 =	vunpack.c.0.s8.s32 v0;
	v1 =	vunpack.c.0.s8.s32 v1;
	v2 =	vsel vm11, $0x203, v2  }
0x11: {  	v5 =	vunpack.c.l.s4.s8 v51;
	v14 =	vunpack.c.l.s4.s8 v14;
	v2 =	vsel vm10, $0x284, v2  }
0x12: {  	v15 =	vunpack.c.l.s4.s8 v15;
	v3 =	vcombine.low v1, v0;
	v2 =	vsel vm9, $0x305, v2  }
0x13: {  	v29 =	vsel vm14, $0x400, v28;
	v43 =	vsel vm14, $0x580, v41;
	v2 =	vsel vm8, $0x386, v2  }
0x14: {  	v55 =	vand.u32 $0xF, v3;
	v3 =	vsel vm14, $0x100, v46;
	v2 =	vsel vm7, $0x407, v2  }
0x15: {  	v28 =	vimm.s32 $0x14131211;
	v3 =	vsel vm13, $0x181, v3;
	v2 =	vsel vm5, $0x488, v2  }
0x16: {  	v41 =	vimm.s32 $0xE8F;
	v3 =	vsel vm12, $0x202, v3;
	v2 =	vsel vm6, $0x509, v2  }
0x17: {  	v30 =	vsel vm13, $0x481, v29;
	v3 =	vsel vm11, $0x283, v3;
	v2 =	vsel vm4, $0x58A, v2  }
0x18: {  	v29 =	vimm.s32 $0x18171615;
	v3 =	vsel vm10, $0x304, v3;
	v2 =	vsel vm2, $0x60B, v2  }
0x19: {  	v7 =	vunpack.c.0.s8.s32 v4;
	v3 =	vsel vm9, $0x385, v3;
	v2 =	vsel vm3, $0x68C, v2  }
0x1a: {  	v4 =	vunpack.c.l.s4.s8 v50;
	v3 =	vsel vm8, $0x406, v3;
	v2 =	vsel vm1, $0x70D, v2  }
0x1b: {  	v53 =	vunpack.c.0.s8.s32 v5;
	v3 =	vsel vm7, $0x487, v3;
	v2 =	vsel vm0, $0x78E, v2  }
0x1c: {  	v0 =	vcombine.low v0, v1;
	v3 =	vsel vm5, $0x508, v3;
	[tilespmem:$0x1F830] =	vst v2;
	v2 =	vunpack.c.l.s4.s8 v47  }
0x1d: {  	v52 =	vunpack.c.0.s8.s32 v4;
	v48 =	vsel vm6, $0x589, v3;
	v3 =	vsel vm13, $0x201, v49  }
0x1e: {  	v0 =	vand.u32 $0xF, v0;
	v3 =	vsel vm12, $0x282, v3;
	v6 =	vunpack.c.0.s8.s32 v2  }
0x1f: {  	v2 =	vsel vm4, $0x60A, v48;
	v3 =	vsel vm11, $0x303, v3;
	v48 =	vimm.s32 $0x110F  }
0x20: {  	v9 =	vsel vm2, $0x68B, v2;
	v10 =	vsel vm10, $0x384, v3;
	v2 =	vcombine.low v52, v53  }
0x21: {  	v8 =	vcombine.low v7, v6;
	v18 =	vsel vm9, $0x405, v10;
	v19 =	vsel vm3, $0x70C, v9  }
0x22: {  	v9 =	vimm.s32 $0xBA987654;
	v6 =	vcombine.low v6, v7;
	v4 =	vsel vm8, $0x486, v18  }
0x23: {  	v5 =	vsel vm1, $0x78D, v19;
	v9 =	vunpack.c.l.s4.s8 v9;
	v51 =	vand.u32 $0xF, v2  }
0x24: {  	v19 =	vimm.s32 $0x80F;
	v60 =	vand.u32 $0xF, v8;
	v8 =	vcombine.low v53, v52  }
0x25: {  	v4 =	vsel vm7, $0x507, v4;
	v5 =	vsel vm0, $0xE, v5;
	v6 =	vand.u32 $0xF, v6  }
0x26: {  	v53 =	vimm.s32 $0x60F;
	[tilespmem:$0x1F840] =	vst v5;
	v4 =	vsel vm5, $0x588, v4;
	v5 =	vsel vm14, $0x200, v20  }
0x27: {  	[tilespmem:$0x1F8C0] =	vst v6;
	v6 =	vsel vm14, $0x600, v44;
	v2 =	vsel vm14, $0x680, v53;
	v44 =	vimm.s32 $0x108F  }
0x28: {  	v59 =	vand.u32 $0xF, v8;
	v4 =	vsel vm6, $0x609, v4;
	v8 =	vimm.s32 $0x3210FEDC  }
0x29: {  	v5 =	vsel vm13, $0x281, v5;
	v6 =	vsel vm13, $0x681, v6;
	v2 =	vsel vm13, $0x701, v2  }
0x2a: {  	v4 =	vsel vm4, $0x68A, v4;
	v8 =	vunpack.c.l.s4.s8 v8;
	v5 =	vsel vm12, $0x302, v5  }
0x2b: {  	v6 =	vsel vm12, $0x702, v6;
	v2 =	vsel vm12, $0x782, v2;
	v4 =	vsel vm2, $0x70B, v4  }
0x2c: {  	v5 =	vsel vm11, $0x383, v5;
	v6 =	vsel vm11, $0x783, v6;
	v2 =	vsel vm11, $0x3, v2  }
0x2d: {  	v10 =	vsel vm3, $0x78C, v4;
	v4 =	vunpack.c.0.s8.s32 v8;
	v8 =	vsel vm10, $0x404, v5  }
0x2e: {  	v5 =	vunpack.c.0.s8.s32 v9;
	v9 =	vimm.s32 $0x20F;
	v45 =	vsel vm10, $0x4, v6  }
0x2f: {  	v58 =	vsel vm10, $0x84, v2;
	v6 =	vimm.s32 $0x68F;
	v8 =	vsel vm9, $0x485, v8  }
0x30: {  	v10 =	vsel vm1, $0xD, v10;
	v9 =	vsel vm14, $0x280, v9;
	v47 =	vsel vm9, $0x85, v45  }
0x31: {  	v45 =	vunpack.c.0.s8.s32 v29;
	v29 =	vimm.s32 $0x180F;
	v8 =	vsel vm8, $0x506, v8  }
0x32: {  	v11 =	vcombine.low v5, v4;
	v9 =	vsel vm13, $0x301, v9;
	v62 =	vsel vm0, $0x8E, v10  }
0x33: {  	v54 =	vcombine.low v4, v5;
	v29 =	vsel vm14, $0x1880, v29;
	v8 =	vsel vm7, $0x587, v8  }
0x34: {  	v9 =	vsel vm12, $0x382, v9;
	v29 =	vsel vm13, $0x1901, v29;
	v8 =	vsel vm5, $0x608, v8  }
0x35: {  	v10 =	vand.u32 $0xF, v11;
	v9 =	vsel vm11, $0x403, v9;
	v11 =	vimm.s32 $0xCBA98765  }
0x36: {  	v52 =	vand.u32 $0xF, v54;
	[tilespmem:$0x1F850] =	vst v10;
	v8 =	vsel vm6, $0x689, v8;
	v10 =	vimm.s32 $0x43210FED  }
0x37: {  	v9 =	vsel vm10, $0x484, v9;
	v8 =	vsel vm4, $0x70A, v8;
	v10 =	vunpack.c.l.s4.s8 v10  }
0x38: {  	v11 =	vunpack.c.l.s4.s8 v11;
	v9 =	vsel vm9, $0x505, v9;
	v8 =	vsel vm2, $0x78B, v8  }
0x39: {  	v9 =	vsel vm8, $0x586, v9;
	v12 =	vsel vm3, $0xC, v8;
	v8 =	vunpack.c.0.s8.s32 v10  }
0x3a: {  	v10 =	vsel vm7, $0x607, v9;
	v9 =	vunpack.c.0.s8.s32 v11;
	v11 =	vimm.s32 $0x28F  }
0x3b: {  	v10 =	vsel vm5, $0x688, v10;
	v12 =	vsel vm1, $0x8D, v12;
	v11 =	vsel vm14, $0x300, v11  }
0x3c: {  	v10 =	vsel vm6, $0x709, v10;
	v13 =	vcombine.low v9, v8;
	v11 =	vsel vm13, $0x381, v11  }
0x3d: {  	v12 =	vsel vm0, $0x10E, v12;
	v61 =	vcombine.low v8, v9;
	v8 =	vimm.s32 $0xC8F  }
0x3e: {  	v9 =	vimm.s32 $0xD0F;
	v10 =	vsel vm4, $0x78A, v10;
	v11 =	vsel vm12, $0x402, v11  }
0x3f: {  	[tilespmem:$0x1F860] =	vst v12;
	v12 =	vunpack.c.l.s4.s8 v22;
	v8 =	vsel vm14, $0xD00, v8;
	v9 =	vsel vm14, $0xD80, v9  }
0x40: {  	v10 =	vsel vm2, $0xB, v10;
	v63 =	vand.u32 $0xF, v13;
	v11 =	vsel vm11, $0x483, v11  }
0x41: {  	v13 =	vunpack.c.l.s4.s8 v23;
	v53 =	vand.u32 $0xF, v61;
	v10 =	vsel vm3, $0x8C, v10  }
0x42: {  	v8 =	vsel vm13, $0xD81, v8;
	v11 =	vsel vm10, $0x504, v11;
	v10 =	vsel vm1, $0x10D, v10  }
0x43: {  	v12 =	vunpack.c.0.s8.s32 v12;
	v13 =	vunpack.c.0.s8.s32 v13;
	v10 =	vsel vm0, $0x18E, v10  }
0x44: {  	v9 =	vsel vm13, $0xE01, v9;
	[tilespmem:$0x1FB40] =	vst v10;
	v10 =	vsel vm9, $0x585, v11;
	v11 =	vsel vm14, $0x380, v21  }
0x45: {  	v16 =	vcombine.low v13, v12;
	v10 =	vsel vm8, $0x606, v10;
	v11 =	vsel vm13, $0x401, v11  }
0x46: {  	v61 =	vimm.s32 $0x19181716;
	v10 =	vsel vm7, $0x687, v10;
	v11 =	vsel vm12, $0x482, v11  }
0x47: {  	v25 =	vand.u32 $0xF, v16;
	v16 =	vsel vm14, $0x480, v32;
	v10 =	vsel vm5, $0x708, v10  }
0x48: {  	v11 =	vsel vm11, $0x503, v11;
	[tilespmem:$0x1FB20] =	vst v25;
	v16 =	vsel vm13, $0x501, v16;
	v25 =	vimm.s32 $0x101F1E1D  }
0x49: {  	v10 =	vsel vm6, $0x789, v10;
	v11 =	vsel vm10, $0x584, v11;
	v16 =	vsel vm12, $0x582, v16  }
0x4a: {  	v10 =	vsel vm4, $0xA, v10;
	v11 =	vsel vm9, $0x605, v11;
	v16 =	vsel vm11, $0x603, v16  }
0x4b: {  	v10 =	vsel vm2, $0x8B, v10;
	v11 =	vsel vm8, $0x686, v11;
	v16 =	vsel vm10, $0x684, v16  }
0x4c: {  	v11 =	vsel vm7, $0x707, v11;
	v17 =	vsel vm3, $0x10C, v10;
	v10 =	vunpack.c.0.s8.s32 v14  }
0x4d: {  	v16 =	vsel vm9, $0x705, v16;
	v11 =	vsel vm5, $0x788, v11;
	v26 =	vsel vm1, $0x18D, v17  }
0x4e: {  	v17 =	vunpack.c.l.s4.s8 v33;
	v34 =	vsel vm8, $0x786, v16;
	v16 =	vsel vm14, $0x500, v35  }
0x4f: {  	v33 =	vimm.s32 $0x1D1C1B1A;
	v35 =	vimm.s32 $0x98F;
	v18 =	vsel vm6, $0x9, v11  }
0x50: {  	v11 =	vunpack.c.0.s8.s32 v15;
	v15 =	vsel vm0, $0x20E, v26;
	v16 =	vsel vm13, $0x581, v16  }
0x51: {  	v24 =	vsel vm4, $0x8A, v18;
	[tilespmem:$0x1FAE0] =	vst v15;
	v15 =	vunpack.c.l.s4.s8 v31;
	v17 =	vunpack.c.0.s8.s32 v17  }
0x52: {  	v16 =	vsel vm12, $0x602, v16;
	v14 =	vsel vm2, $0x10B, v24;
	v27 =	vcombine.low v11, v10  }
0x53: {  	v37 =	vsel vm11, $0x683, v16;
	v16 =	vcombine.low v12, v13;
	v20 =	vcombine.low v10, v11  }
0x54: {  	v24 =	vimm.s32 $0x1C1B1A19;
	v10 =	vimm.s32 $0xD8F;
	v11 =	vimm.s32 $0xE0F  }
0x55: {  	v12 =	vsel vm14, $0xF00, v41;
	v41 =	vimm.s32 $0x1E0F;
	v14 =	vsel vm3, $0x18C, v14  }
0x56: {  	v15 =	vunpack.c.0.s8.s32 v15;
	v17 =	vand.u32 $0xF, v17;
	v38 =	vsel vm10, $0x704, v37  }
0x57: {  	v50 =	vunpack.c.0.s8.s32 v24;
	v37 =	vimm.s32 $0xA8F;
	v10 =	vsel vm14, $0xE00, v10  }
0x58: {  	v11 =	vsel vm14, $0xE80, v11;
	v24 =	vimm.s32 $0x150F;
	v41 =	vsel vm14, $0x1E80, v41  }
0x59: {  	v12 =	vsel vm13, $0xF81, v12;
	v14 =	vsel vm1, $0x20D, v14;
	v56 =	vand.u32 $0xF, v27  }
0x5a: {  	v40 =	vsel vm9, $0x785, v38;
	v54 =	vand.u32 $0xF, v16;
	v23 =	vand.u32 $0xF, v20  }
0x5b: {  	v27 =	vimm.s32 $0x88F;
	v4 =	vsel vm14, $0xB00, v37;
	v38 =	vimm.s32 $0xB0F  }
0x5c: {  	v16 =	vsel vm14, $0x1180, v48;
	v20 =	vimm.s32 $0x130F;
	v24 =	vsel vm14, $0x1580, v24  }
0x5d: {  	v37 =	vimm.s32 $0x1C0F;
	v10 =	vsel vm13, $0xE81, v10;
	v11 =	vsel vm13, $0xF01, v11  }
0x5e: {  	v41 =	vsel vm13, $0x1F01, v41;
	v14 =	vsel vm0, $0x28E, v14;
	v15 =	vcombine.low v17, v15  }
0x5f: {  	[tilespmem:$0x1F910] =	vst v23;
	v5 =	vsel vm14, $0xB80, v38;
	v20 =	vsel vm14, $0x1380, v20;
	v23 =	vimm.s32 $0x148F  }
0x60: {  	v37 =	vsel vm14, $0x1C80, v37;
	v38 =	vimm.s32 $0x1C8F;
	v4 =	vsel vm13, $0xB81, v4  }
0x61: {  	v16 =	vsel vm13, $0x1201, v16;
	v24 =	vsel vm13, $0x1601, v24;
	v48 =	vsel vm12, $0x1F82, v41  }
0x62: {  	[tilespmem:$0x1F870] =	vst v14;
	v14 =	vsel vm12, $0x502, v30;
	v30 =	vimm.s32 $0x90F;
	v23 =	vsel vm14, $0x1500, v23  }
0x63: {  	v38 =	vsel vm14, $0x1D00, v38;
	v5 =	vsel vm13, $0xC01, v5;
	v20 =	vsel vm13, $0x1401, v20  }
0x64: {  	v37 =	vsel vm13, $0x1D01, v37;
	v14 =	vsel vm11, $0x583, v14;
	[tilespmem:$0x1F880] =	vst v15;
	v15 =	vsel vm7, $0x7, v34  }
0x65: {  	v32 =	vsel vm14, $0x980, v30;
	v34 =	vimm.s32 $0x11101F1E;
	v30 =	vimm.s32 $0x188F  }
0x66: {  	v23 =	vsel vm13, $0x1581, v23;
	v14 =	vsel vm10, $0x604, v14;
	v15 =	vsel vm5, $0x88, v15  }
0x67: {  	v38 =	vsel vm13, $0x1D81, v38;
	v14 =	vsel vm9, $0x685, v14;
	v15 =	vsel vm6, $0x109, v15  }
0x68: {  	v30 =	vsel vm14, $0x1900, v30;
	v14 =	vsel vm8, $0x706, v14;
	v15 =	vsel vm4, $0x18A, v15  }
0x69: {  	v30 =	vsel vm13, $0x1981, v30;
	v14 =	vsel vm7, $0x787, v14;
	v36 =	vsel vm2, $0x20B, v15  }
0x6a: {  	v15 =	vimm.s32 $0x70F;
	v14 =	vsel vm5, $0x8, v14;
	v1 =	vsel vm3, $0x28C, v36  }
0x6b: {  	v2 =	vsel vm14, $0x780, v15;
	v36 =	vimm.s32 $0xA0F;
	v15 =	vsel vm14, $0x1100, v44  }
0x6c: {  	v44 =	vimm.s32 $0x15141312;
	v14 =	vsel vm6, $0x89, v14;
	v39 =	vsel vm1, $0x30D, v1  }
0x6d: {  	v1 =	vsel vm8, $0x6, v40;
	v2 =	vsel vm13, $0x1, v2;
	v3 =	vsel vm14, $0xA80, v36  }
0x6e: {  	v40 =	vimm.s32 $0xC0F;
	v36 =	vimm.s32 $0x1B8F;
	v44 =	vunpack.c.0.s8.s32 v44  }
0x6f: {  	[tilespmem:$0x1F8A0] =	vst v0;
	v15 =	vsel vm13, $0x1181, v15;
	v14 =	vsel vm4, $0x10A, v14;
	v0 =	vsel vm0, $0x38E, v39  }
0x70: {  	v42 =	vsel vm7, $0x87, v1;
	v1 =	vsel vm13, $0x601, v43;
	v2 =	vsel vm12, $0x82, v2  }
0x71: {  	v39 =	vimm.s32 $0xB8F;
	v43 =	vimm.s32 $0x100F;
	v36 =	vsel vm14, $0x1C00, v36  }
0x72: {  	v3 =	vsel vm13, $0xB01, v3;
	v14 =	vsel vm2, $0x18B, v14;
	[tilespmem:$0x1F8B0] =	vst v0;
	v0 =	vsel vm5, $0x108, v42  }
0x73: {  	v1 =	vsel vm12, $0x682, v1;
	v2 =	vsel vm11, $0x103, v2;
	v42 =	vimm.s32 $0xF0F  }
0x74: {  	[tilespmem:$0x1F960] =	vst v44;
	v36 =	vsel vm13, $0x1C81, v36;
	v44 =	vunpack.c.0.s8.s32 v61;
	v61 =	vimm.s32 $0x1E1D1C1B  }
0x75: {  	v14 =	vsel vm3, $0x20C, v14;
	v0 =	vsel vm6, $0x189, v0;
	v1 =	vsel vm11, $0x703, v1  }
0x76: {  	v2 =	vsel vm10, $0x184, v2;
	v13 =	vsel vm14, $0xF80, v42;
	v42 =	vimm.s32 $0x1E8F  }
0x77: {  	v14 =	vsel vm1, $0x28D, v14;
	v0 =	vsel vm4, $0x20A, v0;
	v1 =	vsel vm10, $0x784, v1  }
0x78: {  	v18 =	vsel vm9, $0x205, v2;
	v2 =	vsel vm14, $0x880, v19;
	v19 =	vimm.s32 $0x128F  }
0x79: {  	v42 =	vsel vm14, $0x1F00, v42;
	v13 =	vsel vm13, $0x801, v13;
	v14 =	vsel vm0, $0x30E, v14  }
0x7a: {  	v0 =	vsel vm2, $0x28B, v0;
	v1 =	vsel vm9, $0x5, v1;
	v2 =	vsel vm13, $0x901, v2  }
0x7b: {  	v19 =	vsel vm14, $0x1300, v19;
	v42 =	vsel vm13, $0x1F81, v42;
	v0 =	vsel vm3, $0x30C, v0  }
0x7c: {  	[tilespmem:$0x1F890] =	vst v14;
	v1 =	vsel vm8, $0x86, v1;
	v14 =	vsel vm14, $0x700, v6;
	v2 =	vsel vm12, $0x982, v2  }
0x7d: {  	v6 =	vsel vm14, $0xC00, v39;
	v39 =	vimm.s32 $0x1D0F;
	v19 =	vsel vm13, $0x1381, v19  }
0x7e: {  	v0 =	vsel vm1, $0x38D, v0;
	v1 =	vsel vm7, $0x107, v1;
	v2 =	vsel vm11, $0xA03, v2  }
0x7f: {  	v39 =	vsel vm14, $0x1D80, v39;
	v6 =	vsel vm13, $0xC81, v6;
	v0 =	vsel vm0, $0x40E, v0  }
0x80: {  	v46 =	vsel vm5, $0x188, v1;
	v1 =	vsel vm8, $0x106, v47;
	v22 =	vsel vm10, $0xA84, v2  }
0x81: {  	v47 =	vunpack.c.0.s8.s32 v25;
	v2 =	vunpack.c.0.s8.s32 v33;
	v25 =	vimm.s32 $0x158F  }
0x82: {  	v33 =	vimm.s32 $0x1A0F;
	v39 =	vsel vm13, $0x1E01, v39;
	[tilespmem:$0x1F8D0] =	vst v0;
	v0 =	vsel vm6, $0x209, v46  }
0x83: {  	v1 =	vsel vm7, $0x187, v1;
	v46 =	vunpack.c.0.s8.s32 v28;
	v25 =	vsel vm14, $0x1600, v25  }
0x84: {  	v28 =	vimm.s32 $0x170F;
	v33 =	vsel vm14, $0x1A80, v33;
	v0 =	vsel vm4, $0x28A, v0  }
0x85: {  	v1 =	vsel vm5, $0x208, v1;
	[tilespmem:$0x1F940] =	vst v2;
	v2 =	vunpack.c.0.s8.s32 v34;
	v28 =	vsel vm14, $0x1780, v28  }
0x86: {  	v34 =	vimm.s32 $0x1A8F;
	v25 =	vsel vm13, $0x1681, v25;
	v33 =	vsel vm13, $0x1B01, v33  }
0x87: {  	v0 =	vsel vm2, $0x30B, v0;
	v1 =	vsel vm6, $0x289, v1;
	v34 =	vsel vm14, $0x1B00, v34  }
0x88: {  	v28 =	vsel vm13, $0x1001, v28;
	v0 =	vsel vm3, $0x38C, v0;
	v1 =	vsel vm4, $0x30A, v1  }
0x89: {  	[tilespmem:$0x1F950] =	vst v2;
	v2 =	vsel vm14, $0xA00, v35;
	v35 =	vimm.s32 $0x1B0F;
	v34 =	vsel vm13, $0x1B81, v34  }
0x8a: {  	v0 =	vsel vm1, $0x40D, v0;
	v1 =	vsel vm2, $0x38B, v1;
	v35 =	vsel vm14, $0x1B80, v35  }
0x8b: {  	v2 =	vsel vm13, $0xA81, v2;
	v0 =	vsel vm0, $0x48E, v0;
	v57 =	vsel vm3, $0x40C, v1  }
0x8c: {  	v1 =	vsel vm9, $0x105, v58;
	v58 =	vimm.s32 $0x120F;
	v35 =	vsel vm13, $0x1C01, v35  }
0x8d: {  	[tilespmem:$0x1F8E0] =	vst v0;
	v0 =	vsel vm1, $0x48D, v57;
	v1 =	vsel vm8, $0x186, v1;
	v57 =	vimm.s32 $0x118F  }
0x8e: {  	v0 =	vsel vm0, $0x50E, v0;
	v7 =	vsel vm7, $0x207, v1;
	v1 =	vsel vm13, $0x781, v14  }
0x8f: {  	v14 =	vsel vm14, $0x1080, v43;
	v43 =	vimm.s32 $0x1F0F;
	[tilespmem:$0x1F8F0] =	vst v0;
	v0 =	vsel vm5, $0x288, v7  }
0x90: {  	v1 =	vsel vm12, $0x2, v1;
	v7 =	vsel vm14, $0xC80, v40;
	v40 =	vimm.s32 $0x1D8F  }
0x91: {  	v43 =	vsel vm14, $0x1F80, v43;
	v0 =	vsel vm6, $0x309, v0;
	v1 =	vsel vm11, $0x83, v1  }
0x92: {  	v14 =	vsel vm13, $0x1101, v14;
	v0 =	vsel vm4, $0x38A, v0;
	v1 =	vsel vm10, $0x104, v1  }
0x93: {  	v40 =	vsel vm14, $0x1E00, v40;
	v0 =	vsel vm2, $0x40B, v0;
	v1 =	vsel vm9, $0x185, v1  }
0x94: {  	v7 =	vsel vm13, $0xD01, v7;
	v0 =	vsel vm3, $0x48C, v0;
	v1 =	vsel vm8, $0x206, v1  }
0x95: {  	v43 =	vsel vm13, $0x1801, v43;
	v0 =	vsel vm1, $0x50D, v0;
	v1 =	vsel vm7, $0x287, v1  }
0x96: {  	v40 =	vsel vm13, $0x1E81, v40;
	v0 =	vsel vm0, $0x58E, v0;
	v17 =	vsel vm5, $0x308, v1  }
0x97: {  	v1 =	vsel vm8, $0x286, v18;
	v18 =	vsel vm14, $0x1280, v58;
	v58 =	vsel vm12, $0x1882, v43  }
0x98: {  	v43 =	vunpack.c.0.s8.s32 v61;
	v61 =	vimm.s32 $0x1F1E1D1C;
	[tilespmem:$0x1F900] =	vst v0;
	v0 =	vsel vm6, $0x389, v17  }
0x99: {  	v1 =	vsel vm7, $0x307, v1;
	v17 =	vsel vm14, $0x1200, v57;
	v18 =	vsel vm13, $0x1301, v18  }
0x9a: {  	v57 =	vsel vm12, $0x1802, v42;
	v42 =	vsel vm11, $0x1903, v58;
	v58 =	vimm.s32 $0x1A191817  }
0x9b: {  	v0 =	vsel vm4, $0x40A, v0;
	v1 =	vsel vm5, $0x388, v1;
	v17 =	vsel vm13, $0x1281, v17  }
0x9c: {  	v41 =	vsel vm11, $0x1883, v57;
	v42 =	vsel vm10, $0x1984, v42;
	v57 =	vimm.s32 $0x16151413  }
0x9d: {  	v0 =	vsel vm2, $0x48B, v0;
	v1 =	vsel vm6, $0x409, v1;
	v41 =	vsel vm10, $0x1904, v41  }
0x9e: {  	v42 =	vsel vm9, $0x1A05, v42;
	v0 =	vsel vm3, $0x50C, v0;
	v1 =	vsel vm4, $0x48A, v1  }
0x9f: {  	v41 =	vsel vm9, $0x1985, v41;
	v42 =	vsel vm8, $0x1A86, v42;
	v1 =	vsel vm2, $0x50B, v1  }
0xa0: {  	v0 =	vsel vm1, $0x58D, v0;
	v21 =	vsel vm3, $0x58C, v1;
	v1 =	vsel vm9, $0xB05, v22  }
0xa1: {  	v41 =	vsel vm8, $0x1A06, v41;
	v49 =	vsel vm0, $0x60E, v0;
	v1 =	vsel vm8, $0xB86, v1  }
0xa2: {  	v22 =	vimm.s32 $0x140F;
	v0 =	vsel vm1, $0x60D, v21;
	v1 =	vsel vm7, $0xC07, v1  }
0xa3: {  	v21 =	vimm.s32 $0x138F;
	v0 =	vsel vm0, $0x68E, v0;
	v26 =	vsel vm5, $0xC88, v1  }
0xa4: {  	v22 =	vsel vm14, $0x1480, v22;
	[tilespmem:$0x1F920] =	vst v0;
	v1 =	vsel vm14, $0x900, v27;
	v0 =	vsel vm6, $0xD09, v26  }
0xa5: {  	v21 =	vsel vm14, $0x1400, v21;
	v1 =	vsel vm13, $0x981, v1;
	v0 =	vsel vm4, $0xD8A, v0  }
0xa6: {  	v22 =	vsel vm13, $0x1501, v22;
	v1 =	vsel vm12, $0xA02, v1;
	v0 =	vsel vm2, $0xE0B, v0  }
0xa7: {  	v27 =	vimm.s32 $0x168F;
	v1 =	vsel vm11, $0xA83, v1;
	v0 =	vsel vm3, $0xE8C, v0  }
0xa8: {  	v21 =	vsel vm13, $0x1481, v21;
	v1 =	vsel vm10, $0xB04, v1;
	v0 =	vsel vm1, $0xF0D, v0  }
0xa9: {  	v26 =	vimm.s32 $0x160F;
	v31 =	vsel vm9, $0xB85, v1;
	v0 =	vsel vm0, $0xF8E, v0  }
0xaa: {  	v27 =	vsel vm14, $0x1700, v27;
	v26 =	vsel vm14, $0x1680, v26;
	[tilespmem:$0x1F930] =	vst v0;
	v0 =	vsel vm8, $0xC06, v31  }
0xab: {  	v27 =	vsel vm13, $0x1781, v27;
	v1 =	vsel vm13, $0xA01, v32;
	v0 =	vsel vm7, $0xC87, v0  }
0xac: {  	v26 =	vsel vm13, $0x1701, v26;
	v1 =	vsel vm12, $0xA82, v1;
	v0 =	vsel vm5, $0xD08, v0  }
0xad: {  	v32 =	vimm.s32 $0x198F;
	v1 =	vsel vm11, $0xB03, v1;
	v0 =	vsel vm6, $0xD89, v0  }
0xae: {  	v32 =	vsel vm14, $0x1A00, v32;
	v1 =	vsel vm10, $0xB84, v1;
	v0 =	vsel vm4, $0xE0A, v0  }
0xaf: {  	v31 =	vimm.s32 $0x190F;
	v1 =	vsel vm9, $0xC05, v1;
	v0 =	vsel vm2, $0xE8B, v0  }
0xb0: {  	v32 =	vsel vm13, $0x1A81, v32;
	v1 =	vsel vm8, $0xC86, v1;
	v0 =	vsel vm3, $0xF0C, v0  }
0xb1: {  	v31 =	vsel vm14, $0x1980, v31;
	v1 =	vsel vm7, $0xD07, v1;
	v0 =	vsel vm1, $0xF8D, v0  }
0xb2: {  	v31 =	vsel vm13, $0x1A01, v31;
	v1 =	vsel vm5, $0xD88, v1;
	v0 =	vsel vm0, $0x80E, v0  }
0xb3: {  	[tilespmem:$0x1F980] =	vst v0;
	v0 =	vsel vm6, $0xE09, v1;
	v1 =	vsel vm12, $0xB02, v2;
	v2 =	vsel vm12, $0xB82, v3  }
0xb4: {  	v3 =	vsel vm12, $0xC02, v4;
	v4 =	vsel vm12, $0xC82, v5;
	v5 =	vsel vm12, $0xD02, v6  }
0xb5: {  	v6 =	vsel vm12, $0xD82, v7;
	v7 =	vsel vm12, $0xE02, v8;
	v8 =	vsel vm12, $0xE82, v9  }
0xb6: {  	v9 =	vsel vm12, $0xF02, v10;
	v10 =	vsel vm12, $0xF82, v11;
	v11 =	vsel vm12, $0x802, v12  }
0xb7: {  	v12 =	vsel vm12, $0x882, v13;
	v13 =	vsel vm12, $0x1182, v14;
	v14 =	vsel vm12, $0x1202, v15  }
0xb8: {  	v15 =	vsel vm12, $0x1282, v16;
	v16 =	vsel vm12, $0x1302, v17;
	v17 =	vsel vm12, $0x1382, v18  }
0xb9: {  	v18 =	vsel vm12, $0x1402, v19;
	v19 =	vsel vm12, $0x1482, v20;
	v20 =	vsel vm12, $0x1502, v21  }
0xba: {  	v21 =	vsel vm12, $0x1582, v22;
	v22 =	vsel vm12, $0x1602, v23;
	v23 =	vsel vm12, $0x1682, v24  }
0xbb: {  	v24 =	vsel vm12, $0x1702, v25;
	v25 =	vsel vm12, $0x1782, v26;
	v26 =	vsel vm12, $0x1002, v27  }
0xbc: {  	v27 =	vsel vm12, $0x1082, v28;
	v28 =	vsel vm12, $0x1982, v29;
	v29 =	vsel vm12, $0x1A02, v30  }
0xbd: {  	v30 =	vsel vm12, $0x1A82, v31;
	v31 =	vsel vm12, $0x1B02, v32;
	v32 =	vsel vm12, $0x1B82, v33  }
0xbe: {  	v33 =	vsel vm12, $0x1C02, v34;
	v34 =	vsel vm12, $0x1C82, v35;
	v35 =	vsel vm12, $0x1D02, v36  }
0xbf: {  	v36 =	vsel vm12, $0x1D82, v37;
	v37 =	vsel vm12, $0x1E02, v38;
	v38 =	vsel vm12, $0x1E82, v39  }
0xc0: {  	v39 =	vsel vm12, $0x1F02, v40;
	v40 =	vsel vm11, $0x1803, v48;
	v48 =	vimm.s32 $0x1211101F  }
0xc1: {  	v0 =	vsel vm4, $0xE8A, v0;
	v1 =	vsel vm11, $0xB83, v1;
	v2 =	vsel vm11, $0xC03, v2  }
0xc2: {  	v3 =	vsel vm11, $0xC83, v3;
	v4 =	vsel vm11, $0xD03, v4;
	v5 =	vsel vm11, $0xD83, v5  }
0xc3: {  	v6 =	vsel vm11, $0xE03, v6;
	v7 =	vsel vm11, $0xE83, v7;
	v8 =	vsel vm11, $0xF03, v8  }
0xc4: {  	v9 =	vsel vm11, $0xF83, v9;
	v10 =	vsel vm11, $0x803, v10;
	v11 =	vsel vm11, $0x883, v11  }
0xc5: {  	v12 =	vsel vm11, $0x903, v12;
	v13 =	vsel vm11, $0x1203, v13;
	v14 =	vsel vm11, $0x1283, v14  }
0xc6: {  	v15 =	vsel vm11, $0x1303, v15;
	v16 =	vsel vm11, $0x1383, v16;
	v17 =	vsel vm11, $0x1403, v17  }
0xc7: {  	v18 =	vsel vm11, $0x1483, v18;
	v19 =	vsel vm11, $0x1503, v19;
	v20 =	vsel vm11, $0x1583, v20  }
0xc8: {  	v21 =	vsel vm11, $0x1603, v21;
	v22 =	vsel vm11, $0x1683, v22;
	v23 =	vsel vm11, $0x1703, v23  }
0xc9: {  	v24 =	vsel vm11, $0x1783, v24;
	v25 =	vsel vm11, $0x1003, v25;
	v26 =	vsel vm11, $0x1083, v26  }
0xca: {  	v27 =	vsel vm11, $0x1103, v27;
	v28 =	vsel vm11, $0x1A03, v28;
	v29 =	vsel vm11, $0x1A83, v29  }
0xcb: {  	v30 =	vsel vm11, $0x1B03, v30;
	v31 =	vsel vm11, $0x1B83, v31;
	v32 =	vsel vm11, $0x1C03, v32  }
0xcc: {  	v33 =	vsel vm11, $0x1C83, v33;
	v34 =	vsel vm11, $0x1D03, v34;
	v35 =	vsel vm11, $0x1D83, v35  }
0xcd: {  	v36 =	vsel vm11, $0x1E03, v36;
	v37 =	vsel vm11, $0x1E83, v37;
	v38 =	vsel vm11, $0x1F03, v38  }
0xce: {  	[tilespmem:$0x1F990] =	vst v43;
	v39 =	vsel vm11, $0x1F83, v39;
	v43 =	vunpack.c.0.s8.s32 v48;
	v40 =	vsel vm10, $0x1884, v40  }
0xcf: {  	v48 =	vunpack.c.0.s8.s32 v61;
	v61 =	vsel vm7, $0x1B07, v42;
	v0 =	vsel vm2, $0xF0B, v0  }
0xd0: {  	v1 =	vsel vm10, $0xC04, v1;
	v2 =	vsel vm10, $0xC84, v2;
	v3 =	vsel vm10, $0xD04, v3  }
0xd1: {  	v4 =	vsel vm10, $0xD84, v4;
	v5 =	vsel vm10, $0xE04, v5;
	v6 =	vsel vm10, $0xE84, v6  }
0xd2: {  	v7 =	vsel vm10, $0xF04, v7;
	v8 =	vsel vm10, $0xF84, v8;
	v9 =	vsel vm10, $0x804, v9  }
0xd3: {  	v10 =	vsel vm10, $0x884, v10;
	v11 =	vsel vm10, $0x904, v11;
	v12 =	vsel vm10, $0x984, v12  }
0xd4: {  	v13 =	vsel vm10, $0x1284, v13;
	v14 =	vsel vm10, $0x1304, v14;
	v15 =	vsel vm10, $0x1384, v15  }
0xd5: {  	v16 =	vsel vm10, $0x1404, v16;
	v17 =	vsel vm10, $0x1484, v17;
	v18 =	vsel vm10, $0x1504, v18  }
0xd6: {  	v19 =	vsel vm10, $0x1584, v19;
	v20 =	vsel vm10, $0x1604, v20;
	v21 =	vsel vm10, $0x1684, v21  }
0xd7: {  	v22 =	vsel vm10, $0x1704, v22;
	v23 =	vsel vm10, $0x1784, v23;
	v24 =	vsel vm10, $0x1004, v24  }
0xd8: {  	v25 =	vsel vm10, $0x1084, v25;
	v26 =	vsel vm10, $0x1104, v26;
	v27 =	vsel vm10, $0x1184, v27  }
0xd9: {  	v28 =	vsel vm10, $0x1A84, v28;
	v29 =	vsel vm10, $0x1B04, v29;
	v30 =	vsel vm10, $0x1B84, v30  }
0xda: {  	v31 =	vsel vm10, $0x1C04, v31;
	v32 =	vsel vm10, $0x1C84, v32;
	v33 =	vsel vm10, $0x1D04, v33  }
0xdb: {  	v34 =	vsel vm10, $0x1D84, v34;
	v35 =	vsel vm10, $0x1E04, v35;
	v36 =	vsel vm10, $0x1E84, v36  }
0xdc: {  	v37 =	vsel vm10, $0x1F04, v37;
	v38 =	vsel vm10, $0x1F84, v38;
	v39 =	vsel vm10, $0x1804, v39  }
0xdd: {  	v40 =	vsel vm9, $0x1905, v40;
	[tilespmem:$0x1F9A0] =	vst v43;
	v43 =	vunpack.c.0.s8.s32 v57;
	v0 =	vsel vm3, $0xF8C, v0  }
0xde: {  	v1 =	vsel vm9, $0xC85, v1;
	v2 =	vsel vm9, $0xD05, v2;
	v3 =	vsel vm9, $0xD85, v3  }
0xdf: {  	v4 =	vsel vm9, $0xE05, v4;
	v5 =	vsel vm9, $0xE85, v5;
	v6 =	vsel vm9, $0xF05, v6  }
0xe0: {  	v7 =	vsel vm9, $0xF85, v7;
	v8 =	vsel vm9, $0x805, v8;
	v9 =	vsel vm9, $0x885, v9  }
0xe1: {  	v10 =	vsel vm9, $0x905, v10;
	v11 =	vsel vm9, $0x985, v11;
	v12 =	vsel vm9, $0xA05, v12  }
0xe2: {  	v13 =	vsel vm9, $0x1305, v13;
	v14 =	vsel vm9, $0x1385, v14;
	v15 =	vsel vm9, $0x1405, v15  }
0xe3: {  	v16 =	vsel vm9, $0x1485, v16;
	v17 =	vsel vm9, $0x1505, v17;
	v18 =	vsel vm9, $0x1585, v18  }
0xe4: {  	v19 =	vsel vm9, $0x1605, v19;
	v20 =	vsel vm9, $0x1685, v20;
	v21 =	vsel vm9, $0x1705, v21  }
0xe5: {  	v22 =	vsel vm9, $0x1785, v22;
	v23 =	vsel vm9, $0x1005, v23;
	v24 =	vsel vm9, $0x1085, v24  }
0xe6: {  	v25 =	vsel vm9, $0x1105, v25;
	v26 =	vsel vm9, $0x1185, v26;
	v27 =	vsel vm9, $0x1205, v27  }
0xe7: {  	v28 =	vsel vm9, $0x1B05, v28;
	v29 =	vsel vm9, $0x1B85, v29;
	v30 =	vsel vm9, $0x1C05, v30  }
0xe8: {  	v31 =	vsel vm9, $0x1C85, v31;
	v32 =	vsel vm9, $0x1D05, v32;
	v33 =	vsel vm9, $0x1D85, v33  }
0xe9: {  	v34 =	vsel vm9, $0x1E05, v34;
	v35 =	vsel vm9, $0x1E85, v35;
	v36 =	vsel vm9, $0x1F05, v36  }
0xea: {  	v37 =	vsel vm9, $0x1F85, v37;
	v38 =	vsel vm9, $0x1805, v38;
	v39 =	vsel vm9, $0x1885, v39  }
0xeb: {  	v40 =	vsel vm8, $0x1986, v40;
	[tilespmem:$0x1F9E0] =	vst v48;
	v48 =	vimm.s32 $0x13121110;
	v0 =	vsel vm1, $0x80D, v0  }
0xec: {  	v1 =	vsel vm8, $0xD06, v1;
	v2 =	vsel vm8, $0xD86, v2;
	v3 =	vsel vm8, $0xE06, v3  }
0xed: {  	v4 =	vsel vm8, $0xE86, v4;
	v5 =	vsel vm8, $0xF06, v5;
	v6 =	vsel vm8, $0xF86, v6  }
0xee: {  	v7 =	vsel vm8, $0x806, v7;
	v8 =	vsel vm8, $0x886, v8;
	v9 =	vsel vm8, $0x906, v9  }
0xef: {  	v10 =	vsel vm8, $0x986, v10;
	v11 =	vsel vm8, $0xA06, v11;
	v12 =	vsel vm8, $0xA86, v12  }
0xf0: {  	v13 =	vsel vm8, $0x1386, v13;
	v14 =	vsel vm8, $0x1406, v14;
	v15 =	vsel vm8, $0x1486, v15  }
0xf1: {  	v16 =	vsel vm8, $0x1506, v16;
	v17 =	vsel vm8, $0x1586, v17;
	v18 =	vsel vm8, $0x1606, v18  }
0xf2: {  	v19 =	vsel vm8, $0x1686, v19;
	v20 =	vsel vm8, $0x1706, v20;
	v21 =	vsel vm8, $0x1786, v21  }
0xf3: {  	v22 =	vsel vm8, $0x1006, v22;
	v23 =	vsel vm8, $0x1086, v23;
	v24 =	vsel vm8, $0x1106, v24  }
0xf4: {  	v25 =	vsel vm8, $0x1186, v25;
	v26 =	vsel vm8, $0x1206, v26;
	v27 =	vsel vm8, $0x1286, v27  }
0xf5: {  	v28 =	vsel vm8, $0x1B86, v28;
	v29 =	vsel vm8, $0x1C06, v29;
	v30 =	vsel vm8, $0x1C86, v30  }
0xf6: {  	v31 =	vsel vm8, $0x1D06, v31;
	v32 =	vsel vm8, $0x1D86, v32;
	v33 =	vsel vm8, $0x1E06, v33  }
0xf7: {  	v34 =	vsel vm8, $0x1E86, v34;
	v35 =	vsel vm8, $0x1F06, v35;
	v36 =	vsel vm8, $0x1F86, v36  }
0xf8: {  	v37 =	vsel vm8, $0x1806, v37;
	v38 =	vsel vm8, $0x1886, v38;
	v39 =	vsel vm8, $0x1906, v39  }
0xf9: {  	v57 =	vsel vm7, $0x1A07, v40;
	v42 =	vunpack.c.0.s8.s32 v48;
	[tilespmem:$0x1F9B0] =	vst v43;
	v43 =	vunpack.c.0.s8.s32 v58  }
0xfa: {  	v0 =	vsel vm0, $0x88E, v0;
	v58 =	vsel vm7, $0x1A87, v41;
	v41 =	vsel vm5, $0x1B88, v61  }
0xfb: {  	[tilespmem:$0x1F9D0] =	vst v0;
	v0 =	vsel vm7, $0xD87, v1;
	v1 =	vsel vm7, $0xE07, v2;
	v2 =	vsel vm7, $0xE87, v3  }
0xfc: {  	v3 =	vsel vm7, $0xF07, v4;
	v4 =	vsel vm7, $0xF87, v5;
	v5 =	vsel vm7, $0x807, v6  }
0xfd: {  	v6 =	vsel vm7, $0x887, v7;
	v7 =	vsel vm7, $0x907, v8;
	v8 =	vsel vm7, $0x987, v9  }
0xfe: {  	v9 =	vsel vm7, $0xA07, v10;
	v10 =	vsel vm7, $0xA87, v11;
	v11 =	vsel vm7, $0xB07, v12  }
0xff: {  	v12 =	vsel vm7, $0x1407, v13;
	v13 =	vsel vm7, $0x1487, v14;
	v14 =	vsel vm7, $0x1507, v15  }
0x100: {  	v15 =	vsel vm7, $0x1587, v16;
	v16 =	vsel vm7, $0x1607, v17;
	v17 =	vsel vm7, $0x1687, v18  }
0x101: {  	v18 =	vsel vm7, $0x1707, v19;
	v19 =	vsel vm7, $0x1787, v20;
	v20 =	vsel vm7, $0x1007, v21  }
0x102: {  	v21 =	vsel vm7, $0x1087, v22;
	v22 =	vsel vm7, $0x1107, v23;
	v23 =	vsel vm7, $0x1187, v24  }
0x103: {  	v24 =	vsel vm7, $0x1207, v25;
	v25 =	vsel vm7, $0x1287, v26;
	v26 =	vsel vm7, $0x1307, v27  }
0x104: {  	v27 =	vsel vm7, $0x1C07, v28;
	v28 =	vsel vm7, $0x1C87, v29;
	v29 =	vsel vm7, $0x1D07, v30  }
0x105: {  	v30 =	vsel vm7, $0x1D87, v31;
	v31 =	vsel vm7, $0x1E07, v32;
	v32 =	vsel vm7, $0x1E87, v33  }
0x106: {  	v33 =	vsel vm7, $0x1F07, v34;
	v34 =	vsel vm7, $0x1F87, v35;
	v35 =	vsel vm7, $0x1807, v36  }
0x107: {  	v36 =	vsel vm7, $0x1887, v37;
	v37 =	vsel vm7, $0x1907, v38;
	v38 =	vsel vm7, $0x1987, v39  }
0x108: {  	v39 =	vsel vm5, $0x1A88, v57;
	v40 =	vsel vm5, $0x1B08, v58;
	v41 =	vsel vm6, $0x1C09, v41  }
0x109: {  	v57 =	vimm.s32 $0x17161514;
	v58 =	vimm.s32 $0x1B1A1918;
	v0 =	vsel vm5, $0xE08, v0  }
0x10a: {  	v1 =	vsel vm5, $0xE88, v1;
	v2 =	vsel vm5, $0xF08, v2;
	v3 =	vsel vm5, $0xF88, v3  }
0x10b: {  	v4 =	vsel vm5, $0x808, v4;
	v5 =	vsel vm5, $0x888, v5;
	v6 =	vsel vm5, $0x908, v6  }
0x10c: {  	v7 =	vsel vm5, $0x988, v7;
	v8 =	vsel vm5, $0xA08, v8;
	v9 =	vsel vm5, $0xA88, v9  }
0x10d: {  	v10 =	vsel vm5, $0xB08, v10;
	v11 =	vsel vm5, $0xB88, v11;
	v12 =	vsel vm5, $0x1488, v12  }
0x10e: {  	v13 =	vsel vm5, $0x1508, v13;
	v14 =	vsel vm5, $0x1588, v14;
	v15 =	vsel vm5, $0x1608, v15  }
0x10f: {  	v16 =	vsel vm5, $0x1688, v16;
	v17 =	vsel vm5, $0x1708, v17;
	v18 =	vsel vm5, $0x1788, v18  }
0x110: {  	v19 =	vsel vm5, $0x1008, v19;
	v20 =	vsel vm5, $0x1088, v20;
	v21 =	vsel vm5, $0x1108, v21  }
0x111: {  	v22 =	vsel vm5, $0x1188, v22;
	v23 =	vsel vm5, $0x1208, v23;
	v24 =	vsel vm5, $0x1288, v24  }
0x112: {  	v25 =	vsel vm5, $0x1308, v25;
	v26 =	vsel vm5, $0x1388, v26;
	v27 =	vsel vm5, $0x1C88, v27  }
0x113: {  	v28 =	vsel vm5, $0x1D08, v28;
	v29 =	vsel vm5, $0x1D88, v29;
	v30 =	vsel vm5, $0x1E08, v30  }
0x114: {  	v31 =	vsel vm5, $0x1E88, v31;
	v32 =	vsel vm5, $0x1F08, v32;
	v33 =	vsel vm5, $0x1F88, v33  }
0x115: {  	v34 =	vsel vm5, $0x1808, v34;
	v35 =	vsel vm5, $0x1888, v35;
	v36 =	vsel vm5, $0x1908, v36  }
0x116: {  	v37 =	vsel vm5, $0x1988, v37;
	v38 =	vsel vm5, $0x1A08, v38;
	v39 =	vsel vm6, $0x1B09, v39  }
0x117: {  	[tilespmem:$0x1F9F0] =	vst v42;
	v40 =	vsel vm6, $0x1B89, v40;
	v42 =	vunpack.c.0.s8.s32 v57;
	v61 =	vunpack.c.0.s8.s32 v58  }
0x118: {  	v0 =	vsel vm6, $0xE89, v0;
	v1 =	vsel vm6, $0xF09, v1;
	v2 =	vsel vm6, $0xF89, v2  }
0x119: {  	v3 =	vsel vm6, $0x809, v3;
	v4 =	vsel vm6, $0x889, v4;
	v5 =	vsel vm6, $0x909, v5  }
0x11a: {  	v6 =	vsel vm6, $0x989, v6;
	v7 =	vsel vm6, $0xA09, v7;
	v8 =	vsel vm6, $0xA89, v8  }
0x11b: {  	v9 =	vsel vm6, $0xB09, v9;
	v10 =	vsel vm6, $0xB89, v10;
	v11 =	vsel vm6, $0xC09, v11  }
0x11c: {  	v12 =	vsel vm6, $0x1509, v12;
	v13 =	vsel vm6, $0x1589, v13;
	v14 =	vsel vm6, $0x1609, v14  }
0x11d: {  	v15 =	vsel vm6, $0x1689, v15;
	v16 =	vsel vm6, $0x1709, v16;
	v17 =	vsel vm6, $0x1789, v17  }
0x11e: {  	v18 =	vsel vm6, $0x1009, v18;
	v19 =	vsel vm6, $0x1089, v19;
	v20 =	vsel vm6, $0x1109, v20  }
0x11f: {  	v21 =	vsel vm6, $0x1189, v21;
	v22 =	vsel vm6, $0x1209, v22;
	v23 =	vsel vm6, $0x1289, v23  }
0x120: {  	v24 =	vsel vm6, $0x1309, v24;
	v25 =	vsel vm6, $0x1389, v25;
	v26 =	vsel vm6, $0x1409, v26  }
0x121: {  	v27 =	vsel vm6, $0x1D09, v27;
	v28 =	vsel vm6, $0x1D89, v28;
	v29 =	vsel vm6, $0x1E09, v29  }
0x122: {  	v30 =	vsel vm6, $0x1E89, v30;
	v31 =	vsel vm6, $0x1F09, v31;
	v32 =	vsel vm6, $0x1F89, v32  }
0x123: {  	v33 =	vsel vm6, $0x1809, v33;
	v34 =	vsel vm6, $0x1889, v34;
	v35 =	vsel vm6, $0x1909, v35  }
0x124: {  	v36 =	vsel vm6, $0x1989, v36;
	v37 =	vsel vm6, $0x1A09, v37;
	v38 =	vsel vm6, $0x1A89, v38  }
0x125: {  	v0 =	vsel vm4, $0xF0A, v0;
	v1 =	vsel vm4, $0xF8A, v1;
	v2 =	vsel vm4, $0x80A, v2  }
0x126: {  	v48 =	vsel vm4, $0x88A, v3;
	v57 =	vsel vm4, $0x90A, v4;
	v58 =	vsel vm4, $0x98A, v5  }
0x127: {  	v6 =	vsel vm4, $0xA0A, v6;
	v3 =	vsel vm4, $0x170A, v15;
	v15 =	vsel vm4, $0x1D8A, v27  }
0x128: {  	v0 =	vsel vm2, $0xF8B, v0;
	v1 =	vsel vm2, $0x80B, v1;
	v2 =	vsel vm2, $0x88B, v2  }
0x129: {  	v3 =	vsel vm2, $0x178B, v3;
	v15 =	vsel vm2, $0x1E0B, v15;
	v0 =	vsel vm3, $0x80C, v0  }
0x12a: {  	v1 =	vsel vm3, $0x88C, v1;
	v2 =	vsel vm3, $0x90C, v2;
	v3 =	vsel vm3, $0x100C, v3  }
0x12b: {  	[tilespmem:$0x1FA00] =	vst v42;
	v15 =	vsel vm3, $0x1E8C, v15;
	v0 =	vsel vm1, $0x88D, v0;
	v42 =	vsel vm1, $0x90D, v1  }
0x12c: {  	[tilespmem:$0x1F9C0] =	vst v43;
	v43 =	vsel vm1, $0x98D, v2;
	v1 =	vsel vm2, $0x98B, v57;
	v2 =	vsel vm2, $0xA0B, v58  }
0x12d: {  	v58 =	vsel vm4, $0xB8A, v9;
	v9 =	vsel vm4, $0x120A, v21;
	v21 =	vsel vm4, $0x188A, v33  }
0x12e: {  	v33 =	vsel vm4, $0x1C8A, v41;
	v3 =	vsel vm1, $0x108D, v3;
	v15 =	vsel vm1, $0x1F0D, v15  }
0x12f: {  	[tilespmem:$0x1F970] =	vst v44;
	v0 =	vsel vm0, $0x90E, v0;
	v44 =	vsel vm0, $0xA0E, v43;
	v1 =	vsel vm3, $0xA0C, v1  }
0x130: {  	v2 =	vsel vm3, $0xA8C, v2;
	v43 =	vsel vm4, $0xB0A, v8;
	v8 =	vsel vm4, $0x118A, v20  }
0x131: {  	v20 =	vsel vm4, $0x180A, v32;
	v9 =	vsel vm2, $0x128B, v9;
	v21 =	vsel vm2, $0x190B, v21  }
0x132: {  	v41 =	vsel vm0, $0x110E, v3;
	v15 =	vsel vm0, $0x1F8E, v15;
	[tilespmem:$0x1FA20] =	vst v0;
	v0 =	vsel vm0, $0x98E, v42  }
0x133: {  	[tilespmem:$0x1FA10] =	vst v61;
	v61 =	vsel vm1, $0xA8D, v1;
	v4 =	vsel vm1, $0xB0D, v2;
	v42 =	vsel vm4, $0xA8A, v7  }
0x134: {  	v2 =	vsel vm2, $0xB8B, v43;
	v43 =	vsel vm4, $0x1A0A, v36;
	v8 =	vsel vm2, $0x120B, v8  }
0x135: {  	v9 =	vsel vm3, $0x130C, v9;
	v20 =	vsel vm2, $0x188B, v20;
	v21 =	vsel vm3, $0x198C, v21;
	[tilespmem:$0x1FB80] =	vst v41  }
0x136: {  	v36 =	vimm.s32 $0x24232221;
	v41 =	vimm.s32 $0x2D2C2B2A;
	[tilespmem:$0x1FA30] =	vst v0;
	v0 =	vsel vm2, $0x90B, v48  }
0x137: {  	v5 =	vsel vm0, $0xB8E, v4;
	v1 =	vsel vm2, $0xB0B, v42;
	v2 =	vsel vm3, $0xC0C, v2  }
0x138: {  	v4 =	vsel vm4, $0xC8A, v11;
	v11 =	vsel vm4, $0x130A, v23;
	v42 =	vsel vm4, $0x198A, v35  }
0x139: {  	v8 =	vsel vm3, $0x128C, v8;
	v20 =	vsel vm3, $0x190C, v20;
	v35 =	vimm.s32 $0x202F2E2D  }
0x13a: {  	v21 =	vsel vm1, $0x1A0D, v21;
	v0 =	vsel vm3, $0x98C, v0;
	v1 =	vsel vm3, $0xB8C, v1  }
0x13b: {  	v48 =	vsel vm1, $0xC8D, v2;
	v2 =	vsel vm2, $0xD0B, v4;
	v4 =	vsel vm4, $0x178A, v16  }
0x13c: {  	v16 =	vsel vm4, $0x1E0A, v28;
	v11 =	vsel vm2, $0x138B, v11;
	v23 =	vsel vm2, $0x1A0B, v42  }
0x13d: {  	v8 =	vsel vm1, $0x130D, v8;
	v20 =	vsel vm1, $0x198D, v20;
	v32 =	vsel vm0, $0x1A8E, v21  }
0x13e: {  	[tilespmem:$0x1FA40] =	vst v44;
	v0 =	vsel vm1, $0xA0D, v0;
	v44 =	vsel vm1, $0xC0D, v1;
	v57 =	vsel vm0, $0xD0E, v48  }
0x13f: {  	v2 =	vsel vm3, $0xD8C, v2;
	v48 =	vsel vm4, $0x1B0A, v38;
	v4 =	vsel vm2, $0x100B, v4  }
0x140: {  	v11 =	vsel vm3, $0x140C, v11;
	v16 =	vsel vm2, $0x1E8B, v16;
	v23 =	vsel vm3, $0x1A8C, v23  }
0x141: {  	v38 =	vimm.s32 $0x28272625;
	v0 =	vsel vm0, $0xA8E, v0;
	[tilespmem:$0x1FAA0] =	vst v57;
	v57 =	vsel vm4, $0x1B8A, v39  }
0x142: {  	v4 =	vsel vm3, $0x108C, v4;
	v16 =	vsel vm3, $0x1F0C, v16;
	v11 =	vsel vm1, $0x148D, v11  }
0x143: {  	v23 =	vsel vm1, $0x1B0D, v23;
	[tilespmem:$0x1FA50] =	vst v0;
	v0 =	vsel vm0, $0xB0E, v61;
	v61 =	vsel vm4, $0xC0A, v10  }
0x144: {  	v10 =	vsel vm4, $0x128A, v22;
	v22 =	vsel vm4, $0x190A, v34;
	v34 =	vimm.s32 $0x2C2B2A29  }
0x145: {  	v27 =	vsel vm2, $0x1C0B, v57;
	v4 =	vsel vm1, $0x110D, v4;
	v16 =	vsel vm1, $0x1F8D, v16  }
0x146: {  	[tilespmem:$0x1FA60] =	vst v0;
	v0 =	vsel vm2, $0xA8B, v6;
	v1 =	vsel vm2, $0xC8B, v61;
	v6 =	vsel vm1, $0xE0D, v2  }
0x147: {  	[tilespmem:$0x1FC40] =	vst v15;
	v2 =	vsel vm4, $0x168A, v14;
	v14 =	vsel vm4, $0x148A, v26;
	v61 =	vsel vm4, $0x1C0A, v40  }
0x148: {  	[tilespmem:$0x1FA70] =	vst v5;
	v10 =	vsel vm2, $0x130B, v10;
	v22 =	vsel vm2, $0x198B, v22;
	v26 =	vsel vm2, $0x1B8B, v48  }
0x149: {  	[tilespmem:$0x1FCA0] =	vst v32;
	v27 =	vsel vm3, $0x1C8C, v27;
	v42 =	vsel vm0, $0x118E, v4;
	v4 =	vsel vm0, $0x138E, v8  }
0x14a: {  	v16 =	vsel vm0, $0x180E, v16;
	v0 =	vsel vm3, $0xB0C, v0;
	v1 =	vsel vm3, $0xD0C, v1;
	[tilespmem:$0x1FB90] =	vst v42  }
0x14b: {  	v7 =	vsel vm0, $0xE8E, v6;
	v6 =	vsel vm4, $0x108A, v18;
	v18 =	vsel vm4, $0x1F0A, v30;
	[tilespmem:$0x1FBD0] =	vst v4  }
0x14c: {  	v30 =	vunpack.c.0.s8.s32 v34;
	v2 =	vsel vm2, $0x170B, v2;
	v10 =	vsel vm3, $0x138C, v10;
	[tilespmem:$0x1FC50] =	vst v16  }
0x14d: {  	v14 =	vsel vm2, $0x150B, v14;
	v22 =	vsel vm3, $0x1A0C, v22;
	v34 =	vsel vm0, $0x1B8E, v23;
	[tilespmem:$0x1FAD0] =	vst v7  }
0x14e: {  	v26 =	vsel vm3, $0x1C0C, v26;
	v28 =	vsel vm2, $0x1C8B, v61;
	v0 =	vsel vm1, $0xB8D, v0;
	[tilespmem:$0x1FCC0] =	vst v34  }
0x14f: {  	v7 =	vsel vm4, $0x110A, v19;
	v19 =	vsel vm4, $0x1F8A, v31;
	v31 =	vsel vm0, $0x1A0E, v20;
	[tilespmem:$0x1FAF0] =	vst v30  }
0x150: {  	v5 =	vsel vm1, $0xD8D, v1;
	v1 =	vsel vm4, $0x160A, v13;
	v0 =	vsel vm0, $0xC0E, v0;
	[tilespmem:$0x1FC90] =	vst v31  }
0x151: {  	v2 =	vsel vm3, $0x178C, v2;
	v30 =	vunpack.c.0.s8.s32 v35;
	[tilespmem:$0x1FA80] =	vst v0;
	v0 =	vsel vm0, $0xC8E, v44  }
0x152: {  	v13 =	vsel vm4, $0x140A, v25;
	v14 =	vsel vm3, $0x158C, v14;
	v2 =	vsel vm1, $0x100D, v2;
	[tilespmem:$0x1FA90] =	vst v0  }
0x153: {  	v20 =	vimm.s32 $0x303F3E3D;
	v14 =	vsel vm1, $0x160D, v14;
	v40 =	vsel vm0, $0x108E, v2;
	[tilespmem:$0x1FB00] =	vst v30  }
0x154: {  	v6 =	vsel vm2, $0x110B, v6;
	v21 =	vunpack.c.0.s8.s32 v20;
	v14 =	vsel vm0, $0x168E, v14;
	[tilespmem:$0x1FB70] =	vst v40  }
0x155: {  	v6 =	vsel vm3, $0x118C, v6;
	v44 =	vsel vm4, $0x1A8A, v37;
	v37 =	vunpack.c.0.s8.s32 v36;
	[tilespmem:$0x1FC30] =	vst v14  }
0x156: {  	v18 =	vsel vm2, $0x1F8B, v18;
	v10 =	vsel vm1, $0x140D, v10;
	v6 =	vsel vm1, $0x120D, v6;
	[tilespmem:$0x1FE00] =	vst v21  }
0x157: {  	v18 =	vsel vm3, $0x180C, v18;
	v25 =	vsel vm2, $0x1B0B, v44;
	v44 =	vsel vm0, $0x128E, v6;
	[tilespmem:$0x1FB10] =	vst v37  }
0x158: {  	v27 =	vsel vm1, $0x1D0D, v27;
	v18 =	vsel vm1, $0x188D, v18;
	v6 =	vsel vm0, $0x148E, v10;
	[tilespmem:$0x1FBB0] =	vst v44  }
0x159: {  	v1 =	vsel vm2, $0x168B, v1;
	v7 =	vsel vm2, $0x118B, v7;
	v18 =	vsel vm0, $0x190E, v18;
	[tilespmem:$0x1FBF0] =	vst v6  }
0x15a: {  	v1 =	vsel vm3, $0x170C, v1;
	v30 =	vunpack.c.0.s8.s32 v38;
	v38 =	vsel vm0, $0x1D8E, v27;
	[tilespmem:$0x1FC70] =	vst v18  }
0x15b: {  	v28 =	vsel vm3, $0x1D0C, v28;
	v7 =	vsel vm3, $0x120C, v7;
	v1 =	vsel vm1, $0x178D, v1;
	[tilespmem:$0x1FD00] =	vst v38  }
0x15c: {  	v13 =	vsel vm2, $0x148B, v13;
	v7 =	vsel vm1, $0x128D, v7;
	v39 =	vsel vm0, $0x100E, v1;
	[tilespmem:$0x1FB30] =	vst v30  }
0x15d: {  	v13 =	vsel vm3, $0x150C, v13;
	v0 =	vsel vm2, $0xC0B, v58;
	v48 =	vsel vm0, $0x130E, v7;
	[tilespmem:$0x1FB60] =	vst v39  }
0x15e: {  	v13 =	vsel vm1, $0x158D, v13;
	v0 =	vsel vm3, $0xC8C, v0;
	v7 =	vsel vm0, $0x150E, v11;
	[tilespmem:$0x1FBC0] =	vst v48  }
0x15f: {  	v22 =	vsel vm1, $0x1A8D, v22;
	v13 =	vsel vm0, $0x160E, v13;
	v0 =	vsel vm1, $0xD0D, v0;
	[tilespmem:$0x1FC00] =	vst v7  }
0x160: {  	v26 =	vsel vm1, $0x1C8D, v26;
	v19 =	vsel vm2, $0x180B, v19;
	[tilespmem:$0x1FC20] =	vst v13;
	v0 =	vsel vm0, $0xD8E, v0  }
0x161: {  	v28 =	vsel vm1, $0x1D8D, v28;
	v19 =	vsel vm3, $0x188C, v19;
	[tilespmem:$0x1FAB0] =	vst v0;
	v0 =	vsel vm0, $0xE0E, v5  }
0x162: {  	v19 =	vsel vm1, $0x190D, v19;
	v37 =	vsel vm0, $0x1D0E, v26;
	[tilespmem:$0x1FAC0] =	vst v0;
	v0 =	vsel vm4, $0x158A, v12  }
0x163: {  	v25 =	vsel vm3, $0x1B8C, v25;
	v30 =	vsel vm0, $0x198E, v19;
	[tilespmem:$0x1FCF0] =	vst v37;
	v0 =	vsel vm2, $0x160B, v0  }
0x164: {  	v25 =	vsel vm1, $0x1C0D, v25;
	v39 =	vsel vm0, $0x1E0E, v28;
	[tilespmem:$0x1FC80] =	vst v30;
	v0 =	vsel vm3, $0x168C, v0  }
0x165: {  	v36 =	vsel vm0, $0x1C8E, v25;
	[tilespmem:$0x1FD10] =	vst v39;
	v5 =	vsel vm4, $0x100A, v17;
	v0 =	vsel vm1, $0x170D, v0  }
0x166: {  	v17 =	vsel vm4, $0x1E8A, v29;
	v29 =	vsel vm2, $0x1D0B, v33;
	[tilespmem:$0x1FCE0] =	vst v36;
	v0 =	vsel vm0, $0x178E, v0  }
0x167: {  	v33 =	vsel vm0, $0x1B0E, v22;
	v29 =	vsel vm3, $0x1D8C, v29;
	[tilespmem:$0x1FB50] =	vst v0;
	v0 =	vunpack.c.0.s8.s32 v41  }
0x168: {  	v44 =	vimm.s32 $0x25242322;
	v5 =	vsel vm2, $0x108B, v5;
	[tilespmem:$0x1FCB0] =	vst v33;
	v29 =	vsel vm1, $0x1E0D, v29  }
0x169: {  	v5 =	vsel vm3, $0x110C, v5;
	v40 =	vsel vm0, $0x1E8E, v29;
	[tilespmem:$0x1FD30] =	vst v0;
	v0 =	vunpack.c.0.s8.s32 v44  }
0x16a: {  	v48 =	vimm.s32 $0x29282726;
	v12 =	vsel vm4, $0x138A, v24;
	v5 =	vsel vm1, $0x118D, v5;
	[tilespmem:$0x1FD20] =	vst v40  }
0x16b: {  	v24 =	vsel vm2, $0x1A8B, v43;
	v43 =	vsel vm0, $0x120E, v5;
	[tilespmem:$0x1FD50] =	vst v0;
	v0 =	vunpack.c.0.s8.s32 v48  }
0x16c: {  	v9 =	vsel vm1, $0x138D, v9;
	v6 =	vimm.s32 $0x2221202F;
	v17 =	vsel vm2, $0x1F0B, v17;
	[tilespmem:$0x1FBA0] =	vst v43  }
0x16d: {  	v17 =	vsel vm3, $0x1F8C, v17;
	v5 =	vsel vm0, $0x140E, v9;
	[tilespmem:$0x1FD60] =	vst v0;
	v0 =	vunpack.c.0.s8.s32 v6  }
0x16e: {  	v7 =	vimm.s32 $0x26252423;
	v17 =	vsel vm1, $0x180D, v17;
	[tilespmem:$0x1FBE0] =	vst v5  }
0x16f: {  	v24 =	vsel vm3, $0x1B0C, v24;
	v17 =	vsel vm0, $0x188E, v17;
	[tilespmem:$0x1FD80] =	vst v0;
	v0 =	vunpack.c.0.s8.s32 v7  }
0x170: {  	v14 =	vimm.s32 $0x2F2E2D2C;
	v24 =	vsel vm1, $0x1B8D, v24;
	[tilespmem:$0x1FC60] =	vst v17  }
0x171: {  	v28 =	vimm.s32 $0x39383736;
	v35 =	vsel vm0, $0x1C0E, v24;
	[tilespmem:$0x1FD90] =	vst v0;
	v0 =	vunpack.c.0.s8.s32 v14  }
0x172: {  	v15 =	vimm.s32 $0x23222120;
	v12 =	vsel vm2, $0x140B, v12;
	v29 =	vunpack.c.0.s8.s32 v28;
	[tilespmem:$0x1FCD0] =	vst v35  }
0x173: {  	v12 =	vsel vm3, $0x148C, v12;
	[tilespmem:$0x1FDB0] =	vst v0;
	v0 =	vunpack.c.0.s8.s32 v15  }
0x174: {  	v18 =	vimm.s32 $0x2B2A2928;
	v12 =	vsel vm1, $0x150D, v12;
	[tilespmem:$0x1FE60] =	vst v29  }
0x175: {  	v42 =	vimm.s32 $0x21202F2E;
	v12 =	vsel vm0, $0x158E, v12;
	[tilespmem:$0x1FDC0] =	vst v0;
	v0 =	vunpack.c.0.s8.s32 v18  }
0x176: {  	v19 =	vimm.s32 $0x3C3B3A39;
	v43 =	vunpack.c.0.s8.s32 v42;
	[tilespmem:$0x1FC10] =	vst v12  }
0x177: {  	v4 =	vimm.s32 $0x2E2D2C2B;
	[tilespmem:$0x1FDE0] =	vst v0;
	v0 =	vunpack.c.0.s8.s32 v19  }
0x178: {  	v22 =	vimm.s32 $0x34333231;
	v5 =	vunpack.c.0.s8.s32 v4;
	[tilespmem:$0x1FD40] =	vst v43  }
0x179: {  	v16 =	vimm.s32 $0x27262524;
	[tilespmem:$0x1FDF0] =	vst v0;
	v0 =	vunpack.c.0.s8.s32 v22  }
0x17a: {  	v23 =	vimm.s32 $0x38373635;
	v17 =	vunpack.c.0.s8.s32 v16;
	[tilespmem:$0x1FD70] =	vst v5  }
0x17b: {  	v24 =	vimm.s32 $0x3D3C3B3A;
	[tilespmem:$0x1FE10] =	vst v0;
	v0 =	vunpack.c.0.s8.s32 v23  }
0x17c: {  	v26 =	vimm.s32 $0x31303F3E;
	v25 =	vunpack.c.0.s8.s32 v24;
	[tilespmem:$0x1FDD0] =	vst v17  }
0x17d: {  	v12 =	vimm.s32 $0x2A292827;
	[tilespmem:$0x1FE20] =	vst v0;
	v0 =	vunpack.c.0.s8.s32 v26  }
0x17e: {  	s5 =	rddreg [dreg:$0x0];
	v27 =	vimm.s32 $0x35343332;
	v13 =	vunpack.c.0.s8.s32 v12;
	[tilespmem:$0x1FE30] =	vst v25  }
0x17f: {  	s6 =	rddreg [dreg:$0x1];
	s3 =	srdreg.scid;
	v32 =	vimm.s32 $0x36353433;
	[tilespmem:$0x1FE40] =	vst v0;
	v0 =	vunpack.c.0.s8.s32 v27  }
0x180: {  	s1 =	rddreg [dreg:$0x2];
	s4 =	sand.u32 $0x1, s3;
	s3 =	simm.s32 $0x0;
	v57 =	vld [tilespmem:$0x1FB40];
	v36 =	vimm.s32 $0x33323130;
	v33 =	vunpack.c.0.s8.s32 v32;
	[tilespmem:$0x1FDA0] =	vst v13  }
0x181: {  	[smem:$0x7FF] =	sst s3;
	v61 =	vld [tilespmem:$0x1FB20];
	v39 =	vlaneseq.u32;
	v37 =	vunpack.c.0.s8.s32 v36;
	[tilespmem:$0x1FE50] =	vst v0  }
0x182: {  	s0 =	rddreg [dreg:$0x3];
	v58 =	vld [tilespmem:$0x1FAE0];
	v1 =	vmul.u32 $0x80, v39;
	_ =	strace $0x80000047;
	[tilespmem:$0x1FE90] =	vst v33  }
0x183: {  	[tilespmem:$0x1FEC0] =	vst v37  }
0x184: {  	[tilespmem:$0x1FEF0] =	vst v1  }
0x185: {  	[tilespmem:$0x1FF00] =	vst v50  }
0x186: {  	[tilespmem:$0x1FF10] =	vst v47  }
0x187: {  	v41 =	vmul.u32 $0x81, v39;
	[tilespmem:$0x1FF20] =	vst v46  }
0x188: {  	vm0 =	vcmask $0x1F10;
	[tilespmem:$0x1FF30] =	vst v45  }
0x189: {  	v42 =	vsel vm0, v47, v50;
	[tilespmem:$0x1FF50] =	vst v41  }
0x18a: {  	v43 =	vsel vm0, v45, v46;
	[tilespmem:$0x1FF70] =	vst v42  }
0x18b: {  	[tilespmem:$0x1FF80] =	vst v43  }
0x18c: {  	v30 =	vimm.s32 $0x3E3D3C3B;
	[tilespmem:$0x1FFA0] =	vst v49  }
0x18d: {  	v0 =	vunpack.c.0.s8.s32 v30;
	[tilespmem:$0x1FFB0] =	vst v51  }
0x18e: {  	v31 =	vimm.s32 $0x3231303F;
	[tilespmem:$0x1FFC0] =	vst v52  }
0x18f: {  	[tilespmem:$0x1FE70] =	vst v0;
	v0 =	vunpack.c.0.s8.s32 v31  }
0x190: {  	v34 =	vimm.s32 $0x3A393837;
	[tilespmem:$0x1FFD0] =	vst v53  }
0x191: {  	[tilespmem:$0x1FE80] =	vst v0;
	v0 =	vunpack.c.0.s8.s32 v34  }
0x192: {  	s2 =	stileid.u32;
	s10 =	simm.s32 $0x8000;
	s11 =	simm.s32 $0x3000;
	v35 =	vimm.s32 $0x3F3E3D3C;
	[tilespmem:$0x1FFE0] =	vst v54  }
0x193: {  	s12 =	simm.s32 $0x5;
	s13 =	simm.s32 $0x80;
	s14 =	simm.s32 $0x3400;
	[tilespmem:$0x1FEA0] =	vst v0;
	v0 =	vunpack.c.0.s8.s32 v35  }
0x194: {  	s15 =	simm.s32 $0x9C00;
	s16 =	simm.s32 $0xDC00;
	s17 =	simm.s32 $0x1;
	v38 =	vimm.s32 $0x37363534;
	v46 =	vlaneseq.u32;
	[tilespmem:$0x1FFF0] =	vst v59  }
0x195: {  	s18 =	simm.s32 $0x11C00;
	s19 =	simm.s32 $0x2;
	s21 =	simm.s32 $0x13C00;
	v48 =	vor.u32 $0x10, v46;
	[tilespmem:$0x1FEB0] =	vst v0;
	v0 =	vunpack.c.0.s8.s32 v38  }
0x196: {  	s20 =	simm.s32 $0x4;
	s7 =	sshll.u32 s2, $0xB;
	s8 =	sshll.u32 s4, $0xA;
	v40 =	vimm.s32 $0x3B3A3938;
	v50 =	vcombine.low v43, v42;
	[tilespmem:$0x1FF40] =	vst v48  }
0x197: {  	s22 =	simm.s32 $0x3;
	s9 =	ssub.s32 $0x2, s4;
	s4 =	sor.u32 s8, s7;
	[tilespmem:$0x1FED0] =	vst v0;
	v0 =	vunpack.c.0.s8.s32 v40  }
0x198: {  	s23 =	simm.s32 $0x0;
	s31 =	sshrl.u32 s9, $0x1;
	s8 =	sshrl.u32 s4, $0x3;
	[tilespmem:$0x1FF90] =	vst v50  }
0x199: {  	s5 =	sadd.s32 $0xF42800, s5;
	s9 =	ssub.s32 s9, s31;
	s6 =	sadd.s32 s6, s8;
	[tilespmem:$0x1FEE0] =	vst v0;
	v0 =	vor.u32 $0x800, v41  }
0x19a: {  	s8 =	smax.u32 s9, $0x1;
	s9 =	simm.s32 $0x400;
	s7 =	sadd.s32 $0xC000, s6;
	v10 =	vmov v49;
	[tilespmem:$0x1FF60] =	vst v0  }
.LBB2_1:
0x19b: {  	[tilespmem:s3], [sflag:$0x5] =	stream.strided.gather [hbm4b:s6+s9], $0x3000, s10, s9, $0x38;
	[tilespmem:$0x15C00] =	vst v63  }
0x19c: {  	_ = 	snop  }
0x19d: {  	[tilespmem:s11], [sflag:$0x5] =	stream.linear.gather [hbm4b:s7+s3], $0x200, $0x38;
	[tilespmem:$0x15C00] =	vst v63  }
0x19e: {  	_ =	swait.ge [sflag:s12], $0x3200  }
0x19f: {  	[sflag:s12] =	ssyncset.done $0x0  }
0x1a0: {  	s24 =	simm.s32 $0x0;
	[sflag:s12] =	ssyncadd.s32 $0xFFFFCE00  }
0x1a1: {  	v0 =	vld [tilespmem:s24+$0x70]  }
0x1a2: {  	v1 =	vld [tilespmem:s24+$0x0]  }
0x1a3: {  	v2 =	vld [tilespmem:s24+$0x10];
	_ =	sdelay $0x1  }
0x1a4: {  	v3 =	vld [tilespmem:s24+$0x20]  }
0x1a5: {  	v4 =	vld [tilespmem:s24+$0x30];
	v6 =	vshra.s32 v0, $0x1;
	v0 =	vshll.u32 v0, $0x6  }
0x1a6: {  	v5 =	vld [tilespmem:s24+$0x40];
	[tilespmem:s24+$0x3470] =	vst v6;
	v6 =	vshll.u32 v1, $0x6;
	v0 =	vand.u32 $0x40, v0  }
0x1a7: {  	v7 =	vld [tilespmem:s24+$0x50];
	v9 =	vshll.u32 v2, $0x6;
	v6 =	vand.u32 $0x40, v6;
	[tilespmem:s24+$0x6870] =	vst v0  }
0x1a8: {  	v8 =	vld [tilespmem:s24+$0x60];
	v0 =	vand.u32 $0x40, v9;
	[tilespmem:s24+$0x6800] =	vst v6  }
0x1a9: {  	v9 =	vshra.s32 v1, $0x1;
	v6 =	vshll.u32 v3, $0x6;
	[tilespmem:s24+$0x6810] =	vst v0  }
0x1aa: {  	[tilespmem:s24+$0x3400] =	vst v9;
	v0 =	vand.u32 $0x40, v6;
	v6 =	vshll.u32 v4, $0x6  }
0x1ab: {  	[tilespmem:s24+$0x6820] =	vst v0;
	v0 =	vand.u32 $0x40, v6;
	v6 =	vshll.u32 v5, $0x6  }
0x1ac: {  	[tilespmem:s24+$0x6830] =	vst v0;
	v0 =	vand.u32 $0x40, v6;
	v6 =	vshll.u32 v7, $0x6  }
0x1ad: {  	v1 =	vshra.s32 v3, $0x1;
	[tilespmem:s24+$0x6840] =	vst v0;
	v0 =	vand.u32 $0x40, v6;
	v6 =	vshll.u32 v8, $0x6  }
0x1ae: {  	v3 =	vshra.s32 v5, $0x1;
	v5 =	vshra.s32 v7, $0x1;
	[tilespmem:s24+$0x6850] =	vst v0;
	v6 =	vand.u32 $0x40, v6  }
0x1af: {  	s25 =	simm.s32 $0x80;
	s26 =	simm.s32 $0x400;
	v0 =	vshra.s32 v2, $0x1;
	v2 =	vshra.s32 v4, $0x1;
	v4 =	vshra.s32 v8, $0x1;
	[tilespmem:s24+$0x6860] =	vst v6  }
.LBB2_2:
0x1b0: {  	p0 =	sne.s32 s26, $0xC600;
	v6 =	vld [tilespmem:s25+$0x70];
	[tilespmem:s24+$0x3410] =	vst v0  }
0x1b1: {  	v0 =	vld [tilespmem:s25+$0x0];
	[tilespmem:s24+$0x3420] =	vst v1  }
0x1b2: {  	v1 =	vld [tilespmem:s25+$0x10];
	[tilespmem:s24+$0x3430] =	vst v2  }
0x1b3: {  	v2 =	vld [tilespmem:s25+$0x20];
	[tilespmem:s24+$0x3440] =	vst v3  }
0x1b4: {  	v3 =	vld [tilespmem:s25+$0x30];
	[tilespmem:s24+$0x3450] =	vst v5  }
0x1b5: {  	v5 =	vld [tilespmem:s25+$0x40];
	v7 =	vshra.s32 v6, $0x1;
	v6 =	vshll.u32 v6, $0x6;
	[tilespmem:s24+$0x3460] =	vst v4;
	s24 =	smov.u32 s25  }
0x1b6: {  	v8 =	vshra.s32 v0, $0x1;
	v0 =	vshll.u32 v0, $0x6;
	v4 =	vld [tilespmem:s24+$0x50];
	[tilespmem:s24+$0x3470] =	vst v7;
	v6 =	vand.u32 $0x40, v6  }
0x1b7: {  	v7 =	vand.u32 $0x40, v0;
	v0 =	vshra.s32 v1, $0x1;
	v1 =	vshll.u32 v1, $0x6;
	v9 =	vld [tilespmem:s24+$0x60];
	[tilespmem:s24+$0x6870] =	vst v6  }
0x1b8: {  	[tilespmem:s24+$0x6800] =	vst v7;
	v6 =	vand.u32 $0x40, v1;
	v1 =	vshra.s32 v2, $0x1;
	v2 =	vshll.u32 v2, $0x6  }
0x1b9: {  	[tilespmem:s24+$0x6810] =	vst v6;
	v6 =	vand.u32 $0x40, v2;
	v2 =	vshra.s32 v3, $0x1;
	v3 =	vshll.u32 v3, $0x6  }
0x1ba: {  	[tilespmem:s24+$0x6820] =	vst v6;
	v6 =	vand.u32 $0x40, v3;
	v3 =	vshra.s32 v5, $0x1;
	v5 =	vshll.u32 v5, $0x6  }
.Ltmp0:
0x1bb: {  	[tilespmem:s24+$0x6830] =	vst v6;
	v6 =	vand.u32 $0x40, v5;
	v5 =	vshra.s32 v4, $0x1;
	v4 =	vshll.u32 v4, $0x6;
	(pc) =	sbr.rel @p0 .LBB2_2-.Ltmp0, $4  }
0x1bc: {  	[tilespmem:s24+$0x6840] =	vst v6;
	v6 =	vand.u32 $0x40, v4;
	v4 =	vshra.s32 v9, $0x1;
	v7 =	vshll.u32 v9, $0x6  }
0x1bd: {  	[tilespmem:s24+$0x6850] =	vst v6;
	v6 =	vand.u32 $0x40, v7  }
0x1be: {  	[tilespmem:s24+$0x6860] =	vst v6  }
0x1bf: {  	s25 =	sshra.s32 s26, $0x2;
	s26 =	sadd.s32 $0x200, s26;
	[tilespmem:s24+$0x3400] =	vst v8  }
0x1c0: {  	v6 =	vld [tilespmem:s25+$0x70];
	[tilespmem:s24+$0x3410] =	vst v0  }
0x1c1: {  	v0 =	vld [tilespmem:s25+$0x0];
	[tilespmem:s24+$0x3420] =	vst v1  }
0x1c2: {  	v1 =	vld [tilespmem:s25+$0x10];
	[tilespmem:s24+$0x3430] =	vst v2  }
0x1c3: {  	v2 =	vld [tilespmem:s25+$0x20];
	[tilespmem:s24+$0x3440] =	vst v3  }
0x1c4: {  	v3 =	vld [tilespmem:s25+$0x30];
	[tilespmem:s24+$0x3450] =	vst v5  }
0x1c5: {  	v5 =	vld [tilespmem:s25+$0x40];
	[tilespmem:s24+$0x3460] =	vst v4;
	v4 =	vshra.s32 v6, $0x1;
	v6 =	vshll.u32 v6, $0x6  }
0x1c6: {  	[tilespmem:s25+$0x3470] =	vst v4;
	v6 =	vand.u32 $0x40, v6  }
0x1c7: {  	v4 =	vshll.u32 v0, $0x6;
	v0 =	vshra.s32 v0, $0x1;
	[tilespmem:s25+$0x6870] =	vst v6  }
0x1c8: {  	v4 =	vand.u32 $0x40, v4;
	[tilespmem:s25+$0x3400] =	vst v0  }
0x1c9: {  	v9 =	vshll.u32 v1, $0x6;
	v1 =	vshra.s32 v1, $0x1;
	[tilespmem:s25+$0x6800] =	vst v4  }
0x1ca: {  	v4 =	vand.u32 $0x40, v9;
	[tilespmem:s25+$0x3410] =	vst v1  }
0x1cb: {  	v6 =	vshll.u32 v2, $0x6;
	v45 =	vshra.s32 v2, $0x1;
	[tilespmem:s25+$0x6810] =	vst v4  }
0x1cc: {  	v7 =	vld [tilespmem:s25+$0x50];
	v4 =	vand.u32 $0x40, v6;
	[tilespmem:s25+$0x3420] =	vst v45  }
0x1cd: {  	v8 =	vld [tilespmem:s25+$0x60];
	v6 =	vshll.u32 v3, $0x6;
	v47 =	vshra.s32 v3, $0x1;
	[tilespmem:s25+$0x6820] =	vst v4  }
0x1ce: {  	v4 =	vand.u32 $0x40, v6;
	[tilespmem:s25+$0x3430] =	vst v47  }
0x1cf: {  	v6 =	vshll.u32 v5, $0x6;
	v48 =	vshra.s32 v5, $0x1;
	[tilespmem:s25+$0x6830] =	vst v4  }
0x1d0: {  	v4 =	vand.u32 $0x40, v6;
	[tilespmem:s25+$0x3440] =	vst v48  }
0x1d1: {  	v49 =	vshra.s32 v7, $0x1;
	[tilespmem:s25+$0x6840] =	vst v4  }
0x1d2: {  	v6 =	vshll.u32 v7, $0x6;
	v50 =	vshra.s32 v8, $0x1;
	[tilespmem:s25+$0x3450] =	vst v49  }
0x1d3: {  	v9 =	vld [tilespmem:$0x1F900];
	v4 =	vand.u32 $0x40, v6;
	v6 =	vshll.u32 v8, $0x6;
	[tilespmem:s25+$0x3460] =	vst v50  }
0x1d4: {  	v5 =	vld [tilespmem:$0x1F880];
	[tilespmem:s25+$0x6850] =	vst v4;
	v4 =	vand.u32 $0x40, v6  }
0x1d5: {  	s26 =	simm.s32 $0x6880;
	s24 =	simm.s32 $0x0;
	v6 =	vld [tilespmem:$0x1F890];
	[tilespmem:s25+$0x6860] =	vst v4;
	s25 =	simm.s32 $0x6800  }
0x1d6: {  	v4 =	vld [tilespmem:$0x1F870];
	[tilespmem:s15], [sflag:$0x1] =	stream.indirect.gather [hbm4b:s5+s13], $0x80, s14, s13, $0xb8  }
.LBB2_4:
0x1d7: {  	s28 =	sshllo.u32 s24, $0x1  }
0x1d8: {  	s29 =	sshll.u32 s28, $0x7  }
0x1d9: {  	s29 =	sand.u32 $0x3FFFFF80, s29  }
0x1da: {  	s29 =	sadd.s32 $0x3400, s29  }
0x1db: {  	[tilespmem:s16], [sflag:$0x2] =	stream.indirect.gather [hbm4b:s5+s13], $0x80, s29, s13, $0xb8;
	[tilespmem:$0x15C00] =	vst v63  }
0x1dc: {  	_ =	swait.ge [sflag:s17], $0x4000  }
0x1dd: {  	p0 =	seq.s32 s24, $0x0;
	[sflag:s17] =	ssyncset.done $0x0  }
0x1de: {  	s29 =	simm.s32 @!p0 $0x3;
	[sflag:s17] =	ssyncadd.s32 $0xFFFFC000  }
0x1df: {  	_ =	swait.ge @!p0 [sflag:s29], $0x2000  }
0x1e0: {  	s30 =	smov.u32 s25;
	[sflag:s29] =	ssyncset.done @!p0 $0x0  }
0x1e1: {  	s31 =	simm.s32 $0x0;
	[sflag:s29] =	ssyncadd.s32 @!p0 $0xFFFFE000;
	s29 =	sshll.u32 s24, $0xA  }
.LBB2_5:
0x1e2: {  	v45 =	vld [tilespmem:s30+$0x0]  }
0x1e3: {  	v3 =	vld [tilespmem:$0x1FEF0];
	_ =	sdelay $0x2  }
0x1e4: {  	v0 =	vmov s31  }
0x1e5: {  	v0 =	vshll.u32 v0, $0x7;
	v1 =	vadd.s32 v46, v45  }
0x1e6: {  	v46 =	vor.u32 v3, v0;
	v2 =	vand.u32 $0xFFFFFF80, v1  }
0x1e7: {  	v36 =	vand.u32 $0x7F, v1;
	v37 =	vadd.s32 v46, v2  }
0x1e8: {  	v50 =	vld [tilespmem:$0x1FF50];
	v0 =	vor.u32 v36, v37;
	_ =	sdelay $0x4  }
0x1e9: {  	v3 =	vor.u32 s31, v50;
	v0 =	vld.idx.msk [tilespmem:v0+s15+$0x0], $0xffff;
	_ =	sdelay $0x1  }
0x1ea: {  	v38 =	vadd.s32 v55, v45  }
0x1eb: {  	v39 =	vand.u32 $0xFFFFFF80, v38  }
0x1ec: {  	v1 =	vand.u32 $0x7F, v38;
	v2 =	vadd.s32 v46, v39  }
0x1ed: {  	v1 =	vor.u32 v1, v2;
	[tilespmem:v3+s18+$0x0] =	vst.idx.msk $0xffff, v0;
	v3 =	vld [tilespmem:$0x1F830];
	_ =	sdelay $0x4  }
0x1ee: {  	v1 =	vld.idx.msk [tilespmem:v1+s15+$0x0], $0xffff;
	v3 =	vor.u32 s31, v3;
	_ =	sdelay $0x1  }
0x1ef: {  	v40 =	vadd.s32 v60, v45  }
0x1f0: {  	v41 =	vand.u32 $0xFFFFFF80, v40  }
0x1f1: {  	v2 =	vand.u32 $0x7F, v40;
	v0 =	vadd.s32 v46, v41  }
0x1f2: {  	v0 =	vor.u32 v2, v0;
	[tilespmem:v3+s18+$0x0] =	vst.idx.msk $0xffff, v1;
	v3 =	vld [tilespmem:$0x1F840];
	_ =	sdelay $0x2  }
0x1f3: {  	v42 =	vadd.s32 v59, v45  }
0x1f4: {  	v44 =	vand.u32 $0xFFFFFF80, v42  }
0x1f5: {  	v2 =	vand.u32 $0x7F, v42;
	v1 =	vadd.s32 v46, v44;
	v0 =	vld.idx.msk [tilespmem:v0+s15+$0x0], $0xffff;
	v3 =	vor.u32 s31, v3  }
0x1f6: {  	v1 =	vor.u32 v2, v1;
	_ =	sdelay $0x1  }
0x1f7: {  	v47 =	vld [tilespmem:$0x1F850];
	_ =	sdelay $0x1  }
0x1f8: {  	[tilespmem:v3+s18+$0x0] =	vst.idx.msk $0xffff, v0  }
0x1f9: {  	v3 =	vor.u32 s31, v62;
	v1 =	vld.idx.msk [tilespmem:v1+s15+$0x0], $0xffff;
	_ =	sdelay $0x1  }
0x1fa: {  	v2 =	vadd.s32 v47, v45  }
0x1fb: {  	v48 =	vand.u32 $0xFFFFFF80, v2  }
0x1fc: {  	v2 =	vand.u32 $0x7F, v2;
	v0 =	vadd.s32 v46, v48  }
0x1fd: {  	v0 =	vor.u32 v2, v0;
	[tilespmem:v3+s18+$0x0] =	vst.idx.msk $0xffff, v1;
	v3 =	vld [tilespmem:$0x1F860];
	_ =	sdelay $0x2  }
0x1fe: {  	v49 =	vadd.s32 v63, v45  }
0x1ff: {  	v59 =	vand.u32 $0xFFFFFF80, v49  }
0x200: {  	v2 =	vand.u32 $0x7F, v49;
	v1 =	vadd.s32 v46, v59;
	v0 =	vld.idx.msk [tilespmem:v0+s15+$0x0], $0xffff;
	v3 =	vor.u32 s31, v3  }
0x201: {  	v1 =	vor.u32 v2, v1;
	_ =	sdelay $0x2  }
0x202: {  	v33 =	vmov v62;
	v62 =	vadd.s32 v61, v45  }
0x203: {  	v32 =	vand.u32 $0xFFFFFF80, v62;
	[tilespmem:v3+s18+$0x0] =	vst.idx.msk $0xffff, v0  }
0x204: {  	v2 =	vand.u32 $0x7F, v62;
	v3 =	vor.u32 s31, v57;
	v0 =	vadd.s32 v46, v32;
	v1 =	vld.idx.msk [tilespmem:v1+s15+$0x0], $0xffff  }
0x205: {  	v0 =	vor.u32 v2, v0;
	_ =	sdelay $0x2  }
0x206: {  	v34 =	vadd.s32 v56, v45  }
0x207: {  	v35 =	vand.u32 $0xFFFFFF80, v34;
	[tilespmem:v3+s18+$0x0] =	vst.idx.msk $0xffff, v1  }
0x208: {  	v2 =	vand.u32 $0x7F, v34;
	v3 =	vor.u32 s31, v58;
	v1 =	vadd.s32 v46, v35;
	v0 =	vld.idx.msk [tilespmem:v0+s15+$0x0], $0xffff  }
0x209: {  	v1 =	vor.u32 v2, v1;
	_ =	sdelay $0x2  }
0x20a: {  	v36 =	vadd.s32 v5, v45  }
0x20b: {  	v37 =	vand.u32 $0xFFFFFF80, v36;
	[tilespmem:v3+s18+$0x0] =	vst.idx.msk $0xffff, v0  }
0x20c: {  	v2 =	vand.u32 $0x7F, v36;
	v3 =	vor.u32 s31, v4;
	v0 =	vadd.s32 v46, v37;
	v1 =	vld.idx.msk [tilespmem:v1+s15+$0x0], $0xffff  }
0x20d: {  	v0 =	vor.u32 v2, v0;
	_ =	sdelay $0x1  }
0x20e: {  	v38 =	vld [tilespmem:$0x1F8A0];
	_ =	sdelay $0x1  }
0x20f: {  	[tilespmem:v3+s18+$0x0] =	vst.idx.msk $0xffff, v1  }
0x210: {  	v3 =	vor.u32 s31, v6;
	v0 =	vld.idx.msk [tilespmem:v0+s15+$0x0], $0xffff;
	_ =	sdelay $0x1  }
0x211: {  	v2 =	vadd.s32 v38, v45  }
0x212: {  	v39 =	vand.u32 $0xFFFFFF80, v2  }
0x213: {  	v2 =	vand.u32 $0x7F, v2;
	v1 =	vadd.s32 v46, v39  }
0x214: {  	v1 =	vor.u32 v2, v1;
	[tilespmem:v3+s18+$0x0] =	vst.idx.msk $0xffff, v0;
	v3 =	vld [tilespmem:$0x1F8B0];
	_ =	sdelay $0x1  }
0x215: {  	v40 =	vld [tilespmem:$0x1F8C0];
	_ =	sdelay $0x2  }
0x216: {  	v1 =	vld.idx.msk [tilespmem:v1+s15+$0x0], $0xffff;
	v3 =	vor.u32 s31, v3;
	_ =	sdelay $0x1  }
0x217: {  	v2 =	vadd.s32 v40, v45  }
0x218: {  	v41 =	vand.u32 $0xFFFFFF80, v2  }
0x219: {  	v2 =	vand.u32 $0x7F, v2;
	v0 =	vadd.s32 v46, v41  }
0x21a: {  	v0 =	vor.u32 v2, v0;
	[tilespmem:v3+s18+$0x0] =	vst.idx.msk $0xffff, v1;
	v3 =	vld [tilespmem:$0x1F8D0];
	_ =	sdelay $0x4  }
0x21b: {  	v0 =	vld.idx.msk [tilespmem:v0+s15+$0x0], $0xffff;
	v3 =	vor.u32 s31, v3;
	_ =	sdelay $0x1  }
0x21c: {  	v42 =	vadd.s32 v51, v45  }
0x21d: {  	v44 =	vand.u32 $0xFFFFFF80, v42  }
0x21e: {  	v2 =	vand.u32 $0x7F, v42;
	v1 =	vadd.s32 v46, v44  }
0x21f: {  	v1 =	vor.u32 v2, v1;
	[tilespmem:v3+s18+$0x0] =	vst.idx.msk $0xffff, v0;
	v3 =	vld [tilespmem:$0x1F8E0];
	_ =	sdelay $0x4  }
0x220: {  	v1 =	vld.idx.msk [tilespmem:v1+s15+$0x0], $0xffff;
	v3 =	vor.u32 s31, v3;
	_ =	sdelay $0x1  }
0x221: {  	v47 =	vadd.s32 v52, v45  }
0x222: {  	v48 =	vand.u32 $0xFFFFFF80, v47  }
0x223: {  	v2 =	vand.u32 $0x7F, v47;
	v0 =	vadd.s32 v46, v48  }
0x224: {  	v0 =	vor.u32 v2, v0;
	[tilespmem:v3+s18+$0x0] =	vst.idx.msk $0xffff, v1;
	v3 =	vld [tilespmem:$0x1F8F0];
	_ =	sdelay $0x2  }
0x225: {  	v49 =	vadd.s32 v53, v45  }
0x226: {  	v62 =	vmov v56;
	v56 =	vand.u32 $0xFFFFFF80, v49  }
0x227: {  	v2 =	vand.u32 $0x7F, v49;
	v1 =	vadd.s32 v46, v56;
	v0 =	vld.idx.msk [tilespmem:v0+s15+$0x0], $0xffff;
	v3 =	vor.u32 s31, v3  }
0x228: {  	v1 =	vor.u32 v2, v1;
	_ =	sdelay $0x2  }
0x229: {  	v58 =	vadd.s32 v54, v45  }
0x22a: {  	v59 =	vand.u32 $0xFFFFFF80, v58;
	[tilespmem:v3+s18+$0x0] =	vst.idx.msk $0xffff, v0  }
0x22b: {  	v2 =	vand.u32 $0x7F, v58;
	v3 =	vor.u32 s31, v9;
	v0 =	vadd.s32 v46, v59;
	v1 =	vld.idx.msk [tilespmem:v1+s15+$0x0], $0xffff  }
0x22c: {  	v0 =	vor.u32 v2, v0;
	_ =	sdelay $0x1  }
0x22d: {  	v61 =	vld [tilespmem:$0x1F910];
	_ =	sdelay $0x1  }
0x22e: {  	[tilespmem:v3+s18+$0x0] =	vst.idx.msk $0xffff, v1  }
0x22f: {  	v3 =	vor.u32 s31, v10;
	v0 =	vld.idx.msk [tilespmem:v0+s15+$0x0], $0xffff;
	_ =	sdelay $0x1  }
0x230: {  	v2 =	vadd.s32 v61, v45  }
0x231: {  	v32 =	vand.u32 $0xFFFFFF80, v2  }
0x232: {  	v2 =	vand.u32 $0x7F, v2;
	v1 =	vadd.s32 v46, v32  }
0x233: {  	v1 =	vor.u32 v2, v1;
	[tilespmem:v3+s18+$0x0] =	vst.idx.msk $0xffff, v0;
	v3 =	vld [tilespmem:$0x1F920];
	_ =	sdelay $0x1  }
0x234: {  	v34 =	vld [tilespmem:$0x1FF40];
	_ =	sdelay $0x2  }
0x235: {  	v1 =	vld.idx.msk [tilespmem:v1+s15+$0x0], $0xffff;
	v3 =	vor.u32 s31, v3;
	_ =	sdelay $0x1  }
0x236: {  	v2 =	vadd.s32 v34, v45  }
0x237: {  	v35 =	vand.u32 $0xFFFFFF80, v2  }
0x238: {  	v2 =	vand.u32 $0x7F, v2;
	v0 =	vadd.s32 v46, v35  }
0x239: {  	v0 =	vor.u32 v2, v0;
	[tilespmem:v3+s18+$0x0] =	vst.idx.msk $0xffff, v1;
	v3 =	vld [tilespmem:$0x1FF60];
	_ =	sdelay $0x1  }
0x23a: {  	v36 =	vld [tilespmem:$0x1FF90];
	_ =	sdelay $0x2  }
0x23b: {  	v0 =	vld.idx.msk [tilespmem:v0+s15+$0x0], $0xffff;
	v3 =	vor.u32 s31, v3  }
0x23c: {  	v14 =	vld [tilespmem:$0x1F940]  }
0x23d: {  	v13 =	vld [tilespmem:$0x1F950];
	v2 =	vadd.s32 v36, v45  }
0x23e: {  	v15 =	vld [tilespmem:$0x1F960];
	v37 =	vand.u32 $0xFFFFFF80, v2  }
0x23f: {  	v16 =	vld [tilespmem:$0x1F970];
	v2 =	vand.u32 $0x7F, v2;
	v1 =	vadd.s32 v46, v37  }
0x240: {  	v1 =	vor.u32 v2, v1;
	[tilespmem:v3+s18+$0x0] =	vst.idx.msk $0xffff, v0;
	v3 =	vld [tilespmem:$0x1F930];
	_ =	sdelay $0x2  }
0x241: {  	v17 =	vld [tilespmem:$0x1F990]  }
0x242: {  	v18 =	vld [tilespmem:$0x1F9A0];
	v5 =	vsel vm0, v13, v14;
	v6 =	vsel vm0, v16, v15  }
0x243: {  	v38 =	vcombine.low v6, v5;
	v1 =	vld.idx.msk [tilespmem:v1+s15+$0x0], $0xffff;
	v3 =	vor.u32 s31, v3  }
0x244: {  	v19 =	vld [tilespmem:$0x1F9B0]  }
0x245: {  	v20 =	vld [tilespmem:$0x1F9C0];
	v2 =	vadd.s32 v38, v45  }
0x246: {  	v21 =	vld [tilespmem:$0x1F9E0];
	v39 =	vand.u32 $0xFFFFFF80, v2  }
0x247: {  	v22 =	vld [tilespmem:$0x1F9F0];
	v2 =	vand.u32 $0x7F, v2;
	v0 =	vadd.s32 v46, v39  }
0x248: {  	v0 =	vor.u32 v2, v0;
	[tilespmem:v3+s18+$0x0] =	vst.idx.msk $0xffff, v1;
	v3 =	vld [tilespmem:$0x1F980]  }
0x249: {  	v23 =	vld [tilespmem:$0x1FA00]  }
0x24a: {  	v4 =	vld [tilespmem:$0x1FF20]  }
0x24b: {  	v47 =	vld [tilespmem:$0x1FF10]  }
0x24c: {  	v24 =	vld [tilespmem:$0x1FA10];
	v7 =	vsel vm0, v18, v17;
	v8 =	vsel vm0, v20, v19  }
0x24d: {  	v40 =	vcombine.low v8, v7;
	v0 =	vld.idx.msk [tilespmem:v0+s15+$0x0], $0xffff;
	v3 =	vor.u32 s31, v3;
	_ =	sdelay $0x1  }
0x24e: {  	v2 =	vadd.s32 v40, v45  }
0x24f: {  	v11 =	vsel vm0, v4, v47;
	v41 =	vand.u32 $0xFFFFFF80, v2  }
0x250: {  	v4 =	vld [tilespmem:$0x1FF30];
	v9 =	vsel vm0, v22, v21;
	v2 =	vand.u32 $0x7F, v2;
	v1 =	vadd.s32 v46, v41  }
0x251: {  	v10 =	vsel vm0, v24, v23;
	v1 =	vor.u32 v2, v1;
	[tilespmem:v3+s18+$0x0] =	vst.idx.msk $0xffff, v0;
	v3 =	vld [tilespmem:$0x1F9D0]  }
0x252: {  	v48 =	vld [tilespmem:$0x1FF00];
	v42 =	vcombine.low v10, v9;
	_ =	sdelay $0x1  }
0x253: {  	v2 =	vadd.s32 v42, v45  }
0x254: {  	v44 =	vand.u32 $0xFFFFFF80, v2  }
0x255: {  	v2 =	vand.u32 $0x7F, v2;
	v0 =	vadd.s32 v46, v44;
	v1 =	vld.idx.msk [tilespmem:v1+s15+$0x0], $0xffff;
	v3 =	vor.u32 s31, v3  }
0x256: {  	v12 =	vsel vm0, v48, v4;
	v56 =	vld [tilespmem:$0x1FA20];
	v2 =	vor.u32 v2, v0  }
0x257: {  	v0 =	vcombine.low v12, v11;
	_ =	sdelay $0x1  }
0x258: {  	v4 =	vadd.s32 v0, v45  }
0x259: {  	v49 =	vand.u32 $0xFFFFFF80, v4;
	[tilespmem:v3+s18+$0x0] =	vst.idx.msk $0xffff, v1  }
0x25a: {  	v4 =	vand.u32 $0x7F, v4;
	v3 =	vor.u32 s31, v56;
	v1 =	vadd.s32 v46, v49;
	v2 =	vld.idx.msk [tilespmem:v2+s15+$0x0], $0xffff  }
0x25b: {  	v13 =	vsel vm0, v15, v13;
	v14 =	vsel vm0, v14, v16;
	v61 =	vld [tilespmem:$0x1FA30];
	v4 =	vor.u32 v4, v1  }
0x25c: {  	v58 =	vcombine.low v14, v13;
	_ =	sdelay $0x1  }
0x25d: {  	v15 =	vadd.s32 v58, v45  }
0x25e: {  	v59 =	vand.u32 $0xFFFFFF80, v15;
	[tilespmem:v3+s18+$0x0] =	vst.idx.msk $0xffff, v2  }
0x25f: {  	v15 =	vand.u32 $0x7F, v15;
	v2 =	vadd.s32 v46, v59;
	v3 =	vld.idx.msk [tilespmem:v4+s15+$0x0], $0xffff;
	v4 =	vor.u32 s31, v61  }
0x260: {  	v17 =	vsel vm0, v17, v20;
	v16 =	vsel vm0, v19, v18;
	v34 =	vld [tilespmem:$0x1FA40];
	v15 =	vor.u32 v15, v2  }
0x261: {  	v32 =	vcombine.low v17, v16;
	_ =	sdelay $0x1  }
0x262: {  	v18 =	vadd.s32 v32, v45  }
0x263: {  	[tilespmem:v4+s18+$0x0] =	vst.idx.msk $0xffff, v3;
	v3 =	vand.u32 $0xFFFFFF80, v18  }
0x264: {  	v18 =	vand.u32 $0x7F, v18;
	v4 =	vld.idx.msk [tilespmem:v15+s15+$0x0], $0xffff;
	v15 =	vor.u32 s31, v34;
	v3 =	vadd.s32 v46, v3  }
0x265: {  	v19 =	vsel vm0, v21, v24;
	v36 =	vld [tilespmem:$0x1FA50];
	v18 =	vor.u32 v18, v3;
	v3 =	vsel vm0, v23, v22  }
0x266: {  	v37 =	vld [tilespmem:$0x1FF70];
	v35 =	vcombine.low v19, v3  }
0x267: {  	[tilespmem:$0x1F710] =	vst v38;
	v38 =	vld [tilespmem:$0x1FF80]  }
0x268: {  	v19 =	vadd.s32 v35, v45  }
0x269: {  	[tilespmem:v15+s18+$0x0] =	vst.idx.msk $0xffff, v4;
	v4 =	vand.u32 $0xFFFFFF80, v19  }
0x26a: {  	v19 =	vand.u32 $0x7F, v19;
	v15 =	vld.idx.msk [tilespmem:v18+s15+$0x0], $0xffff;
	v18 =	vor.u32 s31, v36;
	v4 =	vadd.s32 v46, v4  }
0x26b: {  	v39 =	vld [tilespmem:$0x1FA60];
	v19 =	vor.u32 v19, v4  }
0x26c: {  	[tilespmem:$0x1F740] =	vst v0;
	v0 =	vcombine.low v37, v38;
	_ =	sdelay $0x1  }
0x26d: {  	v20 =	vadd.s32 v0, v45  }
0x26e: {  	[tilespmem:v18+s18+$0x0] =	vst.idx.msk $0xffff, v15;
	v15 =	vand.u32 $0xFFFFFF80, v20  }
0x26f: {  	v20 =	vand.u32 $0x7F, v20;
	v18 =	vld.idx.msk [tilespmem:v19+s15+$0x0], $0xffff;
	v19 =	vor.u32 s31, v39;
	v15 =	vadd.s32 v46, v15  }
0x270: {  	v41 =	vld [tilespmem:$0x1FA70];
	v15 =	vor.u32 v20, v15  }
0x271: {  	[tilespmem:$0x1F720] =	vst v40;
	v40 =	vcombine.low v5, v6;
	_ =	sdelay $0x1  }
0x272: {  	v6 =	vadd.s32 v40, v45  }
0x273: {  	[tilespmem:v19+s18+$0x0] =	vst.idx.msk $0xffff, v18;
	v18 =	vand.u32 $0xFFFFFF80, v6  }
0x274: {  	v19 =	vor.u32 s31, v41;
	v6 =	vand.u32 $0x7F, v6;
	v15 =	vld.idx.msk [tilespmem:v15+s15+$0x0], $0xffff;
	v18 =	vadd.s32 v46, v18  }
0x275: {  	v44 =	vld [tilespmem:$0x1FA80];
	v18 =	vor.u32 v6, v18  }
0x276: {  	[tilespmem:$0x1F730] =	vst v42;
	v42 =	vcombine.low v7, v8;
	_ =	sdelay $0x1  }
0x277: {  	v7 =	vadd.s32 v42, v45  }
0x278: {  	v8 =	vand.u32 $0xFFFFFF80, v7;
	[tilespmem:v19+s18+$0x0] =	vst.idx.msk $0xffff, v15  }
0x279: {  	v7 =	vand.u32 $0x7F, v7;
	v8 =	vadd.s32 v46, v8;
	v15 =	vld.idx.msk [tilespmem:v18+s15+$0x0], $0xffff;
	v18 =	vor.u32 s31, v44  }
0x27a: {  	v48 =	vld [tilespmem:$0x1FA90];
	v8 =	vor.u32 v7, v8  }
0x27b: {  	v47 =	vcombine.low v9, v10;
	_ =	sdelay $0x1  }
0x27c: {  	v9 =	vadd.s32 v47, v45  }
0x27d: {  	v10 =	vand.u32 $0xFFFFFF80, v9;
	[tilespmem:v18+s18+$0x0] =	vst.idx.msk $0xffff, v15  }
0x27e: {  	v18 =	vor.u32 s31, v48;
	v15 =	vld.idx.msk [tilespmem:v8+s15+$0x0], $0xffff;
	v8 =	vand.u32 $0x7F, v9;
	v9 =	vadd.s32 v46, v10  }
0x27f: {  	v56 =	vld [tilespmem:$0x1FAA0];
	v9 =	vor.u32 v8, v9  }
0x280: {  	v49 =	vcombine.low v11, v12;
	_ =	sdelay $0x1  }
0x281: {  	v10 =	vadd.s32 v49, v45  }
0x282: {  	v11 =	vand.u32 $0xFFFFFF80, v10;
	[tilespmem:v18+s18+$0x0] =	vst.idx.msk $0xffff, v15  }
0x283: {  	v15 =	vor.u32 s31, v56;
	v12 =	vld.idx.msk [tilespmem:v9+s15+$0x0], $0xffff;
	v9 =	vand.u32 $0x7F, v10;
	v10 =	vadd.s32 v46, v11  }
0x284: {  	v59 =	vld [tilespmem:$0x1FAB0];
	v10 =	vor.u32 v9, v10  }
0x285: {  	[tilespmem:$0x1F750] =	vst v58;
	v58 =	vcombine.low v13, v14;
	_ =	sdelay $0x1  }
0x286: {  	v11 =	vadd.s32 v58, v45  }
0x287: {  	[tilespmem:v15+s18+$0x0] =	vst.idx.msk $0xffff, v12;
	v12 =	vand.u32 $0xFFFFFF80, v11  }
0x288: {  	v14 =	vor.u32 s31, v59;
	v13 =	vld.idx.msk [tilespmem:v10+s15+$0x0], $0xffff;
	v10 =	vand.u32 $0x7F, v11;
	v11 =	vadd.s32 v46, v12  }
0x289: {  	[tilespmem:$0x1F760] =	vst v32;
	v32 =	vld [tilespmem:$0x1FAC0];
	v11 =	vor.u32 v10, v11  }
0x28a: {  	v37 =	vld [tilespmem:$0x1FB00];
	v61 =	vcombine.low v16, v17  }
0x28b: {  	v38 =	vld [tilespmem:$0x1FB10]  }
0x28c: {  	v3 =	vld [tilespmem:$0x1FB30];
	[tilespmem:$0x1F770] =	vst v35;
	v12 =	vadd.s32 v61, v45  }
0x28d: {  	v35 =	vld [tilespmem:$0x1FAD0];
	[tilespmem:v14+s18+$0x0] =	vst.idx.msk $0xffff, v13;
	v13 =	vand.u32 $0xFFFFFF80, v12  }
0x28e: {  	v15 =	vor.u32 s31, v32;
	v14 =	vld.idx.msk [tilespmem:v11+s15+$0x0], $0xffff;
	v11 =	vand.u32 $0x7F, v12;
	v12 =	vadd.s32 v46, v13  }
0x28f: {  	v36 =	vld [tilespmem:$0x1FAF0];
	v12 =	vor.u32 v11, v12  }
0x290: {  	v43 =	vlaneseq.u32;
	v5 =	vld [tilespmem:$0x1FD30]  }
0x291: {  	v7 =	vld [tilespmem:$0x1FD50];
	v34 =	vor.u32 $0x20, v43  }
0x292: {  	v6 =	vld [tilespmem:$0x1FD40];
	v13 =	vadd.s32 v34, v45  }
0x293: {  	v22 =	vsel vm0, v3, v38;
	v16 =	vor.u32 s31, v35;
	v8 =	vld [tilespmem:$0x1FD60];
	[tilespmem:v15+s18+$0x0] =	vst.idx.msk $0xffff, v14;
	v14 =	vand.u32 $0xFFFFFF80, v13  }
0x294: {  	v21 =	vsel vm0, v37, v36;
	v15 =	vld.idx.msk [tilespmem:v12+s15+$0x0], $0xffff;
	v12 =	vand.u32 $0x7F, v13;
	v13 =	vadd.s32 v46, v14  }
0x295: {  	v4 =	vcombine.low v22, v21;
	v14 =	vor.u32 v12, v13  }
0x296: {  	[tilespmem:$0x1F790] =	vst v40;
	v40 =	vld [tilespmem:$0x1FD90]  }
0x297: {  	[tilespmem:$0x1F800] =	vst v4;
	v17 =	vadd.s32 v4, v45;
	v4 =	vor.u32 $0x1000, v50;
	v41 =	vld [tilespmem:$0x1FDA0]  }
0x298: {  	[tilespmem:$0x1F810] =	vst v4;
	v23 =	vsel vm0, v6, v5;
	v24 =	vsel vm0, v8, v7;
	v9 =	vld [tilespmem:$0x1FD70]  }
0x299: {  	v18 =	vor.u32 s31, v4;
	v4 =	vcombine.low v24, v23;
	v10 =	vld [tilespmem:$0x1FD80];
	[tilespmem:v16+s18+$0x0] =	vst.idx.msk $0xffff, v15  }
0x29a: {  	v15 =	vand.u32 $0xFFFFFF80, v17;
	v16 =	vld.idx.msk [tilespmem:v14+s15+$0x0], $0xffff  }
0x29b: {  	[tilespmem:$0x1F820] =	vst v4;
	v14 =	vand.u32 $0x7F, v17;
	v15 =	vadd.s32 v46, v15;
	v17 =	vadd.s32 v4, v45;
	v4 =	vld [tilespmem:$0x1FB50]  }
0x29c: {  	v15 =	vor.u32 v14, v15;
	_ =	sdelay $0x1  }
0x29d: {  	[tilespmem:$0x1F7B0] =	vst v47;
	v47 =	vld [tilespmem:$0x1FDC0]  }
0x29e: {  	v26 =	vsel vm0, v41, v40;
	v44 =	vld [tilespmem:$0x1FDB0];
	v25 =	vsel vm0, v10, v9  }
0x29f: {  	v48 =	vld [tilespmem:$0x1FDD0];
	[tilespmem:v18+s18+$0x0] =	vst.idx.msk $0xffff, v16;
	v16 =	vand.u32 $0xFFFFFF80, v17;
	v19 =	vor.u32 s31, v4;
	v4 =	vcombine.low v26, v25  }
0x2a0: {  	v18 =	vld.idx.msk [tilespmem:v15+s15+$0x0], $0xffff;
	v15 =	vand.u32 $0x7F, v17;
	v16 =	vadd.s32 v46, v16  }
0x2a1: {  	v16 =	vor.u32 v15, v16;
	v32 =	vmov v4;
	v17 =	vadd.s32 v4, v45;
	v4 =	vld [tilespmem:$0x1FB60]  }
0x2a2: {  	[tilespmem:$0x1F7C0] =	vst v49;
	v49 =	vld [tilespmem:$0x1FDE0];
	_ =	sdelay $0x2  }
0x2a3: {  	[tilespmem:v19+s18+$0x0] =	vst.idx.msk $0xffff, v18;
	v18 =	vand.u32 $0xFFFFFF80, v17  }
0x2a4: {  	v19 =	vld.idx.msk [tilespmem:v16+s15+$0x0], $0xffff;
	v20 =	vor.u32 s31, v4;
	v16 =	vand.u32 $0x7F, v17;
	v17 =	vadd.s32 v46, v18  }
0x2a5: {  	v27 =	vsel vm0, v47, v44;
	v28 =	vsel vm0, v49, v48;
	v4 =	vld [tilespmem:$0x1FB70];
	v17 =	vor.u32 v16, v17  }
0x2a6: {  	v30 =	vcombine.low v28, v27;
	_ =	sdelay $0x1  }
0x2a7: {  	v18 =	vadd.s32 v30, v45  }
0x2a8: {  	[tilespmem:v20+s18+$0x0] =	vst.idx.msk $0xffff, v19;
	v19 =	vand.u32 $0xFFFFFF80, v18  }
0x2a9: {  	v29 =	vor.u32 s31, v4;
	v20 =	vld.idx.msk [tilespmem:v17+s15+$0x0], $0xffff;
	v17 =	vand.u32 $0x7F, v18;
	v18 =	vadd.s32 v46, v19  }
0x2aa: {  	[tilespmem:$0x1F7F0] =	vst v34;
	v35 =	vsel vm0, v36, v3;
	v56 =	vld [tilespmem:$0x1FB80];
	v34 =	vsel vm0, v38, v37;
	v18 =	vor.u32 v17, v18  }
0x2ab: {  	v31 =	vcombine.low v35, v34;
	_ =	sdelay $0x1  }
0x2ac: {  	v19 =	vadd.s32 v31, v45  }
0x2ad: {  	[tilespmem:v29+s18+$0x0] =	vst.idx.msk $0xffff, v20;
	v20 =	vand.u32 $0xFFFFFF80, v19  }
0x2ae: {  	v36 =	vor.u32 s31, v56;
	v29 =	vld.idx.msk [tilespmem:v18+s15+$0x0], $0xffff;
	v18 =	vand.u32 $0x7F, v19;
	v19 =	vadd.s32 v46, v20  }
0x2af: {  	[tilespmem:$0x1F7D0] =	vst v58;
	v58 =	vld [tilespmem:$0x1FB90];
	v37 =	vsel vm0, v7, v6;
	v38 =	vsel vm0, v5, v8;
	v19 =	vor.u32 v18, v19  }
0x2b0: {  	v13 =	vcombine.low v38, v37;
	_ =	sdelay $0x1  }
0x2b1: {  	v20 =	vadd.s32 v13, v45  }
0x2b2: {  	[tilespmem:v36+s18+$0x0] =	vst.idx.msk $0xffff, v29;
	v29 =	vand.u32 $0xFFFFFF80, v20  }
0x2b3: {  	v39 =	vor.u32 s31, v58;
	v36 =	vld.idx.msk [tilespmem:v19+s15+$0x0], $0xffff;
	v19 =	vand.u32 $0x7F, v20;
	v20 =	vadd.s32 v46, v29  }
0x2b4: {  	[tilespmem:$0x1F7A0] =	vst v42;
	v42 =	vld [tilespmem:$0x1FBA0];
	v29 =	vsel vm0, v40, v10;
	v40 =	vsel vm0, v9, v41;
	v20 =	vor.u32 v19, v20  }
0x2b5: {  	v19 =	vcombine.low v40, v29;
	_ =	sdelay $0x1  }
0x2b6: {  	[tilespmem:$0x1F7E0] =	vst v61;
	v59 =	vadd.s32 v19, v45  }
0x2b7: {  	v61 =	vand.u32 $0xFFFFFF80, v59;
	[tilespmem:v39+s18+$0x0] =	vst.idx.msk $0xffff, v36  }
0x2b8: {  	v42 =	vor.u32 s31, v42;
	v36 =	vadd.s32 v46, v61;
	v39 =	vld.idx.msk [tilespmem:v20+s15+$0x0], $0xffff;
	v20 =	vand.u32 $0x7F, v59  }
0x2b9: {  	v56 =	vld [tilespmem:$0x1FBB0];
	v36 =	vor.u32 v20, v36;
	v20 =	vsel vm0, v48, v47;
	v48 =	vsel vm0, v44, v49  }
0x2ba: {  	v20 =	vcombine.low v48, v20;
	_ =	sdelay $0x1  }
0x2bb: {  	v41 =	vadd.s32 v20, v45  }
0x2bc: {  	[tilespmem:v42+s18+$0x0] =	vst.idx.msk $0xffff, v39;
	v49 =	vand.u32 $0xFFFFFF80, v41  }
0x2bd: {  	v58 =	vor.u32 s31, v56;
	v41 =	vand.u32 $0x7F, v41;
	v36 =	vld.idx.msk [tilespmem:v36+s15+$0x0], $0xffff;
	v39 =	vadd.s32 v46, v49  }
0x2be: {  	v61 =	vld [tilespmem:$0x1FBC0];
	v39 =	vor.u32 v41, v39  }
0x2bf: {  	v21 =	vcombine.low v21, v22;
	_ =	sdelay $0x1  }
0x2c0: {  	v22 =	vadd.s32 v21, v45  }
0x2c1: {  	v59 =	vand.u32 $0xFFFFFF80, v22;
	[tilespmem:v58+s18+$0x0] =	vst.idx.msk $0xffff, v36  }
0x2c2: {  	v22 =	vand.u32 $0x7F, v22;
	v2 =	vor.u32 s31, v61;
	v36 =	vadd.s32 v46, v59;
	v39 =	vld.idx.msk [tilespmem:v39+s15+$0x0], $0xffff  }
0x2c3: {  	v41 =	vld [tilespmem:$0x1FBD0];
	v36 =	vor.u32 v22, v36  }
0x2c4: {  	v22 =	vcombine.low v23, v24;
	_ =	sdelay $0x1  }
0x2c5: {  	v23 =	vadd.s32 v22, v45  }
0x2c6: {  	v24 =	vand.u32 $0xFFFFFF80, v23;
	[tilespmem:v2+s18+$0x0] =	vst.idx.msk $0xffff, v39  }
0x2c7: {  	v42 =	vor.u32 s31, v41;
	v23 =	vand.u32 $0x7F, v23;
	v24 =	vadd.s32 v46, v24;
	v36 =	vld.idx.msk [tilespmem:v36+s15+$0x0], $0xffff  }
0x2c8: {  	v44 =	vld [tilespmem:$0x1FBE0];
	v24 =	vor.u32 v23, v24  }
0x2c9: {  	v23 =	vcombine.low v25, v26;
	_ =	sdelay $0x1  }
0x2ca: {  	v25 =	vadd.s32 v23, v45  }
0x2cb: {  	v26 =	vand.u32 $0xFFFFFF80, v25;
	[tilespmem:v42+s18+$0x0] =	vst.idx.msk $0xffff, v36  }
0x2cc: {  	v47 =	vor.u32 s31, v44;
	v36 =	vld.idx.msk [tilespmem:v24+s15+$0x0], $0xffff;
	v24 =	vand.u32 $0x7F, v25;
	v25 =	vadd.s32 v46, v26  }
0x2cd: {  	v48 =	vld [tilespmem:$0x1FBF0];
	v25 =	vor.u32 v24, v25  }
0x2ce: {  	v24 =	vcombine.low v27, v28;
	_ =	sdelay $0x1  }
0x2cf: {  	v26 =	vadd.s32 v24, v45  }
0x2d0: {  	v27 =	vand.u32 $0xFFFFFF80, v26;
	[tilespmem:v47+s18+$0x0] =	vst.idx.msk $0xffff, v36  }
0x2d1: {  	v49 =	vor.u32 s31, v48;
	v28 =	vld.idx.msk [tilespmem:v25+s15+$0x0], $0xffff;
	v25 =	vand.u32 $0x7F, v26;
	v26 =	vadd.s32 v46, v27  }
0x2d2: {  	v58 =	vld [tilespmem:$0x1FC00];
	v26 =	vor.u32 v25, v26  }
0x2d3: {  	v25 =	vcombine.low v34, v35;
	_ =	sdelay $0x1  }
0x2d4: {  	v27 =	vadd.s32 v25, v45  }
0x2d5: {  	[tilespmem:v49+s18+$0x0] =	vst.idx.msk $0xffff, v28;
	v28 =	vand.u32 $0xFFFFFF80, v27  }
0x2d6: {  	v59 =	vor.u32 s31, v58;
	v56 =	vld.idx.msk [tilespmem:v26+s15+$0x0], $0xffff;
	v26 =	vand.u32 $0x7F, v27;
	v27 =	vadd.s32 v46, v28  }
0x2d7: {  	v39 =	vld [tilespmem:$0x1FC10];
	v27 =	vor.u32 v26, v27  }
0x2d8: {  	v26 =	vcombine.low v37, v38;
	_ =	sdelay $0x1  }
0x2d9: {  	v28 =	vadd.s32 v26, v45  }
0x2da: {  	v61 =	vand.u32 $0xFFFFFF80, v28;
	[tilespmem:v59+s18+$0x0] =	vst.idx.msk $0xffff, v56  }
0x2db: {  	v41 =	vor.u32 s31, v39;
	v35 =	vld.idx.msk [tilespmem:v27+s15+$0x0], $0xffff;
	v27 =	vand.u32 $0x7F, v28;
	v28 =	vadd.s32 v46, v61  }
0x2dc: {  	v44 =	vld [tilespmem:$0x1FC20];
	v28 =	vor.u32 v27, v28  }
0x2dd: {  	v1 =	vld [tilespmem:$0x1FDF0];
	v27 =	vcombine.low v29, v40  }
0x2de: {  	v3 =	vld [tilespmem:$0x1FE00]  }
0x2df: {  	v5 =	vld [tilespmem:$0x1FE20];
	v29 =	vadd.s32 v27, v45  }
0x2e0: {  	v56 =	vld [tilespmem:$0x1FC30];
	v42 =	vand.u32 $0xFFFFFF80, v29;
	[tilespmem:v41+s18+$0x0] =	vst.idx.msk $0xffff, v35  }
0x2e1: {  	v47 =	vor.u32 s31, v44;
	v35 =	vld.idx.msk [tilespmem:v28+s15+$0x0], $0xffff;
	v28 =	vand.u32 $0x7F, v29;
	v29 =	vadd.s32 v46, v42  }
0x2e2: {  	v4 =	vld [tilespmem:$0x1FE10];
	v29 =	vor.u32 v28, v29;
	_ =	sdelay $0x1  }
0x2e3: {  	v28 =	vor.u32 $0x30, v43  }
0x2e4: {  	v48 =	vadd.s32 v28, v45  }
0x2e5: {  	v58 =	vor.u32 s31, v56;
	v42 =	vsel vm0, v3, v1;
	v49 =	vand.u32 $0xFFFFFF80, v48;
	[tilespmem:v47+s18+$0x0] =	vst.idx.msk $0xffff, v35  }
0x2e6: {  	v43 =	vsel vm0, v5, v4;
	v59 =	vadd.s32 v46, v49;
	v36 =	vld.idx.msk [tilespmem:v29+s15+$0x0], $0xffff;
	v29 =	vand.u32 $0x7F, v48  }
0x2e7: {  	v6 =	vld [tilespmem:$0x1FE40];
	v35 =	vor.u32 v29, v59;
	v29 =	vcombine.low v43, v42  }
0x2e8: {  	v56 =	vld [tilespmem:$0x1FE50]  }
0x2e9: {  	v59 =	vld [tilespmem:$0x1FE60];
	v61 =	vadd.s32 v29, v45  }
0x2ea: {  	[tilespmem:$0x1F780] =	vst v0;
	v0 =	vand.u32 $0xFFFFFF80, v61;
	v48 =	vand.u32 $0x7F, v61;
	v61 =	vld [tilespmem:$0x1FC40]  }
0x2eb: {  	v34 =	vor.u32 $0x1800, v50;
	[tilespmem:v58+s18+$0x0] =	vst.idx.msk $0xffff, v36;
	v58 =	vld [tilespmem:$0x1FE30]  }
0x2ec: {  	v2 =	vor.u32 s31, v34;
	v37 =	vld.idx.msk [tilespmem:v35+s15+$0x0], $0xffff;
	_ =	sdelay $0x1  }
0x2ed: {  	v11 =	vld [tilespmem:$0x1FE80]  }
0x2ee: {  	v12 =	vld [tilespmem:$0x1FE90];
	v36 =	vadd.s32 v46, v0  }
0x2ef: {  	v14 =	vld [tilespmem:$0x1FEA0];
	v36 =	vor.u32 v48, v36;
	v47 =	vsel vm0, v59, v56;
	v44 =	vsel vm0, v6, v58  }
0x2f0: {  	v35 =	vcombine.low v47, v44;
	[tilespmem:v2+s18+$0x0] =	vst.idx.msk $0xffff, v37;
	v2 =	vor.u32 s31, v61;
	v61 =	vld [tilespmem:$0x1FE70]  }
0x2f1: {  	v15 =	vld [tilespmem:$0x1FEB0]  }
0x2f2: {  	v16 =	vld [tilespmem:$0x1FEC0];
	v49 =	vadd.s32 v35, v45  }
0x2f3: {  	v17 =	vld [tilespmem:$0x1FED0];
	v50 =	vand.u32 $0xFFFFFF80, v49  }
0x2f4: {  	v39 =	vld.idx.msk [tilespmem:v36+s15+$0x0], $0xffff;
	v49 =	vand.u32 $0x7F, v49;
	v37 =	vadd.s32 v46, v50  }
0x2f5: {  	v50 =	vld [tilespmem:$0x1FC50];
	v37 =	vor.u32 v49, v37;
	v48 =	vsel vm0, v11, v61;
	v49 =	vsel vm0, v14, v12  }
0x2f6: {  	v18 =	vld [tilespmem:$0x1FEE0];
	v36 =	vcombine.low v49, v48;
	_ =	sdelay $0x1  }
0x2f7: {  	v38 =	vadd.s32 v36, v45  }
0x2f8: {  	[tilespmem:v2+s18+$0x0] =	vst.idx.msk $0xffff, v39;
	v39 =	vand.u32 $0xFFFFFF80, v38  }
0x2f9: {  	v0 =	vor.u32 s31, v50;
	v2 =	vand.u32 $0x7F, v38;
	v40 =	vld.idx.msk [tilespmem:v37+s15+$0x0], $0xffff;
	v50 =	vadd.s32 v46, v39  }
0x2fa: {  	v7 =	vmovc v51;
	v51 =	vsel vm0, v18, v17;
	v38 =	vor.u32 v2, v50;
	v50 =	vsel vm0, v16, v15  }
0x2fb: {  	v37 =	vcombine.low v51, v50  }
0x2fc: {  	v8 =	vmov v52;
	v52 =	vld [tilespmem:$0x1FC60]  }
0x2fd: {  	v39 =	vadd.s32 v37, v45  }
0x2fe: {  	[tilespmem:v0+s18+$0x0] =	vst.idx.msk $0xffff, v40;
	v40 =	vand.u32 $0xFFFFFF80, v39  }
0x2ff: {  	v2 =	vadd.s32 v46, v40  }
0x300: {  	v0 =	vand.u32 $0x7F, v39  }
0x301: {  	v52 =	vor.u32 s31, v52;
	v9 =	vmov v63;
	v41 =	vld.idx.msk [tilespmem:v38+s15+$0x0], $0xffff;
	v39 =	vor.u32 v0, v2  }
0x302: {  	v63 =	vmovc v55;
	v55 =	vld [tilespmem:$0x1FC70];
	v2 =	vmovc v53;
	v53 =	vsel vm0, v4, v3;
	v3 =	vmov v54;
	v54 =	vsel vm0, v1, v5  }
0x303: {  	v38 =	vcombine.low v54, v53;
	_ =	sdelay $0x1  }
0x304: {  	v40 =	vadd.s32 v38, v45  }
0x305: {  	[tilespmem:v52+s18+$0x0] =	vst.idx.msk $0xffff, v41;
	v41 =	vand.u32 $0xFFFFFF80, v40  }
0x306: {  	v55 =	vor.u32 s31, v55;
	v52 =	vld.idx.msk [tilespmem:v39+s15+$0x0], $0xffff;
	v0 =	vand.u32 $0x7F, v40;
	v1 =	vadd.s32 v46, v41  }
0x307: {  	v56 =	vsel vm0, v56, v6;
	v6 =	vmov v62;
	v62 =	vld [tilespmem:$0x1FC80];
	v40 =	vor.u32 v0, v1;
	_ =	sdelay $0x2  }
0x308: {  	v10 =	vmov v57;
	v57 =	vsel vm0, v58, v59  }
0x309: {  	v39 =	vcombine.low v57, v56;
	[tilespmem:v55+s18+$0x0] =	vst.idx.msk $0xffff, v52  }
0x30a: {  	v1 =	vor.u32 s31, v62;
	v55 =	vld.idx.msk [tilespmem:v40+s15+$0x0], $0xffff  }
0x30b: {  	v41 =	vadd.s32 v39, v45  }
0x30c: {  	v52 =	vand.u32 $0xFFFFFF80, v41  }
0x30d: {  	v59 =	vand.u32 $0x7F, v41;
	v62 =	vadd.s32 v46, v52  }
0x30e: {  	v52 =	vsel vm0, v12, v11;
	v41 =	vor.u32 v59, v62;
	v59 =	vsel vm0, v61, v14  }
0x30f: {  	v40 =	vcombine.low v59, v52;
	[tilespmem:v1+s18+$0x0] =	vst.idx.msk $0xffff, v55;
	v1 =	vld [tilespmem:$0x1FC90];
	_ =	sdelay $0x1  }
0x310: {  	v61 =	vadd.s32 v40, v45  }
0x311: {  	v0 =	vand.u32 $0xFFFFFF80, v61  }
0x312: {  	v61 =	vand.u32 $0x7F, v61;
	v55 =	vadd.s32 v46, v0  }
0x313: {  	v0 =	vsel vm0, v17, v16;
	v58 =	vld.idx.msk [tilespmem:v41+s15+$0x0], $0xffff;
	v62 =	vor.u32 s31, v1;
	v1 =	vsel vm0, v15, v18  }
0x314: {  	v55 =	vor.u32 v61, v55;
	v41 =	vcombine.low v1, v0;
	v1 =	vld [tilespmem:$0x1FCA0];
	_ =	sdelay $0x3  }
0x315: {  	[tilespmem:v62+s18+$0x0] =	vst.idx.msk $0xffff, v58  }
0x316: {  	v55 =	vld.idx.msk [tilespmem:v55+s15+$0x0], $0xffff;
	v62 =	vor.u32 s31, v1;
	_ =	sdelay $0x1  }
0x317: {  	v61 =	vadd.s32 v41, v45  }
0x318: {  	v0 =	vand.u32 $0xFFFFFF80, v61  }
0x319: {  	v61 =	vand.u32 $0x7F, v61;
	v58 =	vadd.s32 v46, v0  }
0x31a: {  	v58 =	vor.u32 v61, v58;
	[tilespmem:v62+s18+$0x0] =	vst.idx.msk $0xffff, v55;
	v62 =	vld [tilespmem:$0x1FCB0]  }
0x31b: {  	v42 =	vcombine.low v42, v43;
	_ =	sdelay $0x1  }
0x31c: {  	v43 =	vadd.s32 v42, v45  }
0x31d: {  	v55 =	vand.u32 $0xFFFFFF80, v43  }
0x31e: {  	v43 =	vand.u32 $0x7F, v43;
	v58 =	vld.idx.msk [tilespmem:v58+s15+$0x0], $0xffff;
	v55 =	vadd.s32 v46, v55;
	v1 =	vor.u32 s31, v62  }
0x31f: {  	v55 =	vor.u32 v43, v55;
	v62 =	vld [tilespmem:$0x1FCC0]  }
0x320: {  	v43 =	vcombine.low v44, v47;
	_ =	sdelay $0x1  }
0x321: {  	v44 =	vadd.s32 v43, v45  }
0x322: {  	v61 =	vand.u32 $0xFFFFFF80, v44;
	[tilespmem:v1+s18+$0x0] =	vst.idx.msk $0xffff, v58  }
0x323: {  	v44 =	vand.u32 $0x7F, v44;
	v47 =	vadd.s32 v46, v61;
	v1 =	vor.u32 s31, v62;
	v55 =	vld.idx.msk [tilespmem:v55+s15+$0x0], $0xffff  }
0x324: {  	v61 =	vld [tilespmem:$0x1FCD0];
	v47 =	vor.u32 v44, v47  }
0x325: {  	v44 =	vcombine.low v48, v49;
	_ =	sdelay $0x1  }
0x326: {  	v48 =	vadd.s32 v44, v45  }
0x327: {  	v49 =	vand.u32 $0xFFFFFF80, v48;
	[tilespmem:v1+s18+$0x0] =	vst.idx.msk $0xffff, v55  }
0x328: {  	v0 =	vand.u32 $0x7F, v48;
	v62 =	vor.u32 s31, v61;
	v1 =	vadd.s32 v46, v49;
	v55 =	vld.idx.msk [tilespmem:v47+s15+$0x0], $0xffff  }
0x329: {  	v58 =	vld [tilespmem:$0x1FCE0];
	v48 =	vor.u32 v0, v1;
	_ =	sdelay $0x3  }
0x32a: {  	[tilespmem:v62+s18+$0x0] =	vst.idx.msk $0xffff, v55  }
0x32b: {  	v47 =	vcombine.low v50, v51;
	v62 =	vor.u32 s31, v58;
	v51 =	vld.idx.msk [tilespmem:v48+s15+$0x0], $0xffff;
	_ =	sdelay $0x1  }
0x32c: {  	v49 =	vadd.s32 v47, v45  }
0x32d: {  	v50 =	vand.u32 $0xFFFFFF80, v49  }
0x32e: {  	v0 =	vand.u32 $0x7F, v49;
	v1 =	vadd.s32 v46, v50  }
0x32f: {  	v49 =	vor.u32 v0, v1;
	[tilespmem:v62+s18+$0x0] =	vst.idx.msk $0xffff, v51;
	v62 =	vld [tilespmem:$0x1FCF0]  }
0x330: {  	v48 =	vcombine.low v53, v54;
	_ =	sdelay $0x1  }
0x331: {  	v50 =	vadd.s32 v48, v45  }
0x332: {  	v58 =	vand.u32 $0xFFFFFF80, v50  }
0x333: {  	v1 =	vand.u32 $0x7F, v50;
	v55 =	vadd.s32 v46, v58;
	v53 =	vld.idx.msk [tilespmem:v49+s15+$0x0], $0xffff;
	v0 =	vor.u32 s31, v62  }
0x334: {  	v58 =	vld [tilespmem:$0x1FD00];
	v50 =	vor.u32 v1, v55  }
0x335: {  	v49 =	vcombine.low v56, v57;
	_ =	sdelay $0x1  }
0x336: {  	v51 =	vadd.s32 v49, v45  }
0x337: {  	[tilespmem:v0+s18+$0x0] =	vst.idx.msk $0xffff, v53;
	v53 =	vand.u32 $0xFFFFFF80, v51  }
0x338: {  	v62 =	vmovc v33;
	v33 =	vor.u32 s31, v58;
	v0 =	vand.u32 $0x7F, v51;
	v54 =	vld.idx.msk [tilespmem:v50+s15+$0x0], $0xffff;
	v1 =	vadd.s32 v46, v53  }
0x339: {  	v50 =	vcombine.low v52, v59;
	v52 =	vld [tilespmem:$0x1FD10];
	v51 =	vor.u32 v0, v1;
	_ =	sdelay $0x2  }
0x33a: {  	v45 =	vadd.s32 v50, v45  }
0x33b: {  	[tilespmem:v33+s18+$0x0] =	vst.idx.msk $0xffff, v54;
	v33 =	vand.u32 $0xFFFFFF80, v45  }
0x33c: {  	v45 =	vand.u32 $0x7F, v45;
	v51 =	vld.idx.msk [tilespmem:v51+s15+$0x0], $0xffff;
	v46 =	vadd.s32 v46, v33;
	v33 =	vor.u32 s31, v52  }
0x33d: {  	v45 =	vor.u32 v45, v46;
	v46 =	vld [tilespmem:$0x1FD20];
	_ =	sdelay $0x1  }
0x33e: {  	v4 =	vld [tilespmem:$0x1F870]  }
0x33f: {  	v5 =	vld [tilespmem:$0x1F880]  }
0x340: {  	v61 =	vld [tilespmem:$0x1FB20];
	[tilespmem:v33+s18+$0x0] =	vst.idx.msk $0xffff, v51  }
0x341: {  	p1 =	sne.s32 s31, $0x70;
	v45 =	vld.idx.msk [tilespmem:v45+s15+$0x0], $0xffff;
	v33 =	vor.u32 s31, v46  }
.Ltmp1:
0x342: {  	v56 =	vmov v6;
	v6 =	vld [tilespmem:$0x1F890];
	(pc) =	sbr.rel @p1 .LBB2_5-.Ltmp1, $4  }
0x343: {  	v57 =	vmov v10;
	v10 =	vld [tilespmem:$0x1FFA0]  }
0x344: {  	v55 =	vmov v63;
	v63 =	vmov v9;
	v9 =	vld [tilespmem:$0x1F900]  }
0x345: {  	v58 =	vld [tilespmem:$0x1FAE0]  }
0x346: {  	s30 =	sadd.s32 $0x10, s30;
	v59 =	vld [tilespmem:$0x1FFF0];
	v53 =	vmovc v2;
	v54 =	vmovc v3;
	v52 =	vmov v8;
	v51 =	vmov v7;
	v46 =	vlaneseq.u32;
	s31 =	sadd.s32 $0x10, s31;
	[tilespmem:v33+s18+$0x0] =	vst.idx.msk $0xffff, v45  }
0x347: {  	p1 =	sne.s32 s24, $0x31  }
.Ltmp2:
0x348: {  	s30 =	sshll.u32 s24, $0x13;
	(pc) =	sbr.rel @p1 .LBB2_8-.Ltmp2, $4  }
0x349: {  	v52 =	vld [tilespmem:$0x1F820];
	s30 =	sor.u32 s4, s30  }
0x34a: {  	v45 =	vmov v31;
	v31 =	vld [tilespmem:$0x1F810];
	s30 =	sshrl.u32 s30, $0x3  }
0x34b: {  	v53 =	vld [tilespmem:$0x1F800];
	s30 =	sadd.s32 s1, s30  }
0x34c: {  	v46 =	vmov v30;
	v51 =	vmov v32;
	v54 =	vld [tilespmem:$0x1F7F0];
	[hbm4b:s30+s9] =	stream.strided.scatter [tilespmem:s18], [sflag:$0x3], $0x2000, s10, s9, $0x38  }
.Ltmp3:
0x34d: {  	_ =	swait.ge [sflag:s19], $0x4000;
	(pc) =	sbr.rel .LBB2_9-.Ltmp3, $4  }
0x34e: {  	v33 =	vld [tilespmem:$0x1F8A0]  }
0x34f: {  	v11 =	vld [tilespmem:$0x1F8B0]  }
0x350: {  	[sflag:s19] =	ssyncset.done $0x0;
	v30 =	vld [tilespmem:$0x1F8C0]  }
0x351: {  	v32 =	vld [tilespmem:$0x1F8D0];
	[sflag:s19] =	ssyncadd.s32 $0xFFFFC000  }
.LBB2_8:
0x352: {  	s29 =	sshrl.u32 s29, $0x2  }
0x353: {  	s29 =	sadd.s32 $0x3500, s29  }
0x354: {  	[tilespmem:s15], [sflag:$0x1] =	stream.indirect.gather [hbm4b:s5+s13], $0x80, s29, s13, $0xb8;
	[tilespmem:$0x15C00] =	vst v63  }
.Ltmp4:
0x355: {  	_ =	swait.ge [sflag:s19], $0x4000;
	(pc) =	sbr.rel @p0 .LBB2_10-.Ltmp4, $4  }
0x356: {  	v33 =	vld [tilespmem:$0x1F8A0]  }
0x357: {  	v11 =	vld [tilespmem:$0x1F8B0]  }
0x358: {  	[sflag:s19] =	ssyncset.done $0x0;
	v30 =	vld [tilespmem:$0x1F8C0]  }
0x359: {  	v32 =	vld [tilespmem:$0x1F8D0];
	[sflag:s19] =	ssyncadd.s32 $0xFFFFC000  }
.LBB2_9:
0x35a: {  	_ =	swait.ge [sflag:s20], $0x2000  }
0x35b: {  	[sflag:s20] =	ssyncset.done $0x0  }
0x35c: {  	[sflag:s20] =	ssyncadd.s32 $0xFFFFE000  }
.LBB2_10:
0x35d: {  	v1 =	vld [tilespmem:$0x1F7B0]  }
0x35e: {  	v2 =	vld [tilespmem:$0x1F7C0]  }
0x35f: {  	v3 =	vld [tilespmem:$0x1F7D0];
	v12 =	vmov v54;
	v7 =	vmov v53;
	v14 =	vmov v31  }
0x360: {  	s29 =	simm.s32 $0x0;
	s30 =	smov.u32 s26;
	v8 =	vld [tilespmem:$0x1F7E0];
	v15 =	vmovc v52;
	v16 =	vmovc v51;
	v17 =	vmov v46;
	v18 =	vmov v45;
	v0 =	vmov v13  }
.LBB2_11:
0x361: {  	v45 =	vld [tilespmem:s30+$0x0];
	_ =	sdelay $0x3  }
0x362: {  	v13 =	vlaneseq.u32  }
0x363: {  	v51 =	vadd.s32 v13, v45;
	v13 =	vld [tilespmem:$0x1FEF0];
	_ =	sdelay $0x2  }
0x364: {  	v46 =	vmov s29  }
0x365: {  	v46 =	vshll.u32 v46, $0x7  }
0x366: {  	v52 =	vand.u32 $0xFFFFFF80, v51;
	v46 =	vor.u32 v13, v46  }
0x367: {  	v51 =	vand.u32 $0x7F, v51;
	v52 =	vadd.s32 v46, v52  }
0x368: {  	v13 =	vld [tilespmem:$0x1FF50];
	v51 =	vor.u32 v51, v52;
	_ =	sdelay $0x2  }
0x369: {  	v52 =	vadd.s32 v55, v45  }
0x36a: {  	v53 =	vand.u32 $0xFFFFFF80, v52  }
0x36b: {  	v52 =	vand.u32 $0x7F, v52;
	v53 =	vadd.s32 v46, v53;
	v54 =	vor.u32 s29, v13;
	v51 =	vld.idx.msk [tilespmem:v51+s16+$0x0], $0xffff  }
0x36c: {  	v52 =	vor.u32 v52, v53;
	v13 =	vmovc v33;
	v33 =	vmov v32;
	v32 =	vmov v30;
	v30 =	vld [tilespmem:$0x1F830];
	_ =	sdelay $0x2  }
0x36d: {  	v53 =	vadd.s32 v60, v45  }
0x36e: {  	[tilespmem:v54+s21+$0x0] =	vst.idx.msk $0xffff, v51;
	v51 =	vand.u32 $0xFFFFFF80, v53  }
0x36f: {  	v54 =	vor.u32 s29, v30;
	v53 =	vand.u32 $0x7F, v53;
	v52 =	vld.idx.msk [tilespmem:v52+s16+$0x0], $0xffff;
	v51 =	vadd.s32 v46, v51  }
0x370: {  	v30 =	vld [tilespmem:$0x1F840];
	v51 =	vor.u32 v53, v51;
	_ =	sdelay $0x2  }
0x371: {  	v53 =	vadd.s32 v59, v45  }
0x372: {  	v31 =	vld [tilespmem:$0x1F850];
	[tilespmem:v54+s21+$0x0] =	vst.idx.msk $0xffff, v52;
	v52 =	vand.u32 $0xFFFFFF80, v53  }
0x373: {  	v54 =	vor.u32 s29, v30;
	v53 =	vand.u32 $0x7F, v53;
	v51 =	vld.idx.msk [tilespmem:v51+s16+$0x0], $0xffff;
	v52 =	vadd.s32 v46, v52  }
0x374: {  	v52 =	vor.u32 v53, v52;
	_ =	sdelay $0x2  }
0x375: {  	v53 =	vadd.s32 v31, v45  }
0x376: {  	[tilespmem:v54+s21+$0x0] =	vst.idx.msk $0xffff, v51;
	v51 =	vand.u32 $0xFFFFFF80, v53  }
0x377: {  	v54 =	vor.u32 s29, v62;
	v53 =	vand.u32 $0x7F, v53;
	v52 =	vld.idx.msk [tilespmem:v52+s16+$0x0], $0xffff;
	v51 =	vadd.s32 v46, v51  }
0x378: {  	v30 =	vld [tilespmem:$0x1F860];
	v51 =	vor.u32 v53, v51;
	_ =	sdelay $0x2  }
0x379: {  	v53 =	vadd.s32 v63, v45  }
0x37a: {  	[tilespmem:v54+s21+$0x0] =	vst.idx.msk $0xffff, v52;
	v52 =	vand.u32 $0xFFFFFF80, v53  }
0x37b: {  	v54 =	vor.u32 s29, v30;
	v53 =	vand.u32 $0x7F, v53;
	v51 =	vld.idx.msk [tilespmem:v51+s16+$0x0], $0xffff;
	v52 =	vadd.s32 v46, v52  }
0x37c: {  	v52 =	vor.u32 v53, v52;
	_ =	sdelay $0x2  }
0x37d: {  	v53 =	vadd.s32 v61, v45  }
0x37e: {  	[tilespmem:v54+s21+$0x0] =	vst.idx.msk $0xffff, v51;
	v51 =	vand.u32 $0xFFFFFF80, v53  }
0x37f: {  	v54 =	vor.u32 s29, v57;
	v53 =	vand.u32 $0x7F, v53;
	v52 =	vld.idx.msk [tilespmem:v52+s16+$0x0], $0xffff;
	v51 =	vadd.s32 v46, v51  }
0x380: {  	v51 =	vor.u32 v53, v51;
	_ =	sdelay $0x2  }
0x381: {  	v53 =	vadd.s32 v56, v45  }
0x382: {  	[tilespmem:v54+s21+$0x0] =	vst.idx.msk $0xffff, v52;
	v52 =	vand.u32 $0xFFFFFF80, v53  }
0x383: {  	v54 =	vor.u32 s29, v58;
	v53 =	vand.u32 $0x7F, v53;
	v51 =	vld.idx.msk [tilespmem:v51+s16+$0x0], $0xffff;
	v52 =	vadd.s32 v46, v52  }
0x384: {  	v52 =	vor.u32 v53, v52;
	_ =	sdelay $0x2  }
0x385: {  	v53 =	vadd.s32 v5, v45  }
0x386: {  	[tilespmem:v54+s21+$0x0] =	vst.idx.msk $0xffff, v51;
	v51 =	vand.u32 $0xFFFFFF80, v53  }
0x387: {  	v54 =	vor.u32 s29, v4;
	v53 =	vand.u32 $0x7F, v53;
	v52 =	vld.idx.msk [tilespmem:v52+s16+$0x0], $0xffff;
	v51 =	vadd.s32 v46, v51  }
0x388: {  	v51 =	vor.u32 v53, v51;
	_ =	sdelay $0x2  }
0x389: {  	v53 =	vadd.s32 v13, v45  }
0x38a: {  	[tilespmem:v54+s21+$0x0] =	vst.idx.msk $0xffff, v52;
	v52 =	vand.u32 $0xFFFFFF80, v53  }
0x38b: {  	v54 =	vor.u32 s29, v6;
	v53 =	vand.u32 $0x7F, v53;
	v51 =	vld.idx.msk [tilespmem:v51+s16+$0x0], $0xffff;
	v52 =	vadd.s32 v46, v52  }
0x38c: {  	v52 =	vor.u32 v53, v52;
	_ =	sdelay $0x1  }
0x38d: {  	v31 =	vld [tilespmem:$0x1FFB0];
	v30 =	vmov v32  }
0x38e: {  	v53 =	vadd.s32 v30, v45  }
0x38f: {  	[tilespmem:v54+s21+$0x0] =	vst.idx.msk $0xffff, v51;
	v51 =	vand.u32 $0xFFFFFF80, v53  }
0x390: {  	v54 =	vor.u32 s29, v11;
	v53 =	vand.u32 $0x7F, v53;
	v52 =	vld.idx.msk [tilespmem:v52+s16+$0x0], $0xffff;
	v51 =	vadd.s32 v46, v51  }
0x391: {  	v51 =	vor.u32 v53, v51  }
0x392: {  	v53 =	vadd.s32 v31, v45;
	v31 =	vld [tilespmem:$0x1FFC0];
	_ =	sdelay $0x2  }
0x393: {  	[tilespmem:v54+s21+$0x0] =	vst.idx.msk $0xffff, v52;
	v52 =	vand.u32 $0xFFFFFF80, v53  }
0x394: {  	v32 =	vmov v33;
	v53 =	vand.u32 $0x7F, v53;
	v51 =	vld.idx.msk [tilespmem:v51+s16+$0x0], $0xffff;
	v52 =	vadd.s32 v46, v52  }
0x395: {  	v54 =	vor.u32 s29, v32;
	v52 =	vor.u32 v53, v52;
	v53 =	vadd.s32 v31, v45;
	v31 =	vld [tilespmem:$0x1F8E0];
	_ =	sdelay $0x4  }
0x396: {  	[tilespmem:v54+s21+$0x0] =	vst.idx.msk $0xffff, v51;
	v54 =	vor.u32 s29, v31;
	v31 =	vld [tilespmem:$0x1FFD0];
	_ =	sdelay $0x2  }
0x397: {  	v51 =	vand.u32 $0xFFFFFF80, v53  }
0x398: {  	v53 =	vand.u32 $0x7F, v53;
	v52 =	vld.idx.msk [tilespmem:v52+s16+$0x0], $0xffff;
	v51 =	vadd.s32 v46, v51  }
0x399: {  	v51 =	vor.u32 v53, v51;
	v53 =	vadd.s32 v31, v45;
	v31 =	vld [tilespmem:$0x1F8F0];
	_ =	sdelay $0x4  }
0x39a: {  	[tilespmem:v54+s21+$0x0] =	vst.idx.msk $0xffff, v52;
	v52 =	vand.u32 $0xFFFFFF80, v53;
	v54 =	vor.u32 s29, v31;
	v31 =	vld [tilespmem:$0x1FFE0]  }
0x39b: {  	v51 =	vld.idx.msk [tilespmem:v51+s16+$0x0], $0xffff;
	v53 =	vand.u32 $0x7F, v53;
	v52 =	vadd.s32 v46, v52  }
0x39c: {  	v52 =	vor.u32 v53, v52;
	_ =	sdelay $0x2  }
0x39d: {  	v53 =	vadd.s32 v31, v45  }
0x39e: {  	[tilespmem:v54+s21+$0x0] =	vst.idx.msk $0xffff, v51;
	v31 =	vld [tilespmem:$0x1F910];
	v51 =	vand.u32 $0xFFFFFF80, v53  }
0x39f: {  	v54 =	vor.u32 s29, v9;
	v52 =	vld.idx.msk [tilespmem:v52+s16+$0x0], $0xffff;
	v53 =	vand.u32 $0x7F, v53;
	v51 =	vadd.s32 v46, v51  }
0x3a0: {  	v51 =	vor.u32 v53, v51;
	_ =	sdelay $0x1  }
0x3a1: {  	v33 =	vmov v13;
	v13 =	vld [tilespmem:$0x1FF40]  }
0x3a2: {  	v53 =	vadd.s32 v31, v45  }
0x3a3: {  	[tilespmem:v54+s21+$0x0] =	vst.idx.msk $0xffff, v52;
	v52 =	vand.u32 $0xFFFFFF80, v53  }
0x3a4: {  	v54 =	vor.u32 s29, v10;
	v53 =	vand.u32 $0x7F, v53;
	v52 =	vadd.s32 v46, v52;
	v51 =	vld.idx.msk [tilespmem:v51+s16+$0x0], $0xffff  }
0x3a5: {  	v31 =	vld [tilespmem:$0x1F920];
	v52 =	vor.u32 v53, v52  }
0x3a6: {  	v53 =	vadd.s32 v13, v45;
	v13 =	vld [tilespmem:$0x1FF90];
	_ =	sdelay $0x2  }
0x3a7: {  	[tilespmem:v54+s21+$0x0] =	vst.idx.msk $0xffff, v51;
	v51 =	vand.u32 $0xFFFFFF80, v53  }
0x3a8: {  	v53 =	vand.u32 $0x7F, v53;
	v52 =	vld.idx.msk [tilespmem:v52+s16+$0x0], $0xffff;
	v51 =	vadd.s32 v46, v51  }
0x3a9: {  	v54 =	vor.u32 s29, v31;
	v51 =	vor.u32 v53, v51;
	v53 =	vadd.s32 v13, v45;
	v13 =	vld [tilespmem:$0x1FF60];
	_ =	sdelay $0x4  }
0x3aa: {  	[tilespmem:v54+s21+$0x0] =	vst.idx.msk $0xffff, v52;
	v52 =	vand.u32 $0xFFFFFF80, v53;
	v54 =	vor.u32 s29, v13;
	v13 =	vld [tilespmem:$0x1F710]  }
0x3ab: {  	v53 =	vand.u32 $0x7F, v53;
	v51 =	vld.idx.msk [tilespmem:v51+s16+$0x0], $0xffff;
	v52 =	vadd.s32 v46, v52  }
0x3ac: {  	v31 =	vld [tilespmem:$0x1F930];
	v52 =	vor.u32 v53, v52;
	_ =	sdelay $0x2  }
0x3ad: {  	v53 =	vadd.s32 v13, v45  }
0x3ae: {  	[tilespmem:v54+s21+$0x0] =	vst.idx.msk $0xffff, v51;
	v13 =	vld [tilespmem:$0x1F720];
	v51 =	vand.u32 $0xFFFFFF80, v53  }
0x3af: {  	v54 =	vor.u32 s29, v31;
	v52 =	vld.idx.msk [tilespmem:v52+s16+$0x0], $0xffff;
	v53 =	vand.u32 $0x7F, v53;
	v51 =	vadd.s32 v46, v51  }
0x3b0: {  	v31 =	vld [tilespmem:$0x1F980];
	v51 =	vor.u32 v53, v51;
	_ =	sdelay $0x2  }
0x3b1: {  	v53 =	vadd.s32 v13, v45  }
0x3b2: {  	v13 =	vld [tilespmem:$0x1F730];
	[tilespmem:v54+s21+$0x0] =	vst.idx.msk $0xffff, v52;
	v52 =	vand.u32 $0xFFFFFF80, v53  }
0x3b3: {  	v54 =	vor.u32 s29, v31;
	v53 =	vand.u32 $0x7F, v53;
	v52 =	vadd.s32 v46, v52;
	v51 =	vld.idx.msk [tilespmem:v51+s16+$0x0], $0xffff  }
0x3b4: {  	v31 =	vld [tilespmem:$0x1F9D0];
	v52 =	vor.u32 v53, v52;
	_ =	sdelay $0x2  }
0x3b5: {  	v53 =	vadd.s32 v13, v45  }
0x3b6: {  	v13 =	vld [tilespmem:$0x1F740];
	[tilespmem:v54+s21+$0x0] =	vst.idx.msk $0xffff, v51;
	v51 =	vand.u32 $0xFFFFFF80, v53  }
0x3b7: {  	v54 =	vor.u32 s29, v31;
	v53 =	vand.u32 $0x7F, v53;
	v52 =	vld.idx.msk [tilespmem:v52+s16+$0x0], $0xffff;
	v51 =	vadd.s32 v46, v51  }
0x3b8: {  	v31 =	vld [tilespmem:$0x1FA20];
	v51 =	vor.u32 v53, v51;
	_ =	sdelay $0x2  }
0x3b9: {  	v53 =	vadd.s32 v13, v45  }
0x3ba: {  	v13 =	vld [tilespmem:$0x1F750];
	[tilespmem:v54+s21+$0x0] =	vst.idx.msk $0xffff, v52;
	v52 =	vand.u32 $0xFFFFFF80, v53  }
0x3bb: {  	v54 =	vor.u32 s29, v31;
	v53 =	vand.u32 $0x7F, v53;
	v51 =	vld.idx.msk [tilespmem:v51+s16+$0x0], $0xffff;
	v52 =	vadd.s32 v46, v52  }
0x3bc: {  	v31 =	vld [tilespmem:$0x1FA30];
	v52 =	vor.u32 v53, v52;
	_ =	sdelay $0x2  }
0x3bd: {  	v53 =	vadd.s32 v13, v45  }
0x3be: {  	v13 =	vld [tilespmem:$0x1F760];
	[tilespmem:v54+s21+$0x0] =	vst.idx.msk $0xffff, v51;
	v51 =	vand.u32 $0xFFFFFF80, v53  }
0x3bf: {  	v54 =	vor.u32 s29, v31;
	v53 =	vand.u32 $0x7F, v53;
	v52 =	vld.idx.msk [tilespmem:v52+s16+$0x0], $0xffff;
	v51 =	vadd.s32 v46, v51  }
0x3c0: {  	v31 =	vld [tilespmem:$0x1FA40];
	v51 =	vor.u32 v53, v51;
	_ =	sdelay $0x2  }
0x3c1: {  	v53 =	vadd.s32 v13, v45  }
0x3c2: {  	v13 =	vld [tilespmem:$0x1F770];
	[tilespmem:v54+s21+$0x0] =	vst.idx.msk $0xffff, v52;
	v52 =	vand.u32 $0xFFFFFF80, v53  }
0x3c3: {  	v54 =	vor.u32 s29, v31;
	v53 =	vand.u32 $0x7F, v53;
	v51 =	vld.idx.msk [tilespmem:v51+s16+$0x0], $0xffff;
	v52 =	vadd.s32 v46, v52  }
0x3c4: {  	v31 =	vld [tilespmem:$0x1FA50];
	v52 =	vor.u32 v53, v52;
	_ =	sdelay $0x2  }
0x3c5: {  	v53 =	vadd.s32 v13, v45  }
0x3c6: {  	v13 =	vld [tilespmem:$0x1F780];
	[tilespmem:v54+s21+$0x0] =	vst.idx.msk $0xffff, v51;
	v51 =	vand.u32 $0xFFFFFF80, v53  }
0x3c7: {  	v54 =	vor.u32 s29, v31;
	v53 =	vand.u32 $0x7F, v53;
	v52 =	vld.idx.msk [tilespmem:v52+s16+$0x0], $0xffff;
	v51 =	vadd.s32 v46, v51  }
0x3c8: {  	v31 =	vld [tilespmem:$0x1FA60];
	v51 =	vor.u32 v53, v51;
	_ =	sdelay $0x2  }
0x3c9: {  	v53 =	vadd.s32 v13, v45  }
0x3ca: {  	v13 =	vld [tilespmem:$0x1F790];
	[tilespmem:v54+s21+$0x0] =	vst.idx.msk $0xffff, v52;
	v52 =	vand.u32 $0xFFFFFF80, v53  }
0x3cb: {  	v54 =	vor.u32 s29, v31;
	v53 =	vand.u32 $0x7F, v53;
	v51 =	vld.idx.msk [tilespmem:v51+s16+$0x0], $0xffff;
	v52 =	vadd.s32 v46, v52  }
0x3cc: {  	v31 =	vld [tilespmem:$0x1FA70];
	v52 =	vor.u32 v53, v52;
	_ =	sdelay $0x2  }
0x3cd: {  	v53 =	vadd.s32 v13, v45  }
0x3ce: {  	v13 =	vld [tilespmem:$0x1F7A0];
	[tilespmem:v54+s21+$0x0] =	vst.idx.msk $0xffff, v51;
	v51 =	vand.u32 $0xFFFFFF80, v53  }
0x3cf: {  	v54 =	vor.u32 s29, v31;
	v53 =	vand.u32 $0x7F, v53;
	v52 =	vld.idx.msk [tilespmem:v52+s16+$0x0], $0xffff;
	v51 =	vadd.s32 v46, v51  }
0x3d0: {  	v31 =	vld [tilespmem:$0x1FA80];
	v51 =	vor.u32 v53, v51;
	_ =	sdelay $0x2  }
0x3d1: {  	v53 =	vadd.s32 v13, v45  }
0x3d2: {  	[tilespmem:v54+s21+$0x0] =	vst.idx.msk $0xffff, v52;
	v52 =	vand.u32 $0xFFFFFF80, v53  }
0x3d3: {  	v54 =	vor.u32 s29, v31;
	v53 =	vand.u32 $0x7F, v53;
	v51 =	vld.idx.msk [tilespmem:v51+s16+$0x0], $0xffff;
	v52 =	vadd.s32 v46, v52  }
0x3d4: {  	v31 =	vld [tilespmem:$0x1FA90];
	v52 =	vor.u32 v53, v52;
	_ =	sdelay $0x2  }
0x3d5: {  	v53 =	vadd.s32 v1, v45  }
0x3d6: {  	[tilespmem:v54+s21+$0x0] =	vst.idx.msk $0xffff, v51;
	v51 =	vand.u32 $0xFFFFFF80, v53  }
0x3d7: {  	v54 =	vor.u32 s29, v31;
	v53 =	vand.u32 $0x7F, v53;
	v52 =	vld.idx.msk [tilespmem:v52+s16+$0x0], $0xffff;
	v51 =	vadd.s32 v46, v51  }
0x3d8: {  	v31 =	vld [tilespmem:$0x1FAA0];
	v51 =	vor.u32 v53, v51;
	_ =	sdelay $0x2  }
0x3d9: {  	v53 =	vadd.s32 v2, v45  }
0x3da: {  	[tilespmem:v54+s21+$0x0] =	vst.idx.msk $0xffff, v52;
	v52 =	vand.u32 $0xFFFFFF80, v53  }
0x3db: {  	v54 =	vor.u32 s29, v31;
	v53 =	vand.u32 $0x7F, v53;
	v51 =	vld.idx.msk [tilespmem:v51+s16+$0x0], $0xffff;
	v52 =	vadd.s32 v46, v52  }
0x3dc: {  	v31 =	vld [tilespmem:$0x1FAB0];
	v52 =	vor.u32 v53, v52;
	_ =	sdelay $0x2  }
0x3dd: {  	v53 =	vadd.s32 v3, v45  }
0x3de: {  	[tilespmem:v54+s21+$0x0] =	vst.idx.msk $0xffff, v51;
	v51 =	vand.u32 $0xFFFFFF80, v53  }
0x3df: {  	v54 =	vor.u32 s29, v31;
	v53 =	vand.u32 $0x7F, v53;
	v52 =	vld.idx.msk [tilespmem:v52+s16+$0x0], $0xffff;
	v51 =	vadd.s32 v46, v51  }
0x3e0: {  	v31 =	vld [tilespmem:$0x1FAC0];
	v51 =	vor.u32 v53, v51;
	_ =	sdelay $0x2  }
0x3e1: {  	v53 =	vadd.s32 v8, v45  }
0x3e2: {  	[tilespmem:v54+s21+$0x0] =	vst.idx.msk $0xffff, v52;
	v52 =	vand.u32 $0xFFFFFF80, v53  }
0x3e3: {  	v54 =	vor.u32 s29, v31;
	v53 =	vand.u32 $0x7F, v53;
	v51 =	vld.idx.msk [tilespmem:v51+s16+$0x0], $0xffff;
	v52 =	vadd.s32 v46, v52  }
0x3e4: {  	v31 =	vld [tilespmem:$0x1FAD0];
	v52 =	vor.u32 v53, v52;
	_ =	sdelay $0x2  }
0x3e5: {  	v53 =	vadd.s32 v12, v45  }
0x3e6: {  	[tilespmem:v54+s21+$0x0] =	vst.idx.msk $0xffff, v51;
	v51 =	vand.u32 $0xFFFFFF80, v53  }
0x3e7: {  	v54 =	vor.u32 s29, v31;
	v53 =	vand.u32 $0x7F, v53;
	v52 =	vld.idx.msk [tilespmem:v52+s16+$0x0], $0xffff;
	v51 =	vadd.s32 v46, v51  }
0x3e8: {  	v51 =	vor.u32 v53, v51;
	_ =	sdelay $0x2  }
0x3e9: {  	v53 =	vadd.s32 v7, v45  }
0x3ea: {  	[tilespmem:v54+s21+$0x0] =	vst.idx.msk $0xffff, v52;
	v52 =	vand.u32 $0xFFFFFF80, v53  }
0x3eb: {  	v54 =	vor.u32 s29, v14;
	v53 =	vand.u32 $0x7F, v53;
	v51 =	vld.idx.msk [tilespmem:v51+s16+$0x0], $0xffff;
	v52 =	vadd.s32 v46, v52  }
0x3ec: {  	v31 =	vld [tilespmem:$0x1FB50];
	v52 =	vor.u32 v53, v52;
	_ =	sdelay $0x2  }
0x3ed: {  	v53 =	vadd.s32 v15, v45  }
0x3ee: {  	[tilespmem:v54+s21+$0x0] =	vst.idx.msk $0xffff, v51;
	v51 =	vand.u32 $0xFFFFFF80, v53  }
0x3ef: {  	v54 =	vor.u32 s29, v31;
	v53 =	vand.u32 $0x7F, v53;
	v52 =	vld.idx.msk [tilespmem:v52+s16+$0x0], $0xffff;
	v51 =	vadd.s32 v46, v51  }
0x3f0: {  	v31 =	vld [tilespmem:$0x1FB60];
	v51 =	vor.u32 v53, v51;
	_ =	sdelay $0x2  }
0x3f1: {  	v53 =	vadd.s32 v16, v45  }
0x3f2: {  	[tilespmem:v54+s21+$0x0] =	vst.idx.msk $0xffff, v52;
	v52 =	vand.u32 $0xFFFFFF80, v53  }
0x3f3: {  	v54 =	vor.u32 s29, v31;
	v53 =	vand.u32 $0x7F, v53;
	v51 =	vld.idx.msk [tilespmem:v51+s16+$0x0], $0xffff;
	v52 =	vadd.s32 v46, v52  }
0x3f4: {  	v31 =	vld [tilespmem:$0x1FB70];
	v52 =	vor.u32 v53, v52;
	_ =	sdelay $0x2  }
0x3f5: {  	v53 =	vadd.s32 v17, v45  }
0x3f6: {  	[tilespmem:v54+s21+$0x0] =	vst.idx.msk $0xffff, v51;
	v51 =	vand.u32 $0xFFFFFF80, v53  }
0x3f7: {  	v54 =	vor.u32 s29, v31;
	v53 =	vand.u32 $0x7F, v53;
	v52 =	vld.idx.msk [tilespmem:v52+s16+$0x0], $0xffff;
	v51 =	vadd.s32 v46, v51  }
0x3f8: {  	v31 =	vld [tilespmem:$0x1FB80];
	v51 =	vor.u32 v53, v51;
	_ =	sdelay $0x2  }
0x3f9: {  	v53 =	vadd.s32 v18, v45  }
0x3fa: {  	[tilespmem:v54+s21+$0x0] =	vst.idx.msk $0xffff, v52;
	v52 =	vand.u32 $0xFFFFFF80, v53  }
0x3fb: {  	v54 =	vor.u32 s29, v31;
	v53 =	vand.u32 $0x7F, v53;
	v51 =	vld.idx.msk [tilespmem:v51+s16+$0x0], $0xffff;
	v52 =	vadd.s32 v46, v52  }
0x3fc: {  	v31 =	vld [tilespmem:$0x1FB90];
	v52 =	vor.u32 v53, v52;
	_ =	sdelay $0x2  }
0x3fd: {  	v53 =	vadd.s32 v0, v45  }
0x3fe: {  	[tilespmem:v54+s21+$0x0] =	vst.idx.msk $0xffff, v51;
	v51 =	vand.u32 $0xFFFFFF80, v53  }
0x3ff: {  	v54 =	vor.u32 s29, v31;
	v53 =	vand.u32 $0x7F, v53;
	v52 =	vld.idx.msk [tilespmem:v52+s16+$0x0], $0xffff;
	v51 =	vadd.s32 v46, v51  }
0x400: {  	v31 =	vld [tilespmem:$0x1FBA0];
	v51 =	vor.u32 v53, v51;
	_ =	sdelay $0x2  }
0x401: {  	v53 =	vadd.s32 v19, v45  }
0x402: {  	[tilespmem:v54+s21+$0x0] =	vst.idx.msk $0xffff, v52;
	v52 =	vand.u32 $0xFFFFFF80, v53  }
0x403: {  	v54 =	vor.u32 s29, v31;
	v53 =	vand.u32 $0x7F, v53;
	v51 =	vld.idx.msk [tilespmem:v51+s16+$0x0], $0xffff;
	v52 =	vadd.s32 v46, v52  }
0x404: {  	v31 =	vld [tilespmem:$0x1FBB0];
	v52 =	vor.u32 v53, v52;
	_ =	sdelay $0x2  }
0x405: {  	v53 =	vadd.s32 v20, v45  }
0x406: {  	[tilespmem:v54+s21+$0x0] =	vst.idx.msk $0xffff, v51;
	v51 =	vand.u32 $0xFFFFFF80, v53  }
0x407: {  	v54 =	vor.u32 s29, v31;
	v53 =	vand.u32 $0x7F, v53;
	v52 =	vld.idx.msk [tilespmem:v52+s16+$0x0], $0xffff;
	v51 =	vadd.s32 v46, v51  }
0x408: {  	v31 =	vld [tilespmem:$0x1FBC0];
	v51 =	vor.u32 v53, v51;
	_ =	sdelay $0x2  }
0x409: {  	v53 =	vadd.s32 v21, v45  }
0x40a: {  	[tilespmem:v54+s21+$0x0] =	vst.idx.msk $0xffff, v52;
	v52 =	vand.u32 $0xFFFFFF80, v53  }
0x40b: {  	v54 =	vor.u32 s29, v31;
	v53 =	vand.u32 $0x7F, v53;
	v51 =	vld.idx.msk [tilespmem:v51+s16+$0x0], $0xffff;
	v52 =	vadd.s32 v46, v52  }
0x40c: {  	v31 =	vld [tilespmem:$0x1FBD0];
	v52 =	vor.u32 v53, v52;
	_ =	sdelay $0x2  }
0x40d: {  	v53 =	vadd.s32 v22, v45  }
0x40e: {  	[tilespmem:v54+s21+$0x0] =	vst.idx.msk $0xffff, v51;
	v51 =	vand.u32 $0xFFFFFF80, v53  }
0x40f: {  	v54 =	vor.u32 s29, v31;
	v53 =	vand.u32 $0x7F, v53;
	v52 =	vld.idx.msk [tilespmem:v52+s16+$0x0], $0xffff;
	v51 =	vadd.s32 v46, v51  }
0x410: {  	v31 =	vld [tilespmem:$0x1FBE0];
	v51 =	vor.u32 v53, v51;
	_ =	sdelay $0x2  }
0x411: {  	v53 =	vadd.s32 v23, v45  }
0x412: {  	[tilespmem:v54+s21+$0x0] =	vst.idx.msk $0xffff, v52;
	v52 =	vand.u32 $0xFFFFFF80, v53  }
0x413: {  	v54 =	vor.u32 s29, v31;
	v53 =	vand.u32 $0x7F, v53;
	v51 =	vld.idx.msk [tilespmem:v51+s16+$0x0], $0xffff;
	v52 =	vadd.s32 v46, v52  }
0x414: {  	v31 =	vld [tilespmem:$0x1FBF0];
	v52 =	vor.u32 v53, v52;
	_ =	sdelay $0x2  }
0x415: {  	v53 =	vadd.s32 v24, v45  }
0x416: {  	[tilespmem:v54+s21+$0x0] =	vst.idx.msk $0xffff, v51;
	v51 =	vand.u32 $0xFFFFFF80, v53  }
0x417: {  	v54 =	vor.u32 s29, v31;
	v53 =	vand.u32 $0x7F, v53;
	v52 =	vld.idx.msk [tilespmem:v52+s16+$0x0], $0xffff;
	v51 =	vadd.s32 v46, v51  }
0x418: {  	v31 =	vld [tilespmem:$0x1FC00];
	v51 =	vor.u32 v53, v51;
	_ =	sdelay $0x2  }
0x419: {  	v53 =	vadd.s32 v25, v45  }
0x41a: {  	[tilespmem:v54+s21+$0x0] =	vst.idx.msk $0xffff, v52;
	v52 =	vand.u32 $0xFFFFFF80, v53  }
0x41b: {  	v54 =	vor.u32 s29, v31;
	v53 =	vand.u32 $0x7F, v53;
	v51 =	vld.idx.msk [tilespmem:v51+s16+$0x0], $0xffff;
	v52 =	vadd.s32 v46, v52  }
0x41c: {  	v31 =	vld [tilespmem:$0x1FC10];
	v52 =	vor.u32 v53, v52;
	_ =	sdelay $0x2  }
0x41d: {  	v53 =	vadd.s32 v26, v45  }
0x41e: {  	[tilespmem:v54+s21+$0x0] =	vst.idx.msk $0xffff, v51;
	v51 =	vand.u32 $0xFFFFFF80, v53  }
0x41f: {  	v54 =	vor.u32 s29, v31;
	v53 =	vand.u32 $0x7F, v53;
	v52 =	vld.idx.msk [tilespmem:v52+s16+$0x0], $0xffff;
	v51 =	vadd.s32 v46, v51  }
0x420: {  	v31 =	vld [tilespmem:$0x1FC20];
	v51 =	vor.u32 v53, v51;
	_ =	sdelay $0x2  }
0x421: {  	v53 =	vadd.s32 v27, v45  }
0x422: {  	[tilespmem:v54+s21+$0x0] =	vst.idx.msk $0xffff, v52;
	v52 =	vand.u32 $0xFFFFFF80, v53  }
0x423: {  	v54 =	vor.u32 s29, v31;
	v53 =	vand.u32 $0x7F, v53;
	v51 =	vld.idx.msk [tilespmem:v51+s16+$0x0], $0xffff;
	v52 =	vadd.s32 v46, v52  }
0x424: {  	v31 =	vld [tilespmem:$0x1FC30];
	v52 =	vor.u32 v53, v52;
	_ =	sdelay $0x2  }
0x425: {  	v53 =	vadd.s32 v28, v45  }
0x426: {  	[tilespmem:v54+s21+$0x0] =	vst.idx.msk $0xffff, v51;
	v51 =	vand.u32 $0xFFFFFF80, v53  }
0x427: {  	v54 =	vor.u32 s29, v31;
	v53 =	vand.u32 $0x7F, v53;
	v52 =	vld.idx.msk [tilespmem:v52+s16+$0x0], $0xffff;
	v51 =	vadd.s32 v46, v51  }
0x428: {  	v51 =	vor.u32 v53, v51;
	_ =	sdelay $0x2  }
0x429: {  	v53 =	vadd.s32 v29, v45  }
0x42a: {  	[tilespmem:v54+s21+$0x0] =	vst.idx.msk $0xffff, v52;
	v52 =	vand.u32 $0xFFFFFF80, v53  }
0x42b: {  	v54 =	vor.u32 s29, v34;
	v53 =	vand.u32 $0x7F, v53;
	v51 =	vld.idx.msk [tilespmem:v51+s16+$0x0], $0xffff;
	v52 =	vadd.s32 v46, v52  }
0x42c: {  	v31 =	vld [tilespmem:$0x1FC40];
	v52 =	vor.u32 v53, v52;
	_ =	sdelay $0x2  }
0x42d: {  	v53 =	vadd.s32 v35, v45  }
0x42e: {  	[tilespmem:v54+s21+$0x0] =	vst.idx.msk $0xffff, v51;
	v51 =	vand.u32 $0xFFFFFF80, v53  }
0x42f: {  	v54 =	vor.u32 s29, v31;
	v53 =	vand.u32 $0x7F, v53;
	v52 =	vld.idx.msk [tilespmem:v52+s16+$0x0], $0xffff;
	v51 =	vadd.s32 v46, v51  }
0x430: {  	v31 =	vld [tilespmem:$0x1FC50];
	v51 =	vor.u32 v53, v51;
	_ =	sdelay $0x2  }
0x431: {  	v53 =	vadd.s32 v36, v45  }
0x432: {  	[tilespmem:v54+s21+$0x0] =	vst.idx.msk $0xffff, v52;
	v52 =	vand.u32 $0xFFFFFF80, v53  }
0x433: {  	v54 =	vor.u32 s29, v31;
	v53 =	vand.u32 $0x7F, v53;
	v51 =	vld.idx.msk [tilespmem:v51+s16+$0x0], $0xffff;
	v52 =	vadd.s32 v46, v52  }
0x434: {  	v31 =	vld [tilespmem:$0x1FC60];
	v52 =	vor.u32 v53, v52;
	_ =	sdelay $0x2  }
0x435: {  	v53 =	vadd.s32 v37, v45  }
0x436: {  	[tilespmem:v54+s21+$0x0] =	vst.idx.msk $0xffff, v51;
	v51 =	vand.u32 $0xFFFFFF80, v53  }
0x437: {  	v54 =	vor.u32 s29, v31;
	v53 =	vand.u32 $0x7F, v53;
	v52 =	vld.idx.msk [tilespmem:v52+s16+$0x0], $0xffff;
	v51 =	vadd.s32 v46, v51  }
0x438: {  	v31 =	vld [tilespmem:$0x1FC70];
	v51 =	vor.u32 v53, v51;
	_ =	sdelay $0x2  }
0x439: {  	v53 =	vadd.s32 v38, v45  }
0x43a: {  	[tilespmem:v54+s21+$0x0] =	vst.idx.msk $0xffff, v52;
	v52 =	vand.u32 $0xFFFFFF80, v53  }
0x43b: {  	v54 =	vor.u32 s29, v31;
	v53 =	vand.u32 $0x7F, v53;
	v51 =	vld.idx.msk [tilespmem:v51+s16+$0x0], $0xffff;
	v52 =	vadd.s32 v46, v52  }
0x43c: {  	v31 =	vld [tilespmem:$0x1FC80];
	v52 =	vor.u32 v53, v52;
	_ =	sdelay $0x2  }
0x43d: {  	v53 =	vadd.s32 v39, v45  }
0x43e: {  	[tilespmem:v54+s21+$0x0] =	vst.idx.msk $0xffff, v51;
	v51 =	vand.u32 $0xFFFFFF80, v53  }
0x43f: {  	v54 =	vor.u32 s29, v31;
	v53 =	vand.u32 $0x7F, v53;
	v52 =	vld.idx.msk [tilespmem:v52+s16+$0x0], $0xffff;
	v51 =	vadd.s32 v46, v51  }
0x440: {  	v31 =	vld [tilespmem:$0x1FC90];
	v51 =	vor.u32 v53, v51;
	_ =	sdelay $0x2  }
0x441: {  	v53 =	vadd.s32 v40, v45  }
0x442: {  	[tilespmem:v54+s21+$0x0] =	vst.idx.msk $0xffff, v52;
	v52 =	vand.u32 $0xFFFFFF80, v53  }
0x443: {  	v54 =	vor.u32 s29, v31;
	v53 =	vand.u32 $0x7F, v53;
	v51 =	vld.idx.msk [tilespmem:v51+s16+$0x0], $0xffff;
	v52 =	vadd.s32 v46, v52  }
0x444: {  	v13 =	vld [tilespmem:$0x1FCA0];
	v52 =	vor.u32 v53, v52;
	_ =	sdelay $0x2  }
0x445: {  	v53 =	vadd.s32 v41, v45  }
0x446: {  	[tilespmem:v54+s21+$0x0] =	vst.idx.msk $0xffff, v51;
	v51 =	vand.u32 $0xFFFFFF80, v53  }
0x447: {  	v54 =	vor.u32 s29, v13;
	v53 =	vand.u32 $0x7F, v53;
	v52 =	vld.idx.msk [tilespmem:v52+s16+$0x0], $0xffff;
	v51 =	vadd.s32 v46, v51  }
0x448: {  	v13 =	vld [tilespmem:$0x1FCB0];
	v51 =	vor.u32 v53, v51;
	_ =	sdelay $0x2  }
0x449: {  	v53 =	vadd.s32 v42, v45  }
0x44a: {  	[tilespmem:v54+s21+$0x0] =	vst.idx.msk $0xffff, v52;
	v52 =	vand.u32 $0xFFFFFF80, v53  }
0x44b: {  	v54 =	vor.u32 s29, v13;
	v53 =	vand.u32 $0x7F, v53;
	v51 =	vld.idx.msk [tilespmem:v51+s16+$0x0], $0xffff;
	v52 =	vadd.s32 v46, v52  }
0x44c: {  	v13 =	vld [tilespmem:$0x1FCC0];
	v52 =	vor.u32 v53, v52;
	_ =	sdelay $0x2  }
0x44d: {  	v53 =	vadd.s32 v43, v45  }
0x44e: {  	[tilespmem:v54+s21+$0x0] =	vst.idx.msk $0xffff, v51;
	v51 =	vand.u32 $0xFFFFFF80, v53  }
0x44f: {  	v54 =	vor.u32 s29, v13;
	v53 =	vand.u32 $0x7F, v53;
	v52 =	vld.idx.msk [tilespmem:v52+s16+$0x0], $0xffff;
	v51 =	vadd.s32 v46, v51  }
0x450: {  	v13 =	vld [tilespmem:$0x1FCD0];
	v51 =	vor.u32 v53, v51;
	_ =	sdelay $0x2  }
0x451: {  	v53 =	vadd.s32 v44, v45  }
0x452: {  	[tilespmem:v54+s21+$0x0] =	vst.idx.msk $0xffff, v52;
	v52 =	vand.u32 $0xFFFFFF80, v53  }
0x453: {  	v54 =	vor.u32 s29, v13;
	v53 =	vand.u32 $0x7F, v53;
	v51 =	vld.idx.msk [tilespmem:v51+s16+$0x0], $0xffff;
	v52 =	vadd.s32 v46, v52  }
0x454: {  	v13 =	vld [tilespmem:$0x1FCE0];
	v52 =	vor.u32 v53, v52;
	_ =	sdelay $0x2  }
0x455: {  	v53 =	vadd.s32 v47, v45  }
0x456: {  	[tilespmem:v54+s21+$0x0] =	vst.idx.msk $0xffff, v51;
	v51 =	vand.u32 $0xFFFFFF80, v53  }
0x457: {  	v54 =	vor.u32 s29, v13;
	v53 =	vand.u32 $0x7F, v53;
	v52 =	vld.idx.msk [tilespmem:v52+s16+$0x0], $0xffff;
	v51 =	vadd.s32 v46, v51  }
0x458: {  	v13 =	vld [tilespmem:$0x1FCF0];
	v51 =	vor.u32 v53, v51;
	_ =	sdelay $0x2  }
0x459: {  	v53 =	vadd.s32 v48, v45  }
0x45a: {  	[tilespmem:v54+s21+$0x0] =	vst.idx.msk $0xffff, v52;
	v52 =	vand.u32 $0xFFFFFF80, v53  }
0x45b: {  	v54 =	vor.u32 s29, v13;
	v53 =	vand.u32 $0x7F, v53;
	v51 =	vld.idx.msk [tilespmem:v51+s16+$0x0], $0xffff;
	v52 =	vadd.s32 v46, v52  }
0x45c: {  	v13 =	vld [tilespmem:$0x1FD00];
	v52 =	vor.u32 v53, v52;
	_ =	sdelay $0x2  }
0x45d: {  	v53 =	vadd.s32 v49, v45  }
0x45e: {  	[tilespmem:v54+s21+$0x0] =	vst.idx.msk $0xffff, v51;
	v51 =	vand.u32 $0xFFFFFF80, v53  }
0x45f: {  	v54 =	vor.u32 s29, v13;
	v53 =	vand.u32 $0x7F, v53;
	v52 =	vld.idx.msk [tilespmem:v52+s16+$0x0], $0xffff;
	v51 =	vadd.s32 v46, v51  }
0x460: {  	v13 =	vld [tilespmem:$0x1FD10];
	v51 =	vor.u32 v53, v51;
	_ =	sdelay $0x2  }
0x461: {  	v45 =	vadd.s32 v50, v45  }
0x462: {  	[tilespmem:v54+s21+$0x0] =	vst.idx.msk $0xffff, v52;
	v52 =	vand.u32 $0xFFFFFF80, v45  }
0x463: {  	v45 =	vand.u32 $0x7F, v45;
	v51 =	vld.idx.msk [tilespmem:v51+s16+$0x0], $0xffff;
	v46 =	vadd.s32 v46, v52;
	v52 =	vor.u32 s29, v13  }
0x464: {  	v13 =	vld [tilespmem:$0x1FD20];
	v45 =	vor.u32 v45, v46;
	_ =	sdelay $0x3  }
0x465: {  	[tilespmem:v52+s21+$0x0] =	vst.idx.msk $0xffff, v51  }
0x466: {  	p0 =	sne.s32 s29, $0x70;
	v54 =	vor.u32 s29, v13;
	v45 =	vld.idx.msk [tilespmem:v45+s16+$0x0], $0xffff  }
.Ltmp5:
0x467: {  	_ = 	snop;
	(pc) =	sbr.rel @p0 .LBB2_11-.Ltmp5, $2  }
0x468: {  	_ =	sdelay $0x2  }
0x469: {  	s30 =	sadd.s32 $0x10, s30;
	s29 =	sadd.s32 $0x10, s29;
	[tilespmem:v54+s21+$0x0] =	vst.idx.msk $0xffff, v45  }
0x46a: {  	s24 =	sadd.s32 $0x1, s24  }
0x46b: {  	p0 =	sne.s32 s24, $0x32  }
.Ltmp6:
0x46c: {  	s28 =	sshll.u32 s28, $0x12;
	(pc) =	sbr.rel @p0 .LBB2_4-.Ltmp6, $4  }
0x46d: {  	v51 =	vld [tilespmem:$0x1FFB0];
	s28 =	sor.u32 s4, s28  }
0x46e: {  	v52 =	vld [tilespmem:$0x1FFC0];
	s28 =	sshrl.u32 s28, $0x3  }
0x46f: {  	s25 =	sadd.s32 $0x100, s25;
	s26 =	sadd.s32 $0x100, s26;
	v53 =	vld [tilespmem:$0x1FFD0];
	s28 =	sadd.s32 s1, s28  }
0x470: {  	v54 =	vld [tilespmem:$0x1FFE0];
	v46 =	vlaneseq.u32;
	[hbm4b:s28+s9] =	stream.strided.scatter [tilespmem:s21], [sflag:$0x4], $0x2000, s10, s9, $0x38  }
0x471: {  	s23 =	sadd.s32 $0x1, s23  }
0x472: {  	_ =	swait.ge [sflag:s22], $0x2000;
	p0 =	sne.s32 s23, s8  }
.Ltmp7:
0x473: {  	[sflag:s22] =	ssyncset.done $0x0;
	(pc) =	sbr.rel @p0 .LBB2_1-.Ltmp7, $4  }
0x474: {  	[sflag:s22] =	ssyncadd.s32 $0xFFFFE000  }
0x475: {  	_ =	swait.ge [sflag:s20], $0x2000  }
0x476: {  	[sflag:s20] =	ssyncset.done $0x0  }
0x477: {  	[sflag:s20] =	ssyncadd.s32 $0xFFFFE000  }
0x478: {  	_ =	sfence.sel $0x180000  }
0x479: {  	[bflag:$0x0] =	sbarrier.arrive $0xFFFF  }
0x47a: {  	p0 =	sne.s32 s2, $0x0;
	_ =	strace $0x90000047  }
0x47b: {  	s0 =	sadd.s32 @!p0 $0x100000, s0;
	[bflag:$0x2] =	sbarrier.arrive $0xFFFF  }
0x47c: {  	[sflag:s0] =	ssyncadd.tile.s32 @!p0 $0x1;
	_ =	shalt  }
.Lfunc_end2:
_tile_overlayer_lowered:
.L_overlay_start_2:
0x47d: {  	(tag) =	ssettag $0x2  }
0x47e: {  	s0 =	rddreg [dreg:$0x0];
	s2 =	stileid.u32  }
0x47f: {  	s1 =	rddreg [dreg:$0x1];
	p0 =	sne.s32 s2, $0x0  }
0x480: {  	s3 =	rddreg [dreg:$0x2];
	[bflag:$0x3] =	sbarrier.arrive $0xFFFF;
	s2 =	simm.s32 @!p0 $0x1C05  }
0x481: {  	[timem:s3], [sflag:s2] =	dma.local @!p0 [hbm:s0], s1  }
0x482: {  	s0 =	simm.s32 @!p0 $0x5  }
0x483: {  	_ =	swait.ge @!p0 [sflag:s0], s1  }
0x484: {  	s1 =	ssub.s32 @!p0 $0x0, s1;
	[sflag:s0] =	ssyncset.done @!p0 $0x0  }
0x485: {  	[sflag:s0] =	ssyncadd.s32 @!p0 s1  }
0x486: {  	[bflag:$0x3] =	sbarrier.arrive $0xFFFF  }
0x487: {  	_ =	shalt  }

</sc_bundles>
